<compile_context>
chip_gen: v7x
topology: tpu7x:2x2x1
jax: 0.10.2.dev20260603
libtpu: 0.0.44.dev20260713+nightly
codegen_flags: <defaults>
</compile_context>

<pallas_src>
import jax
import jax.numpy as jnp
from jax import lax
from jax.experimental import pallas as pl
from jax.experimental.pallas import tpu as pltpu
from jax.experimental.pallas import tpu_sc as plsc

N_U = 5000
N_I = 5000
D = 128
NC = 2
NS = 16
NW = NC * NS
NPAD = 5120
RPT = NPAD // NS
CH = 128

_mesh = plsc.VectorSubcoreMesh(core_axis_name="c", subcore_axis_name="s",
                               num_cores=NC, num_subcores=NS)

f32 = jnp.float32
i32 = jnp.int32


def _fill_zero_2d(ref, rows, cols):
    z = jnp.zeros((16,), f32)

    def body(r, _):
        for j in range(cols // 16):
            ref[r, pl.ds(j * 16, 16)] = z
        return 0

    lax.fori_loop(0, rows, body, 0)


def _zero_acc_rows(zbuf, acc, base, nrows, width):
    full, rem = nrows // CH, nrows % CH
    for k in range(full):
        pltpu.sync_copy(zbuf, acc.at[pl.ds(base + k * CH, CH)])
    if rem:
        pltpu.sync_copy(zbuf.at[pl.ds(0, rem)], acc.at[pl.ds(base + full * CH, rem)])


def _make_mp(e_pad):
    ept = e_pad // NS
    nch = ept // CH

    out_type = jax.ShapeDtypeStruct((2, NPAD, D), f32)
    scratch = [
        pltpu.VMEM_SHARED((NPAD, D), f32),
        pltpu.VMEM((2, 2, CH), i32),
        pltpu.VMEM((CH, D), f32),
        pltpu.VMEM((CH, D), f32),
    ] + [pltpu.SemaphoreType.DMA] * 4

    def body(tab2, idx2, out, acc, ibuf, r0, r1, sg0, sg1, ss0, ss1):
        rr = (r0, r1)
        sg = (sg0, sg1)
        ss = (ss0, ss1)
        c = lax.axis_index("c")
        s = lax.axis_index("s")

        _fill_zero_2d(r0, CH, D)
        base = s * RPT
        _zero_acc_rows(r0, acc, base, RPT, D)
        plsc.subcore_barrier()

        ebase = s * ept
        tab = tab2.at[c]

        def load_idx(b, i):
            pltpu.sync_copy(idx2.at[c, :, pl.ds(ebase + i * CH, CH)], ibuf.at[b])

        def gather(b, rbuf, sem):
            pltpu.async_copy(tab.at[ibuf.at[b, 0]], rbuf, sem)

        def gather_wait(b, rbuf, sem):
            pltpu.make_async_copy(tab.at[ibuf.at[b, 0]], rbuf, sem).wait()

        def scatter(b, rbuf, sem):
            pltpu.async_copy(rbuf, acc.at[ibuf.at[b, 1]], sem, add=True)

        def scatter_wait(b, rbuf, sem):
            pltpu.make_async_copy(rbuf, acc.at[ibuf.at[b, 1]], sem).wait()

        for t in range(2):
            load_idx(t, t)
            gather(t, rr[t], sg[t])

        def pairstep(k, _):
            i = 2 * k
            for t in range(2):
                gather_wait(t, rr[t], sg[t])
                scatter(t, rr[t], ss[t])
            for t in range(2):
                scatter_wait(t, rr[t], ss[t])
                load_idx(t, i + 2 + t)
                gather(t, rr[t], sg[t])
            return 0

        lax.fori_loop(0, nch // 2 - 1, pairstep, 0)
        for t in range(2):
            gather_wait(t, rr[t], sg[t])
            scatter(t, rr[t], ss[t])
        for t in range(2):
            scatter_wait(t, rr[t], ss[t])
        plsc.subcore_barrier()

        pltpu.sync_copy(acc.at[pl.ds(base, RPT)], out.at[c, pl.ds(base, RPT)])

    return pl.kernel(body, out_type=out_type, mesh=_mesh, scratch_types=scratch)


def _make_counts(e_pad):
    ept = e_pad // NW
    nch = ept // 16

    out_type = [
        jax.ShapeDtypeStruct((NC, NS, NPAD), f32),
        jax.ShapeDtypeStruct((NC, NS, NPAD), f32),
    ]
    scratch = [
        pltpu.VMEM((NPAD,), f32),
        pltpu.VMEM((NPAD,), f32),
        pltpu.VMEM((ept,), i32),
        pltpu.VMEM((ept,), i32),
    ]

    def body(src_s, dst_s, cA, cB, hd, hs, sv, dv):
        c = lax.axis_index("c")
        s = lax.axis_index("s")
        ebase = c * (e_pad // NC) + s * ept
        pltpu.sync_copy(src_s.at[pl.ds(ebase, ept)], sv)
        pltpu.sync_copy(dst_s.at[pl.ds(ebase, ept)], dv)

        def z(j, _):
            hd[pl.ds(j * 16, 16)] = jnp.zeros((16,), f32)
            hs[pl.ds(j * 16, 16)] = jnp.zeros((16,), f32)
            return 0

        lax.fori_loop(0, NPAD // 16, z, 0)
        ones = jnp.ones((16,), f32)

        def step(i, _):
            plsc.addupdate_scatter(hd, [dv[pl.ds(i * 16, 16)]], ones)
            plsc.addupdate_scatter(hs, [sv[pl.ds(i * 16, 16)]], ones)
            return 0

        lax.fori_loop(0, nch, step, 0)
        pltpu.sync_copy(hd, cA.at[c, s])
        pltpu.sync_copy(hs, cB.at[c, s])

    return pl.kernel(
        body, out_type=out_type, mesh=_mesh, scratch_types=scratch,
        compiler_params=pltpu.CompilerParams(needs_layout_passes=False))


def _tc0_body(uf, itf, pmp, cu, ci, w2a, w2b, b2, w3a, w3b, b3, tab1):
    dn = (((1,), (1,)), ((), ()))
    degu = jnp.clip(jnp.sum(cu[...], axis=(0, 1))[:N_U], 1.0, None)
    degi = jnp.clip(jnp.sum(ci[...], axis=(0, 1))[:N_I], 1.0, None)
    hu = pmp[1, :N_U, :] / degu[:, None]
    hi = pmp[0, :N_I, :] / degi[:, None]
    tab1[0] = (lax.dot_general(uf[...], w2a[...], dn, preferred_element_type=f32)
               + lax.dot_general(hu, w2b[...], dn, preferred_element_type=f32)
               + b2[...][None, :])
    tab1[1] = (lax.dot_general(itf[...], w3a[...], dn, preferred_element_type=f32)
               + lax.dot_general(hi, w3b[...], dn, preferred_element_type=f32)
               + b3[...][None, :])


def _tc1_body(tab1, pmp, cu, ci, w4a, w4b, b4, w5a, w5b, b5,
              wpu, wpi, bp, su, si):
    dn_nt = (((1,), (1,)), ((), ()))
    dn_nn = (((1,), (0,)), ((), ()))
    degu = jnp.clip(jnp.sum(cu[...], axis=(0, 1))[:N_U], 1.0, None)
    degi = jnp.clip(jnp.sum(ci[...], axis=(0, 1))[:N_I], 1.0, None)
    hu = pmp[1, :N_U, :] / degu[:, None]
    hi = pmp[0, :N_I, :] / degi[:, None]
    ku1 = lax.dot_general(wpu[...], w4a[...], dn_nn, preferred_element_type=f32)
    ku2 = lax.dot_general(wpu[...], w4b[...], dn_nn, preferred_element_type=f32)
    ki1 = lax.dot_general(wpi[...], w5a[...], dn_nn, preferred_element_type=f32)
    ki2 = lax.dot_general(wpi[...], w5b[...], dn_nn, preferred_element_type=f32)
    cu_const = (lax.dot_general(wpu[...], b4[...][None, :], dn_nt,
                                preferred_element_type=f32) + bp[...][:, None])
    ci_const = lax.dot_general(wpi[...], b5[...][None, :], dn_nt,
                               preferred_element_type=f32)
    su[...] = (lax.dot_general(ku1, tab1[0], dn_nt, preferred_element_type=f32)
               + lax.dot_general(ku2, hu, dn_nt, preferred_element_type=f32)
               + cu_const)
    si[...] = (lax.dot_general(ki1, tab1[1], dn_nt, preferred_element_type=f32)
               + lax.dot_general(ki2, hi, dn_nt, preferred_element_type=f32)
               + ci_const)


def _make_score(e_pad):
    ept = e_pad // NW
    nch = ept // 16

    out_type = jax.ShapeDtypeStruct((e_pad * 2,), f32)
    scratch = [
        pltpu.VMEM((N_U,), f32),
        pltpu.VMEM((N_U,), f32),
        pltpu.VMEM((N_I,), f32),
        pltpu.VMEM((N_I,), f32),
        pltpu.VMEM((ept,), i32),
        pltpu.VMEM((ept,), i32),
        pltpu.VMEM((ept * 2,), f32),
    ]

    def body(su, si, src_g, dst_g, out, su0, su1, si0, si1, sv, dv, ov):
        c = lax.axis_index("c")
        s = lax.axis_index("s")
        ebase = c * (e_pad // NC) + s * ept
        pltpu.sync_copy(su.at[0], su0)
        pltpu.sync_copy(su.at[1], su1)
        pltpu.sync_copy(si.at[0], si0)
        pltpu.sync_copy(si.at[1], si1)
        pltpu.sync_copy(src_g.at[pl.ds(ebase, ept)], sv)
        pltpu.sync_copy(dst_g.at[pl.ds(ebase, ept)], dv)
        iota = lax.iota(i32, 16)

        def step(i, _):
            sidx = sv[pl.ds(i * 16, 16)]
            didx = dv[pl.ds(i * 16, 16)]
            s0 = plsc.load_gather(su0, [sidx]) + plsc.load_gather(si0, [didx])
            s1 = plsc.load_gather(su1, [sidx]) + plsc.load_gather(si1, [didx])
            pos = i * 32 + iota * 2
            plsc.store_scatter(ov, [pos], s0)
            plsc.store_scatter(ov, [pos + 1], s1)
            return 0

        lax.fori_loop(0, nch, step, 0)
        pltpu.sync_copy(ov, out.at[pl.ds(ebase * 2, ept * 2)])

    return pl.kernel(
        body, out_type=out_type, mesh=_mesh, scratch_types=scratch,
        compiler_params=pltpu.CompilerParams(needs_layout_passes=False))


def kernel(user_features, item_features, edge_index,
           W2, b2, W3, b3, W4, b4, W5, b5, Wp, bp):
    E = edge_index.shape[1]
    grain = NS * CH * 2
    e_pad = ((E + grain - 1) // grain) * grain
    pad = e_pad - E

    src = edge_index[0]
    dst = edge_index[1]
    zpad = jnp.zeros((pad,), i32)
    jpad = jnp.full((pad,), N_U, i32)
    src_g = jnp.concatenate([src, zpad])
    dst_g = jnp.concatenate([dst, zpad])
    src_s = jnp.concatenate([src, jpad])
    dst_s = jnp.concatenate([dst, jpad])
    idx2 = jnp.stack([jnp.stack([src_g, dst_s]), jnp.stack([dst_g, src_s])])

    w2a, w2b = W2[:, :D], W2[:, D:]
    w3a, w3b = W3[:, :D], W3[:, D:]
    w4a, w4b = W4[:, :D], W4[:, D:]
    w5a, w5b = W5[:, :D], W5[:, D:]
    wpu, wpi = Wp[:, :D], Wp[:, D:]

    mp = _make_mp(e_pad)
    counts_k = _make_counts(e_pad)
    score_k = _make_score(e_pad)

    ci, cu = counts_k(src_s, dst_s)
    pmp1 = mp(jnp.stack([user_features, item_features]), idx2)

    tc0 = pl.pallas_call(
        _tc0_body,
        out_shape=jax.ShapeDtypeStruct((2, N_U, D), f32),
    )
    tab1 = tc0(user_features, item_features, pmp1, cu, ci,
               w2a, w2b, b2, w3a, w3b, b3)

    pmp2 = mp(tab1, idx2)

    tc1 = pl.pallas_call(
        _tc1_body,
        out_shape=[jax.ShapeDtypeStruct((2, N_U), f32),
                   jax.ShapeDtypeStruct((2, N_I), f32)],
    )
    su, si = tc1(tab1, pmp2, cu, ci,
                 w4a, w4b, b4, w5a, w5b, b5, wpu, wpi, bp)

    flat = score_k(su, si, src_g, dst_g)
    return flat.reshape(e_pad, 2)[:E]

# --- scband reference (transcript-rebuilt; emitter-appended) ---
"""Pipeline reference for scband-graph-sage-20014547599540 (READ-ONLY COPY).

The authoritative reference and input builder live on the scoring server;
editing this copy changes nothing except your own understanding.
"""

import jax, jax.numpy as jnp
import numpy as np

N_USER = 5000
N_ITEM = 5000
E = 320000
D = 128  # h_feats_0 == h_feats_1 == D; in_feats == 2*D


def _linear_params(key, out_f, in_f):
    kw, kb = jax.random.split(key)
    bound = 1.0 / np.sqrt(in_f)
    W = jax.random.uniform(kw, (out_f, in_f), jnp.float32, -bound, bound)
    b = jax.random.uniform(kb, (out_f,), jnp.float32, -bound, bound)
    return W, b


def setup_inputs(seed: int = 0) -> dict:
    key = jax.random.key(seed)
    ks = jax.random.split(key, 10)
    user_features = jax.random.normal(ks[0], (N_USER, D), jnp.float32)
    item_features = jax.random.normal(ks[1], (N_ITEM, D), jnp.float32)
    src = jax.random.randint(ks[2], (E,), 0, N_USER)
    dst = jax.random.randint(ks[3], (E,), 0, N_ITEM)
    edge_index = jnp.stack([src, dst]).astype(jnp.int32)
    W2, b2 = _linear_params(ks[4], D, 2 * D)  # conv2: user, k=0
    W3, b3 = _linear_params(ks[5], D, 2 * D)  # conv3: item, k=0
    W4, b4 = _linear_params(ks[6], D, 2 * D)  # conv4: user, k=1
    W5, b5 = _linear_params(ks[7], D, 2 * D)  # conv5: item, k=1
    Wp, bp = _linear_params(ks[8], 2, 2 * D)  # MLPPredictor.W
    return {
        'user_features': user_features,
        'item_features': item_features,
        'edge_index': edge_index,
        'W2': W2, 'b2': b2, 'W3': W3, 'b3': b3,
        'W4': W4, 'b4': b4, 'W5': W5, 'b5': b5,
        'Wp': Wp, 'bp': bp,
    }


def _segment_mean(vals, seg, num_segments):
    s = jax.ops.segment_sum(vals, seg, num_segments=num_segments)
    c = jax.ops.segment_sum(jnp.ones((seg.shape[0], 1), vals.dtype), seg,
                            num_segments=num_segments)
    return s / jnp.clip(c, 1.0, None)


def reference(user_features, item_features, edge_index,
              W2, b2, W3, b3, W4, b4, W5, b5, Wp, bp):
    src = edge_index[0]
    dst = edge_index[1]
    uf = user_features
    itf = item_features
    for k in range(2):
        # multi_update_all: copy_u('features') -> mean over in-edges
        # 'evaluate': user -> item ; 'evaluated': item -> user (reverse)
        h_item = _segment_mean(uf[src], dst, N_ITEM)
        h_user = _segment_mean(itf[dst], src, N_USER)
        cat_u = jnp.concatenate([uf, h_user], axis=1)
        cat_i = jnp.concatenate([itf, h_item], axis=1)
        if k == 0:
            uf = cat_u @ W2.T + b2
            itf = cat_i @ W3.T + b3
        else:
            uf = cat_u @ W4.T + b4
            itf = cat_i @ W5.T + b5
    # MLPPredictor over user->item edges: score = W([h_u(src) ; h_i(dst)])
    feat = jnp.concatenate([uf[src], itf[dst]], axis=1)
    score = feat @ Wp.T + bp
    return score

if __name__ == "__main__":
    import jax
    _d = setup_inputs()
    print(jax.jit(kernel)(*tuple(_d.values())))

</pallas_src>

<mosaic_0001>
#map = affine_map<(d0, d1) -> (0, 0)>
#map1 = affine_map<(d0, d1) -> (0)>
module attributes {stable_mosaic.version = 14 : i64} {
  func.func @body(%arg0: i32, %arg1: i32, %arg2: memref<2x5000xf32, #tpu.memory_space<hbm>>, %arg3: memref<2x5000xf32, #tpu.memory_space<hbm>>, %arg4: memref<323584xi32, #tpu.memory_space<hbm>>, %arg5: memref<323584xi32, #tpu.memory_space<hbm>>, %arg6: memref<647168xf32, #tpu.memory_space<hbm>>, %arg7: memref<5000xf32, #tpu.memory_space<vmem>>, %arg8: memref<5000xf32, #tpu.memory_space<vmem>>, %arg9: memref<5000xf32, #tpu.memory_space<vmem>>, %arg10: memref<5000xf32, #tpu.memory_space<vmem>>, %arg11: memref<10112xi32, #tpu.memory_space<vmem>>, %arg12: memref<10112xi32, #tpu.memory_space<vmem>>, %arg13: memref<20224xf32, #tpu.memory_space<vmem>>) attributes {dimension_semantics = [#tpu.dimension_semantics<core_parallel>, #tpu.dimension_semantics<subcore_parallel>], iteration_bounds = array<i64: 2, 16>, scalar_prefetch = 0 : i64, scratch_operands = 7 : i64, tpu.core_type = #tpu.core_type<sc_vector_subcore>, window_params = [{transform_indices = #map}, {transform_indices = #map}, {transform_indices = #map1}, {transform_indices = #map1}, {transform_indices = #map1}]} {
    %mul3A = arith.constant 161792 : i32
    %mul3A_0 = arith.muli %arg0, %mul3A : i32
    %mul3A_1 = arith.constant 10112 : i32
    %mul3A_2 = arith.muli %arg1, %mul3A_1 : i32
    %add3A = arith.addi %mul3A_0, %mul3A_2 : i32
    %run_scoped3A = arith.constant 0 : i32
    "tpu.region"() ({
      %run_scoped3A_14 = tpu.sem_alloc : memref<!tpu.dma_semaphore, #tpu.memory_space<semaphore_mem>>
      %dma_start3A = arith.constant 0 : i32
      %dma_start3A_15 = tpu.memref_slice %arg2[%run_scoped3A, %dma_start3A] : memref<2x5000xf32, #tpu.memory_space<hbm>> -> memref<1x5000xf32, #tpu.memory_space<hbm>>
      %dma_start3A_16 = tpu.memref_squeeze %dma_start3A_15 : memref<1x5000xf32, #tpu.memory_space<hbm>> -> memref<5000xf32, #tpu.memory_space<hbm>>
      %dma_start3A_17 = arith.constant 0 : i32
      %dma_start3A_18 = tpu.memref_slice %arg2[%run_scoped3A, %dma_start3A_17] : memref<2x5000xf32, #tpu.memory_space<hbm>> -> memref<1x5000xf32, #tpu.memory_space<hbm>>
      %dma_start3A_19 = tpu.memref_squeeze %dma_start3A_18 : memref<1x5000xf32, #tpu.memory_space<hbm>> -> memref<5000xf32, #tpu.memory_space<hbm>>
      tpu.enqueue_dma source(%dma_start3A_19 : memref<5000xf32, #tpu.memory_space<hbm>>) target(%arg7 : memref<5000xf32, #tpu.memory_space<vmem>>) target_semaphore(%run_scoped3A_14 : memref<!tpu.dma_semaphore, #tpu.memory_space<semaphore_mem>>)
      %dma_wait3A = arith.constant 0 : i32
      %dma_wait3A_20 = tpu.memref_slice %arg2[%run_scoped3A, %dma_wait3A] : memref<2x5000xf32, #tpu.memory_space<hbm>> -> memref<1x5000xf32, #tpu.memory_space<hbm>>
      %dma_wait3A_21 = tpu.memref_squeeze %dma_wait3A_20 : memref<1x5000xf32, #tpu.memory_space<hbm>> -> memref<5000xf32, #tpu.memory_space<hbm>>
      %dma_wait3A_22 = arith.constant 0 : i32
      %dma_wait3A_23 = tpu.memref_slice %arg2[%run_scoped3A, %dma_wait3A_22] : memref<2x5000xf32, #tpu.memory_space<hbm>> -> memref<1x5000xf32, #tpu.memory_space<hbm>>
      %dma_wait3A_24 = tpu.memref_squeeze %dma_wait3A_23 : memref<1x5000xf32, #tpu.memory_space<hbm>> -> memref<5000xf32, #tpu.memory_space<hbm>>
      tpu.wait_dma2 semaphore(%run_scoped3A_14 : memref<!tpu.dma_semaphore, #tpu.memory_space<semaphore_mem>>) src(%dma_wait3A_24 : memref<5000xf32, #tpu.memory_space<hbm>>) dst(%arg7 : memref<5000xf32, #tpu.memory_space<vmem>>)
      tpu.yield
    }) : () -> ()
    %run_scoped3A_3 = arith.constant 1 : i32
    "tpu.region"() ({
      %run_scoped3A_14 = tpu.sem_alloc : memref<!tpu.dma_semaphore, #tpu.memory_space<semaphore_mem>>
      %dma_start3A = arith.constant 0 : i32
      %dma_start3A_15 = tpu.memref_slice %arg2[%run_scoped3A_3, %dma_start3A] : memref<2x5000xf32, #tpu.memory_space<hbm>> -> memref<1x5000xf32, #tpu.memory_space<hbm>>
      %dma_start3A_16 = tpu.memref_squeeze %dma_start3A_15 : memref<1x5000xf32, #tpu.memory_space<hbm>> -> memref<5000xf32, #tpu.memory_space<hbm>>
      %dma_start3A_17 = arith.constant 0 : i32
      %dma_start3A_18 = tpu.memref_slice %arg2[%run_scoped3A_3, %dma_start3A_17] : memref<2x5000xf32, #tpu.memory_space<hbm>> -> memref<1x5000xf32, #tpu.memory_space<hbm>>
      %dma_start3A_19 = tpu.memref_squeeze %dma_start3A_18 : memref<1x5000xf32, #tpu.memory_space<hbm>> -> memref<5000xf32, #tpu.memory_space<hbm>>
      tpu.enqueue_dma source(%dma_start3A_19 : memref<5000xf32, #tpu.memory_space<hbm>>) target(%arg8 : memref<5000xf32, #tpu.memory_space<vmem>>) target_semaphore(%run_scoped3A_14 : memref<!tpu.dma_semaphore, #tpu.memory_space<semaphore_mem>>)
      %dma_wait3A = arith.constant 0 : i32
      %dma_wait3A_20 = tpu.memref_slice %arg2[%run_scoped3A_3, %dma_wait3A] : memref<2x5000xf32, #tpu.memory_space<hbm>> -> memref<1x5000xf32, #tpu.memory_space<hbm>>
      %dma_wait3A_21 = tpu.memref_squeeze %dma_wait3A_20 : memref<1x5000xf32, #tpu.memory_space<hbm>> -> memref<5000xf32, #tpu.memory_space<hbm>>
      %dma_wait3A_22 = arith.constant 0 : i32
      %dma_wait3A_23 = tpu.memref_slice %arg2[%run_scoped3A_3, %dma_wait3A_22] : memref<2x5000xf32, #tpu.memory_space<hbm>> -> memref<1x5000xf32, #tpu.memory_space<hbm>>
      %dma_wait3A_24 = tpu.memref_squeeze %dma_wait3A_23 : memref<1x5000xf32, #tpu.memory_space<hbm>> -> memref<5000xf32, #tpu.memory_space<hbm>>
      tpu.wait_dma2 semaphore(%run_scoped3A_14 : memref<!tpu.dma_semaphore, #tpu.memory_space<semaphore_mem>>) src(%dma_wait3A_24 : memref<5000xf32, #tpu.memory_space<hbm>>) dst(%arg8 : memref<5000xf32, #tpu.memory_space<vmem>>)
      tpu.yield
    }) : () -> ()
    %run_scoped3A_4 = arith.constant 0 : i32
    "tpu.region"() ({
      %run_scoped3A_14 = tpu.sem_alloc : memref<!tpu.dma_semaphore, #tpu.memory_space<semaphore_mem>>
      %dma_start3A = arith.constant 0 : i32
      %dma_start3A_15 = tpu.memref_slice %arg3[%run_scoped3A_4, %dma_start3A] : memref<2x5000xf32, #tpu.memory_space<hbm>> -> memref<1x5000xf32, #tpu.memory_space<hbm>>
      %dma_start3A_16 = tpu.memref_squeeze %dma_start3A_15 : memref<1x5000xf32, #tpu.memory_space<hbm>> -> memref<5000xf32, #tpu.memory_space<hbm>>
      %dma_start3A_17 = arith.constant 0 : i32
      %dma_start3A_18 = tpu.memref_slice %arg3[%run_scoped3A_4, %dma_start3A_17] : memref<2x5000xf32, #tpu.memory_space<hbm>> -> memref<1x5000xf32, #tpu.memory_space<hbm>>
      %dma_start3A_19 = tpu.memref_squeeze %dma_start3A_18 : memref<1x5000xf32, #tpu.memory_space<hbm>> -> memref<5000xf32, #tpu.memory_space<hbm>>
      tpu.enqueue_dma source(%dma_start3A_19 : memref<5000xf32, #tpu.memory_space<hbm>>) target(%arg9 : memref<5000xf32, #tpu.memory_space<vmem>>) target_semaphore(%run_scoped3A_14 : memref<!tpu.dma_semaphore, #tpu.memory_space<semaphore_mem>>)
      %dma_wait3A = arith.constant 0 : i32
      %dma_wait3A_20 = tpu.memref_slice %arg3[%run_scoped3A_4, %dma_wait3A] : memref<2x5000xf32, #tpu.memory_space<hbm>> -> memref<1x5000xf32, #tpu.memory_space<hbm>>
      %dma_wait3A_21 = tpu.memref_squeeze %dma_wait3A_20 : memref<1x5000xf32, #tpu.memory_space<hbm>> -> memref<5000xf32, #tpu.memory_space<hbm>>
      %dma_wait3A_22 = arith.constant 0 : i32
      %dma_wait3A_23 = tpu.memref_slice %arg3[%run_scoped3A_4, %dma_wait3A_22] : memref<2x5000xf32, #tpu.memory_space<hbm>> -> memref<1x5000xf32, #tpu.memory_space<hbm>>
      %dma_wait3A_24 = tpu.memref_squeeze %dma_wait3A_23 : memref<1x5000xf32, #tpu.memory_space<hbm>> -> memref<5000xf32, #tpu.memory_space<hbm>>
      tpu.wait_dma2 semaphore(%run_scoped3A_14 : memref<!tpu.dma_semaphore, #tpu.memory_space<semaphore_mem>>) src(%dma_wait3A_24 : memref<5000xf32, #tpu.memory_space<hbm>>) dst(%arg9 : memref<5000xf32, #tpu.memory_space<vmem>>)
      tpu.yield
    }) : () -> ()
    %run_scoped3A_5 = arith.constant 1 : i32
    "tpu.region"() ({
      %run_scoped3A_14 = tpu.sem_alloc : memref<!tpu.dma_semaphore, #tpu.memory_space<semaphore_mem>>
      %dma_start3A = arith.constant 0 : i32
      %dma_start3A_15 = tpu.memref_slice %arg3[%run_scoped3A_5, %dma_start3A] : memref<2x5000xf32, #tpu.memory_space<hbm>> -> memref<1x5000xf32, #tpu.memory_space<hbm>>
      %dma_start3A_16 = tpu.memref_squeeze %dma_start3A_15 : memref<1x5000xf32, #tpu.memory_space<hbm>> -> memref<5000xf32, #tpu.memory_space<hbm>>
      %dma_start3A_17 = arith.constant 0 : i32
      %dma_start3A_18 = tpu.memref_slice %arg3[%run_scoped3A_5, %dma_start3A_17] : memref<2x5000xf32, #tpu.memory_space<hbm>> -> memref<1x5000xf32, #tpu.memory_space<hbm>>
      %dma_start3A_19 = tpu.memref_squeeze %dma_start3A_18 : memref<1x5000xf32, #tpu.memory_space<hbm>> -> memref<5000xf32, #tpu.memory_space<hbm>>
      tpu.enqueue_dma source(%dma_start3A_19 : memref<5000xf32, #tpu.memory_space<hbm>>) target(%arg10 : memref<5000xf32, #tpu.memory_space<vmem>>) target_semaphore(%run_scoped3A_14 : memref<!tpu.dma_semaphore, #tpu.memory_space<semaphore_mem>>)
      %dma_wait3A = arith.constant 0 : i32
      %dma_wait3A_20 = tpu.memref_slice %arg3[%run_scoped3A_5, %dma_wait3A] : memref<2x5000xf32, #tpu.memory_space<hbm>> -> memref<1x5000xf32, #tpu.memory_space<hbm>>
      %dma_wait3A_21 = tpu.memref_squeeze %dma_wait3A_20 : memref<1x5000xf32, #tpu.memory_space<hbm>> -> memref<5000xf32, #tpu.memory_space<hbm>>
      %dma_wait3A_22 = arith.constant 0 : i32
      %dma_wait3A_23 = tpu.memref_slice %arg3[%run_scoped3A_5, %dma_wait3A_22] : memref<2x5000xf32, #tpu.memory_space<hbm>> -> memref<1x5000xf32, #tpu.memory_space<hbm>>
      %dma_wait3A_24 = tpu.memref_squeeze %dma_wait3A_23 : memref<1x5000xf32, #tpu.memory_space<hbm>> -> memref<5000xf32, #tpu.memory_space<hbm>>
      tpu.wait_dma2 semaphore(%run_scoped3A_14 : memref<!tpu.dma_semaphore, #tpu.memory_space<semaphore_mem>>) src(%dma_wait3A_24 : memref<5000xf32, #tpu.memory_space<hbm>>) dst(%arg10 : memref<5000xf32, #tpu.memory_space<vmem>>)
      tpu.yield
    }) : () -> ()
    "tpu.region"() ({
      %run_scoped3A_14 = tpu.sem_alloc : memref<!tpu.dma_semaphore, #tpu.memory_space<semaphore_mem>>
      %dma_start3A = tpu.memref_slice %arg4[%add3A] : memref<323584xi32, #tpu.memory_space<hbm>> -> memref<10112xi32, #tpu.memory_space<hbm>>
      %dma_start3A_15 = tpu.memref_slice %arg4[%add3A] : memref<323584xi32, #tpu.memory_space<hbm>> -> memref<10112xi32, #tpu.memory_space<hbm>>
      tpu.enqueue_dma source(%dma_start3A_15 : memref<10112xi32, #tpu.memory_space<hbm>>) target(%arg11 : memref<10112xi32, #tpu.memory_space<vmem>>) target_semaphore(%run_scoped3A_14 : memref<!tpu.dma_semaphore, #tpu.memory_space<semaphore_mem>>)
      %dma_wait3A = tpu.memref_slice %arg4[%add3A] : memref<323584xi32, #tpu.memory_space<hbm>> -> memref<10112xi32, #tpu.memory_space<hbm>>
      %dma_wait3A_16 = tpu.memref_slice %arg4[%add3A] : memref<323584xi32, #tpu.memory_space<hbm>> -> memref<10112xi32, #tpu.memory_space<hbm>>
      tpu.wait_dma2 semaphore(%run_scoped3A_14 : memref<!tpu.dma_semaphore, #tpu.memory_space<semaphore_mem>>) src(%dma_wait3A_16 : memref<10112xi32, #tpu.memory_space<hbm>>) dst(%arg11 : memref<10112xi32, #tpu.memory_space<vmem>>)
      tpu.yield
    }) : () -> ()
    "tpu.region"() ({
      %run_scoped3A_14 = tpu.sem_alloc : memref<!tpu.dma_semaphore, #tpu.memory_space<semaphore_mem>>
      %dma_start3A = tpu.memref_slice %arg5[%add3A] : memref<323584xi32, #tpu.memory_space<hbm>> -> memref<10112xi32, #tpu.memory_space<hbm>>
      %dma_start3A_15 = tpu.memref_slice %arg5[%add3A] : memref<323584xi32, #tpu.memory_space<hbm>> -> memref<10112xi32, #tpu.memory_space<hbm>>
      tpu.enqueue_dma source(%dma_start3A_15 : memref<10112xi32, #tpu.memory_space<hbm>>) target(%arg12 : memref<10112xi32, #tpu.memory_space<vmem>>) target_semaphore(%run_scoped3A_14 : memref<!tpu.dma_semaphore, #tpu.memory_space<semaphore_mem>>)
      %dma_wait3A = tpu.memref_slice %arg5[%add3A] : memref<323584xi32, #tpu.memory_space<hbm>> -> memref<10112xi32, #tpu.memory_space<hbm>>
      %dma_wait3A_16 = tpu.memref_slice %arg5[%add3A] : memref<323584xi32, #tpu.memory_space<hbm>> -> memref<10112xi32, #tpu.memory_space<hbm>>
      tpu.wait_dma2 semaphore(%run_scoped3A_14 : memref<!tpu.dma_semaphore, #tpu.memory_space<semaphore_mem>>) src(%dma_wait3A_16 : memref<10112xi32, #tpu.memory_space<hbm>>) dst(%arg12 : memref<10112xi32, #tpu.memory_space<vmem>>)
      tpu.yield
    }) : () -> ()
    %iota3A = tpu.iota {dimensions = array<i32: 0>} : vector<16xi32>
    %scan3A = arith.constant 0 : i32
    %scan3A_6 = arith.constant 0 : i32
    %scan3A_7 = arith.constant 632 : i32
    %scan3A_8 = arith.addi %scan3A_6, %scan3A_7 : i32
    %scan3A_9 = arith.constant 1 : i32
    %scan3A_10 = scf.for %scan3A_14 = %scan3A_6 to %scan3A_8 step %scan3A_9 iter_args(%scan3A_15 = %scan3A) -> (i32)  : i32 {
      %mul3A_16 = arith.constant 16 : i32
      %mul3A_17 = arith.muli %scan3A_14, %mul3A_16 : i32
      %get3A = arith.index_cast %mul3A_17 : i32 to index
      %get3A_18 = tpu.vector_load %arg11[%get3A] {strides = array<i32>} : memref<10112xi32, #tpu.memory_space<vmem>>, vector<16xi32>,
      %mul3A_19 = arith.constant 16 : i32
      %mul3A_20 = arith.muli %scan3A_14, %mul3A_19 : i32
      %get3A_21 = arith.index_cast %mul3A_20 : i32 to index
      %get3A_22 = tpu.vector_load %arg12[%get3A_21] {strides = array<i32>} : memref<10112xi32, #tpu.memory_space<vmem>>, vector<16xi32>,
      %gather3A = tpu.vector_load_idx %arg7[%get3A_18] : memref<5000xf32, #tpu.memory_space<vmem>>[vector<16xi32>], vector<16xf32>,
      %gather3A_23 = tpu.vector_load_idx %arg9[%get3A_22] : memref<5000xf32, #tpu.memory_space<vmem>>[vector<16xi32>], vector<16xf32>,
      %add3A_24 = arith.addf %gather3A, %gather3A_23 : vector<16xf32>
      %gather3A_25 = tpu.vector_load_idx %arg8[%get3A_18] : memref<5000xf32, #tpu.memory_space<vmem>>[vector<16xi32>], vector<16xf32>,
      %gather3A_26 = tpu.vector_load_idx %arg10[%get3A_22] : memref<5000xf32, #tpu.memory_space<vmem>>[vector<16xi32>], vector<16xf32>,
      %add3A_27 = arith.addf %gather3A_25, %gather3A_26 : vector<16xf32>
      %mul3A_28 = arith.constant 32 : i32
      %mul3A_29 = arith.muli %scan3A_14, %mul3A_28 : i32
      %mul3A_30 = arith.constant 2 : i32
      %mul3A_31 = vector.broadcast %mul3A_30 : i32 to vector<16xi32>
      %mul3A_32 = arith.muli %iota3A, %mul3A_31 : vector<16xi32>
      %add3A_33 = vector.broadcast %mul3A_29 : i32 to vector<16xi32>
      %add3A_34 = arith.addi %add3A_33, %mul3A_32 : vector<16xi32>
      tpu.vector_store_idx %arg13[%add3A_34], %add3A_24 : memref<20224xf32, #tpu.memory_space<vmem>>[vector<16xi32>], vector<16xf32>,
      %add3A_35 = arith.constant 1 : i32
      %add3A_36 = vector.broadcast %add3A_35 : i32 to vector<16xi32>
      %add3A_37 = arith.addi %add3A_34, %add3A_36 : vector<16xi32>
      tpu.vector_store_idx %arg13[%add3A_37], %add3A_27 : memref<20224xf32, #tpu.memory_space<vmem>>[vector<16xi32>], vector<16xf32>,
      %scan3A_38 = arith.constant 0 : i32
      scf.yield %scan3A_38 : i32
    }
    %scan3A_11 = arith.constant 632 : i32
    %mul3A_12 = arith.constant 2 : i32
    %mul3A_13 = arith.muli %add3A, %mul3A_12 : i32
    "tpu.region"() ({
      %run_scoped3A_14 = tpu.sem_alloc : memref<!tpu.dma_semaphore, #tpu.memory_space<semaphore_mem>>
      %dma_start3A = tpu.memref_slice %arg6[%mul3A_13] : memref<647168xf32, #tpu.memory_space<hbm>> -> memref<20224xf32, #tpu.memory_space<hbm>>
      %dma_start3A_15 = tpu.memref_slice %arg6[%mul3A_13] : memref<647168xf32, #tpu.memory_space<hbm>> -> memref<20224xf32, #tpu.memory_space<hbm>>
      tpu.enqueue_dma source(%arg13 : memref<20224xf32, #tpu.memory_space<vmem>>) target(%dma_start3A_15 : memref<20224xf32, #tpu.memory_space<hbm>>) target_semaphore(%run_scoped3A_14 : memref<!tpu.dma_semaphore, #tpu.memory_space<semaphore_mem>>)
      %dma_wait3A = tpu.memref_slice %arg6[%mul3A_13] : memref<647168xf32, #tpu.memory_space<hbm>> -> memref<20224xf32, #tpu.memory_space<hbm>>
      %dma_wait3A_16 = tpu.memref_slice %arg6[%mul3A_13] : memref<647168xf32, #tpu.memory_space<hbm>> -> memref<20224xf32, #tpu.memory_space<hbm>>
      tpu.wait_dma2 semaphore(%run_scoped3A_14 : memref<!tpu.dma_semaphore, #tpu.memory_space<semaphore_mem>>) src(%arg13 : memref<20224xf32, #tpu.memory_space<vmem>>) dst(%dma_wait3A_16 : memref<20224xf32, #tpu.memory_space<hbm>>)
      tpu.yield
    }) : () -> ()
    return
  }
}

#map = affine_map<(d0, d1) -> (0, 0, 0)>
module attributes {stable_mosaic.version = 14 : i64} {
  func.func @body(%arg0: i32, %arg1: i32, %arg2: memref<2x5000x128xf32, #tpu.memory_space<hbm>>, %arg3: memref<2x2x323584xi32, #tpu.memory_space<hbm>>, %arg4: memref<2x5120x128xf32, #tpu.memory_space<hbm>>, %arg5: memref<5120x128xf32, #tpu.memory_space<vmem_shared>>, %arg6: memref<2x2x128xi32, #tpu.memory_space<vmem>>, %arg7: memref<128x128xf32, #tpu.memory_space<vmem>>, %arg8: memref<128x128xf32, #tpu.memory_space<vmem>>, %arg9: memref<!tpu.dma_semaphore, #tpu.memory_space<semaphore_mem>>, %arg10: memref<!tpu.dma_semaphore, #tpu.memory_space<semaphore_mem>>, %arg11: memref<!tpu.dma_semaphore, #tpu.memory_space<semaphore_mem>>, %arg12: memref<!tpu.dma_semaphore, #tpu.memory_space<semaphore_mem>>) attributes {dimension_semantics = [#tpu.dimension_semantics<core_parallel>, #tpu.dimension_semantics<subcore_parallel>], iteration_bounds = array<i64: 2, 16>, scalar_prefetch = 0 : i64, scratch_operands = 8 : i64, tpu.core_type = #tpu.core_type<sc_vector_subcore>, window_params = [{transform_indices = #map}, {transform_indices = #map}, {transform_indices = #map}]} {
    %broadcast_in_dim3A = arith.constant 0.000000e+00 : f32
    %broadcast_in_dim3A_0 = vector.broadcast %broadcast_in_dim3A : f32 to vector<16xf32>
    %scan3A = arith.constant 0 : i32
    %scan3A_1 = arith.constant 0 : i32
    %scan3A_2 = arith.constant 128 : i32
    %scan3A_3 = arith.addi %scan3A_1, %scan3A_2 : i32
    %scan3A_4 = arith.constant 1 : i32
    %scan3A_5 = scf.for %scan3A_106 = %scan3A_1 to %scan3A_3 step %scan3A_4 iter_args(%scan3A_107 = %scan3A) -> (i32)  : i32 {
      %swap3A = arith.index_cast %scan3A_106 : i32 to index
      %swap3A_108 = arith.constant 0 : index
      %swap3A_109 = tpu.vector_load %arg7[%swap3A, %swap3A_108] {strides = array<i32>} : memref<128x128xf32, #tpu.memory_space<vmem>>, vector<1x16xf32>,
      %swap3A_110 = vector.shape_cast %swap3A_109 : vector<1x16xf32> to vector<16xf32>
      %swap3A_111 = vector.shape_cast %broadcast_in_dim3A_0 : vector<16xf32> to vector<1x16xf32>
      tpu.vector_store %arg7[%swap3A, %swap3A_108], %swap3A_111 {strides = array<i32>} : memref<128x128xf32, #tpu.memory_space<vmem>>, vector<1x16xf32>,
      %swap3A_112 = arith.index_cast %scan3A_106 : i32 to index
      %swap3A_113 = arith.constant 16 : index
      %swap3A_114 = tpu.vector_load %arg7[%swap3A_112, %swap3A_113] {strides = array<i32>} : memref<128x128xf32, #tpu.memory_space<vmem>>, vector<1x16xf32>,
      %swap3A_115 = vector.shape_cast %swap3A_114 : vector<1x16xf32> to vector<16xf32>
      %swap3A_116 = vector.shape_cast %broadcast_in_dim3A_0 : vector<16xf32> to vector<1x16xf32>
      tpu.vector_store %arg7[%swap3A_112, %swap3A_113], %swap3A_116 {strides = array<i32>} : memref<128x128xf32, #tpu.memory_space<vmem>>, vector<1x16xf32>,
      %swap3A_117 = arith.index_cast %scan3A_106 : i32 to index
      %swap3A_118 = arith.constant 32 : index
      %swap3A_119 = tpu.vector_load %arg7[%swap3A_117, %swap3A_118] {strides = array<i32>} : memref<128x128xf32, #tpu.memory_space<vmem>>, vector<1x16xf32>,
      %swap3A_120 = vector.shape_cast %swap3A_119 : vector<1x16xf32> to vector<16xf32>
      %swap3A_121 = vector.shape_cast %broadcast_in_dim3A_0 : vector<16xf32> to vector<1x16xf32>
      tpu.vector_store %arg7[%swap3A_117, %swap3A_118], %swap3A_121 {strides = array<i32>} : memref<128x128xf32, #tpu.memory_space<vmem>>, vector<1x16xf32>,
      %swap3A_122 = arith.index_cast %scan3A_106 : i32 to index
      %swap3A_123 = arith.constant 48 : index
      %swap3A_124 = tpu.vector_load %arg7[%swap3A_122, %swap3A_123] {strides = array<i32>} : memref<128x128xf32, #tpu.memory_space<vmem>>, vector<1x16xf32>,
      %swap3A_125 = vector.shape_cast %swap3A_124 : vector<1x16xf32> to vector<16xf32>
      %swap3A_126 = vector.shape_cast %broadcast_in_dim3A_0 : vector<16xf32> to vector<1x16xf32>
      tpu.vector_store %arg7[%swap3A_122, %swap3A_123], %swap3A_126 {strides = array<i32>} : memref<128x128xf32, #tpu.memory_space<vmem>>, vector<1x16xf32>,
      %swap3A_127 = arith.index_cast %scan3A_106 : i32 to index
      %swap3A_128 = arith.constant 64 : index
      %swap3A_129 = tpu.vector_load %arg7[%swap3A_127, %swap3A_128] {strides = array<i32>} : memref<128x128xf32, #tpu.memory_space<vmem>>, vector<1x16xf32>,
      %swap3A_130 = vector.shape_cast %swap3A_129 : vector<1x16xf32> to vector<16xf32>
      %swap3A_131 = vector.shape_cast %broadcast_in_dim3A_0 : vector<16xf32> to vector<1x16xf32>
      tpu.vector_store %arg7[%swap3A_127, %swap3A_128], %swap3A_131 {strides = array<i32>} : memref<128x128xf32, #tpu.memory_space<vmem>>, vector<1x16xf32>,
      %swap3A_132 = arith.index_cast %scan3A_106 : i32 to index
      %swap3A_133 = arith.constant 80 : index
      %swap3A_134 = tpu.vector_load %arg7[%swap3A_132, %swap3A_133] {strides = array<i32>} : memref<128x128xf32, #tpu.memory_space<vmem>>, vector<1x16xf32>,
      %swap3A_135 = vector.shape_cast %swap3A_134 : vector<1x16xf32> to vector<16xf32>
      %swap3A_136 = vector.shape_cast %broadcast_in_dim3A_0 : vector<16xf32> to vector<1x16xf32>
      tpu.vector_store %arg7[%swap3A_132, %swap3A_133], %swap3A_136 {strides = array<i32>} : memref<128x128xf32, #tpu.memory_space<vmem>>, vector<1x16xf32>,
      %swap3A_137 = arith.index_cast %scan3A_106 : i32 to index
      %swap3A_138 = arith.constant 96 : index
      %swap3A_139 = tpu.vector_load %arg7[%swap3A_137, %swap3A_138] {strides = array<i32>} : memref<128x128xf32, #tpu.memory_space<vmem>>, vector<1x16xf32>,
      %swap3A_140 = vector.shape_cast %swap3A_139 : vector<1x16xf32> to vector<16xf32>
      %swap3A_141 = vector.shape_cast %broadcast_in_dim3A_0 : vector<16xf32> to vector<1x16xf32>
      tpu.vector_store %arg7[%swap3A_137, %swap3A_138], %swap3A_141 {strides = array<i32>} : memref<128x128xf32, #tpu.memory_space<vmem>>, vector<1x16xf32>,
      %swap3A_142 = arith.index_cast %scan3A_106 : i32 to index
      %swap3A_143 = arith.constant 112 : index
      %swap3A_144 = tpu.vector_load %arg7[%swap3A_142, %swap3A_143] {strides = array<i32>} : memref<128x128xf32, #tpu.memory_space<vmem>>, vector<1x16xf32>,
      %swap3A_145 = vector.shape_cast %swap3A_144 : vector<1x16xf32> to vector<16xf32>
      %swap3A_146 = vector.shape_cast %broadcast_in_dim3A_0 : vector<16xf32> to vector<1x16xf32>
      tpu.vector_store %arg7[%swap3A_142, %swap3A_143], %swap3A_146 {strides = array<i32>} : memref<128x128xf32, #tpu.memory_space<vmem>>, vector<1x16xf32>,
      %scan3A_147 = arith.constant 0 : i32
      scf.yield %scan3A_147 : i32
    }
    %scan3A_6 = arith.constant 128 : i32
    %mul3A = arith.constant 320 : i32
    %mul3A_7 = arith.muli %arg1, %mul3A : i32
    %add3A = arith.constant 0 : i32
    %add3A_8 = arith.addi %mul3A_7, %add3A : i32
    "tpu.region"() ({
      %run_scoped3A_106 = tpu.sem_alloc : memref<!tpu.dma_semaphore, #tpu.memory_space<semaphore_mem>>
      %dma_start3A_107 = arith.constant 0 : i32
      %dma_start3A_108 = tpu.memref_slice %arg5[%add3A_8, %dma_start3A_107] : memref<5120x128xf32, #tpu.memory_space<vmem_shared>> -> memref<128x128xf32, #tpu.memory_space<vmem_shared>>
      %dma_start3A_109 = arith.constant 0 : i32
      %dma_start3A_110 = tpu.memref_slice %arg5[%add3A_8, %dma_start3A_109] : memref<5120x128xf32, #tpu.memory_space<vmem_shared>> -> memref<128x128xf32, #tpu.memory_space<vmem_shared>>
      tpu.enqueue_dma source(%arg7 : memref<128x128xf32, #tpu.memory_space<vmem>>) target(%dma_start3A_110 : memref<128x128xf32, #tpu.memory_space<vmem_shared>>) target_semaphore(%run_scoped3A_106 : memref<!tpu.dma_semaphore, #tpu.memory_space<semaphore_mem>>)
      %dma_wait3A_111 = arith.constant 0 : i32
      %dma_wait3A_112 = tpu.memref_slice %arg5[%add3A_8, %dma_wait3A_111] : memref<5120x128xf32, #tpu.memory_space<vmem_shared>> -> memref<128x128xf32, #tpu.memory_space<vmem_shared>>
      %dma_wait3A_113 = arith.constant 0 : i32
      %dma_wait3A_114 = tpu.memref_slice %arg5[%add3A_8, %dma_wait3A_113] : memref<5120x128xf32, #tpu.memory_space<vmem_shared>> -> memref<128x128xf32, #tpu.memory_space<vmem_shared>>
      tpu.wait_dma2 semaphore(%run_scoped3A_106 : memref<!tpu.dma_semaphore, #tpu.memory_space<semaphore_mem>>) src(%arg7 : memref<128x128xf32, #tpu.memory_space<vmem>>) dst(%dma_wait3A_114 : memref<128x128xf32, #tpu.memory_space<vmem_shared>>)
      tpu.yield
    }) : () -> ()
    %add3A_9 = arith.constant 128 : i32
    %add3A_10 = arith.addi %mul3A_7, %add3A_9 : i32
    "tpu.region"() ({
      %run_scoped3A_106 = tpu.sem_alloc : memref<!tpu.dma_semaphore, #tpu.memory_space<semaphore_mem>>
      %dma_start3A_107 = arith.constant 0 : i32
      %dma_start3A_108 = tpu.memref_slice %arg5[%add3A_10, %dma_start3A_107] : memref<5120x128xf32, #tpu.memory_space<vmem_shared>> -> memref<128x128xf32, #tpu.memory_space<vmem_shared>>
      %dma_start3A_109 = arith.constant 0 : i32
      %dma_start3A_110 = tpu.memref_slice %arg5[%add3A_10, %dma_start3A_109] : memref<5120x128xf32, #tpu.memory_space<vmem_shared>> -> memref<128x128xf32, #tpu.memory_space<vmem_shared>>
      tpu.enqueue_dma source(%arg7 : memref<128x128xf32, #tpu.memory_space<vmem>>) target(%dma_start3A_110 : memref<128x128xf32, #tpu.memory_space<vmem_shared>>) target_semaphore(%run_scoped3A_106 : memref<!tpu.dma_semaphore, #tpu.memory_space<semaphore_mem>>)
      %dma_wait3A_111 = arith.constant 0 : i32
      %dma_wait3A_112 = tpu.memref_slice %arg5[%add3A_10, %dma_wait3A_111] : memref<5120x128xf32, #tpu.memory_space<vmem_shared>> -> memref<128x128xf32, #tpu.memory_space<vmem_shared>>
      %dma_wait3A_113 = arith.constant 0 : i32
      %dma_wait3A_114 = tpu.memref_slice %arg5[%add3A_10, %dma_wait3A_113] : memref<5120x128xf32, #tpu.memory_space<vmem_shared>> -> memref<128x128xf32, #tpu.memory_space<vmem_shared>>
      tpu.wait_dma2 semaphore(%run_scoped3A_106 : memref<!tpu.dma_semaphore, #tpu.memory_space<semaphore_mem>>) src(%arg7 : memref<128x128xf32, #tpu.memory_space<vmem>>) dst(%dma_wait3A_114 : memref<128x128xf32, #tpu.memory_space<vmem_shared>>)
      tpu.yield
    }) : () -> ()
    %add3A_11 = arith.constant 256 : i32
    %add3A_12 = arith.addi %mul3A_7, %add3A_11 : i32
    "tpu.region"() ({
      %run_scoped3A_106 = tpu.sem_alloc : memref<!tpu.dma_semaphore, #tpu.memory_space<semaphore_mem>>
      %dma_start3A_107 = arith.constant 0 : i32
      %dma_start3A_108 = arith.constant 0 : i32
      %dma_start3A_109 = tpu.memref_slice %arg7[%dma_start3A_107, %dma_start3A_108] : memref<128x128xf32, #tpu.memory_space<vmem>> -> memref<64x128xf32, #tpu.memory_space<vmem>>
      %dma_start3A_110 = arith.constant 0 : i32
      %dma_start3A_111 = tpu.memref_slice %arg5[%add3A_12, %dma_start3A_110] : memref<5120x128xf32, #tpu.memory_space<vmem_shared>> -> memref<64x128xf32, #tpu.memory_space<vmem_shared>>
      %dma_start3A_112 = arith.constant 0 : i32
      %dma_start3A_113 = tpu.memref_slice %arg5[%add3A_12, %dma_start3A_112] : memref<5120x128xf32, #tpu.memory_space<vmem_shared>> -> memref<64x128xf32, #tpu.memory_space<vmem_shared>>
      %dma_start3A_114 = arith.constant 0 : i32
      %dma_start3A_115 = arith.constant 0 : i32
      %dma_start3A_116 = tpu.memref_slice %arg7[%dma_start3A_114, %dma_start3A_115] : memref<128x128xf32, #tpu.memory_space<vmem>> -> memref<64x128xf32, #tpu.memory_space<vmem>>
      tpu.enqueue_dma source(%dma_start3A_116 : memref<64x128xf32, #tpu.memory_space<vmem>>) target(%dma_start3A_113 : memref<64x128xf32, #tpu.memory_space<vmem_shared>>) target_semaphore(%run_scoped3A_106 : memref<!tpu.dma_semaphore, #tpu.memory_space<semaphore_mem>>)
      %dma_wait3A_117 = arith.constant 0 : i32
      %dma_wait3A_118 = arith.constant 0 : i32
      %dma_wait3A_119 = tpu.memref_slice %arg7[%dma_wait3A_117, %dma_wait3A_118] : memref<128x128xf32, #tpu.memory_space<vmem>> -> memref<64x128xf32, #tpu.memory_space<vmem>>
      %dma_wait3A_120 = arith.constant 0 : i32
      %dma_wait3A_121 = tpu.memref_slice %arg5[%add3A_12, %dma_wait3A_120] : memref<5120x128xf32, #tpu.memory_space<vmem_shared>> -> memref<64x128xf32, #tpu.memory_space<vmem_shared>>
      %dma_wait3A_122 = arith.constant 0 : i32
      %dma_wait3A_123 = tpu.memref_slice %arg5[%add3A_12, %dma_wait3A_122] : memref<5120x128xf32, #tpu.memory_space<vmem_shared>> -> memref<64x128xf32, #tpu.memory_space<vmem_shared>>
      %dma_wait3A_124 = arith.constant 0 : i32
      %dma_wait3A_125 = arith.constant 0 : i32
      %dma_wait3A_126 = tpu.memref_slice %arg7[%dma_wait3A_124, %dma_wait3A_125] : memref<128x128xf32, #tpu.memory_space<vmem>> -> memref<64x128xf32, #tpu.memory_space<vmem>>
      tpu.wait_dma2 semaphore(%run_scoped3A_106 : memref<!tpu.dma_semaphore, #tpu.memory_space<semaphore_mem>>) src(%dma_wait3A_126 : memref<64x128xf32, #tpu.memory_space<vmem>>) dst(%dma_wait3A_123 : memref<64x128xf32, #tpu.memory_space<vmem_shared>>)
      tpu.yield
    }) : () -> ()
    %barrier3A = arith.constant 0 : index
    tpu.barrier barrier_id(%barrier3A)
    %mul3A_13 = arith.constant 20224 : i32
    %mul3A_14 = arith.muli %arg1, %mul3A_13 : i32
    %add3A_15 = arith.constant 0 : i32
    %add3A_16 = arith.addi %mul3A_14, %add3A_15 : i32
    %run_scoped3A = arith.constant 0 : i32
    "tpu.region"() ({
      %run_scoped3A_106 = tpu.sem_alloc : memref<!tpu.dma_semaphore, #tpu.memory_space<semaphore_mem>>
      %dma_start3A_107 = arith.constant 0 : i32
      %dma_start3A_108 = arith.constant 0 : i32
      %dma_start3A_109 = tpu.memref_slice %arg6[%run_scoped3A, %dma_start3A_107, %dma_start3A_108] : memref<2x2x128xi32, #tpu.memory_space<vmem>> -> memref<1x2x128xi32, #tpu.memory_space<vmem>>
      %dma_start3A_110 = tpu.memref_squeeze %dma_start3A_109 : memref<1x2x128xi32, #tpu.memory_space<vmem>> -> memref<2x128xi32, #tpu.memory_space<vmem>>
      %dma_start3A_111 = arith.constant 0 : i32
      %dma_start3A_112 = tpu.memref_slice %arg3[%arg0, %dma_start3A_111, %add3A_16] : memref<2x2x323584xi32, #tpu.memory_space<hbm>> -> memref<1x2x128xi32, #tpu.memory_space<hbm>>
      %dma_start3A_113 = tpu.memref_squeeze %dma_start3A_112 : memref<1x2x128xi32, #tpu.memory_space<hbm>> -> memref<2x128xi32, #tpu.memory_space<hbm>>
      %dma_start3A_114 = arith.constant 0 : i32
      %dma_start3A_115 = arith.constant 0 : i32
      %dma_start3A_116 = tpu.memref_slice %arg6[%run_scoped3A, %dma_start3A_114, %dma_start3A_115] : memref<2x2x128xi32, #tpu.memory_space<vmem>> -> memref<1x2x128xi32, #tpu.memory_space<vmem>>
      %dma_start3A_117 = tpu.memref_squeeze %dma_start3A_116 : memref<1x2x128xi32, #tpu.memory_space<vmem>> -> memref<2x128xi32, #tpu.memory_space<vmem>>
      %dma_start3A_118 = arith.constant 0 : i32
      %dma_start3A_119 = tpu.memref_slice %arg3[%arg0, %dma_start3A_118, %add3A_16] : memref<2x2x323584xi32, #tpu.memory_space<hbm>> -> memref<1x2x128xi32, #tpu.memory_space<hbm>>
      %dma_start3A_120 = tpu.memref_squeeze %dma_start3A_119 : memref<1x2x128xi32, #tpu.memory_space<hbm>> -> memref<2x128xi32, #tpu.memory_space<hbm>>
      tpu.enqueue_dma source(%dma_start3A_120 : memref<2x128xi32, #tpu.memory_space<hbm>>) target(%dma_start3A_117 : memref<2x128xi32, #tpu.memory_space<vmem>>) target_semaphore(%run_scoped3A_106 : memref<!tpu.dma_semaphore, #tpu.memory_space<semaphore_mem>>)
      %dma_wait3A_121 = arith.constant 0 : i32
      %dma_wait3A_122 = arith.constant 0 : i32
      %dma_wait3A_123 = tpu.memref_slice %arg6[%run_scoped3A, %dma_wait3A_121, %dma_wait3A_122] : memref<2x2x128xi32, #tpu.memory_space<vmem>> -> memref<1x2x128xi32, #tpu.memory_space<vmem>>
      %dma_wait3A_124 = tpu.memref_squeeze %dma_wait3A_123 : memref<1x2x128xi32, #tpu.memory_space<vmem>> -> memref<2x128xi32, #tpu.memory_space<vmem>>
      %dma_wait3A_125 = arith.constant 0 : i32
      %dma_wait3A_126 = tpu.memref_slice %arg3[%arg0, %dma_wait3A_125, %add3A_16] : memref<2x2x323584xi32, #tpu.memory_space<hbm>> -> memref<1x2x128xi32, #tpu.memory_space<hbm>>
      %dma_wait3A_127 = tpu.memref_squeeze %dma_wait3A_126 : memref<1x2x128xi32, #tpu.memory_space<hbm>> -> memref<2x128xi32, #tpu.memory_space<hbm>>
      %dma_wait3A_128 = arith.constant 0 : i32
      %dma_wait3A_129 = arith.constant 0 : i32
      %dma_wait3A_130 = tpu.memref_slice %arg6[%run_scoped3A, %dma_wait3A_128, %dma_wait3A_129] : memref<2x2x128xi32, #tpu.memory_space<vmem>> -> memref<1x2x128xi32, #tpu.memory_space<vmem>>
      %dma_wait3A_131 = tpu.memref_squeeze %dma_wait3A_130 : memref<1x2x128xi32, #tpu.memory_space<vmem>> -> memref<2x128xi32, #tpu.memory_space<vmem>>
      %dma_wait3A_132 = arith.constant 0 : i32
      %dma_wait3A_133 = tpu.memref_slice %arg3[%arg0, %dma_wait3A_132, %add3A_16] : memref<2x2x323584xi32, #tpu.memory_space<hbm>> -> memref<1x2x128xi32, #tpu.memory_space<hbm>>
      %dma_wait3A_134 = tpu.memref_squeeze %dma_wait3A_133 : memref<1x2x128xi32, #tpu.memory_space<hbm>> -> memref<2x128xi32, #tpu.memory_space<hbm>>
      tpu.wait_dma2 semaphore(%run_scoped3A_106 : memref<!tpu.dma_semaphore, #tpu.memory_space<semaphore_mem>>) src(%dma_wait3A_134 : memref<2x128xi32, #tpu.memory_space<hbm>>) dst(%dma_wait3A_131 : memref<2x128xi32, #tpu.memory_space<vmem>>)
      tpu.yield
    }) : () -> ()
    %dma_start3A = arith.constant 0 : i32
    %dma_start3A_17 = arith.constant 0 : i32
    %dma_start3A_18 = arith.constant 0 : i32
    %dma_start3A_19 = tpu.memref_slice %arg6[%dma_start3A, %dma_start3A_17, %dma_start3A_18] : memref<2x2x128xi32, #tpu.memory_space<vmem>> -> memref<1x1x128xi32, #tpu.memory_space<vmem>>
    %dma_start3A_20 = tpu.memref_squeeze %dma_start3A_19 : memref<1x1x128xi32, #tpu.memory_space<vmem>> -> memref<128xi32, #tpu.memory_space<vmem>>
    %dma_start3A_21 = arith.constant 0 : i32
    %dma_start3A_22 = arith.constant 0 : i32
    %dma_start3A_23 = tpu.memref_slice %arg2[%arg0, %dma_start3A_21, %dma_start3A_22] : memref<2x5000x128xf32, #tpu.memory_space<hbm>> -> memref<1x5000x128xf32, #tpu.memory_space<hbm>>
    %dma_start3A_24 = tpu.memref_squeeze %dma_start3A_23 : memref<1x5000x128xf32, #tpu.memory_space<hbm>> -> memref<5000x128xf32, #tpu.memory_space<hbm>>
    %dma_start3A_25 = arith.constant 0 : i32
    %dma_start3A_26 = arith.constant 0 : i32
    %dma_start3A_27 = tpu.memref_slice %dma_start3A_24[%dma_start3A_25, %dma_start3A_26] : memref<5000x128xf32, #tpu.memory_space<hbm>> -> memref<5000x128xf32, #tpu.memory_space<hbm>>
    tpu.enqueue_indirect_dma source(%dma_start3A_27 : memref<5000x128xf32, #tpu.memory_space<hbm>>) target(%arg7 : memref<128x128xf32, #tpu.memory_space<vmem>>) offsets(%dma_start3A_20 : memref<128xi32, #tpu.memory_space<vmem>>) semaphore(%arg9 : memref<!tpu.dma_semaphore, #tpu.memory_space<semaphore_mem>>)
    %add3A_28 = arith.constant 128 : i32
    %add3A_29 = arith.addi %mul3A_14, %add3A_28 : i32
    %run_scoped3A_30 = arith.constant 1 : i32
    "tpu.region"() ({
      %run_scoped3A_106 = tpu.sem_alloc : memref<!tpu.dma_semaphore, #tpu.memory_space<semaphore_mem>>
      %dma_start3A_107 = arith.constant 0 : i32
      %dma_start3A_108 = arith.constant 0 : i32
      %dma_start3A_109 = tpu.memref_slice %arg6[%run_scoped3A_30, %dma_start3A_107, %dma_start3A_108] : memref<2x2x128xi32, #tpu.memory_space<vmem>> -> memref<1x2x128xi32, #tpu.memory_space<vmem>>
      %dma_start3A_110 = tpu.memref_squeeze %dma_start3A_109 : memref<1x2x128xi32, #tpu.memory_space<vmem>> -> memref<2x128xi32, #tpu.memory_space<vmem>>
      %dma_start3A_111 = arith.constant 0 : i32
      %dma_start3A_112 = tpu.memref_slice %arg3[%arg0, %dma_start3A_111, %add3A_29] : memref<2x2x323584xi32, #tpu.memory_space<hbm>> -> memref<1x2x128xi32, #tpu.memory_space<hbm>>
      %dma_start3A_113 = tpu.memref_squeeze %dma_start3A_112 : memref<1x2x128xi32, #tpu.memory_space<hbm>> -> memref<2x128xi32, #tpu.memory_space<hbm>>
      %dma_start3A_114 = arith.constant 0 : i32
      %dma_start3A_115 = arith.constant 0 : i32
      %dma_start3A_116 = tpu.memref_slice %arg6[%run_scoped3A_30, %dma_start3A_114, %dma_start3A_115] : memref<2x2x128xi32, #tpu.memory_space<vmem>> -> memref<1x2x128xi32, #tpu.memory_space<vmem>>
      %dma_start3A_117 = tpu.memref_squeeze %dma_start3A_116 : memref<1x2x128xi32, #tpu.memory_space<vmem>> -> memref<2x128xi32, #tpu.memory_space<vmem>>
      %dma_start3A_118 = arith.constant 0 : i32
      %dma_start3A_119 = tpu.memref_slice %arg3[%arg0, %dma_start3A_118, %add3A_29] : memref<2x2x323584xi32, #tpu.memory_space<hbm>> -> memref<1x2x128xi32, #tpu.memory_space<hbm>>
      %dma_start3A_120 = tpu.memref_squeeze %dma_start3A_119 : memref<1x2x128xi32, #tpu.memory_space<hbm>> -> memref<2x128xi32, #tpu.memory_space<hbm>>
      tpu.enqueue_dma source(%dma_start3A_120 : memref<2x128xi32, #tpu.memory_space<hbm>>) target(%dma_start3A_117 : memref<2x128xi32, #tpu.memory_space<vmem>>) target_semaphore(%run_scoped3A_106 : memref<!tpu.dma_semaphore, #tpu.memory_space<semaphore_mem>>)
      %dma_wait3A_121 = arith.constant 0 : i32
      %dma_wait3A_122 = arith.constant 0 : i32
      %dma_wait3A_123 = tpu.memref_slice %arg6[%run_scoped3A_30, %dma_wait3A_121, %dma_wait3A_122] : memref<2x2x128xi32, #tpu.memory_space<vmem>> -> memref<1x2x128xi32, #tpu.memory_space<vmem>>
      %dma_wait3A_124 = tpu.memref_squeeze %dma_wait3A_123 : memref<1x2x128xi32, #tpu.memory_space<vmem>> -> memref<2x128xi32, #tpu.memory_space<vmem>>
      %dma_wait3A_125 = arith.constant 0 : i32
      %dma_wait3A_126 = tpu.memref_slice %arg3[%arg0, %dma_wait3A_125, %add3A_29] : memref<2x2x323584xi32, #tpu.memory_space<hbm>> -> memref<1x2x128xi32, #tpu.memory_space<hbm>>
      %dma_wait3A_127 = tpu.memref_squeeze %dma_wait3A_126 : memref<1x2x128xi32, #tpu.memory_space<hbm>> -> memref<2x128xi32, #tpu.memory_space<hbm>>
      %dma_wait3A_128 = arith.constant 0 : i32
      %dma_wait3A_129 = arith.constant 0 : i32
      %dma_wait3A_130 = tpu.memref_slice %arg6[%run_scoped3A_30, %dma_wait3A_128, %dma_wait3A_129] : memref<2x2x128xi32, #tpu.memory_space<vmem>> -> memref<1x2x128xi32, #tpu.memory_space<vmem>>
      %dma_wait3A_131 = tpu.memref_squeeze %dma_wait3A_130 : memref<1x2x128xi32, #tpu.memory_space<vmem>> -> memref<2x128xi32, #tpu.memory_space<vmem>>
      %dma_wait3A_132 = arith.constant 0 : i32
      %dma_wait3A_133 = tpu.memref_slice %arg3[%arg0, %dma_wait3A_132, %add3A_29] : memref<2x2x323584xi32, #tpu.memory_space<hbm>> -> memref<1x2x128xi32, #tpu.memory_space<hbm>>
      %dma_wait3A_134 = tpu.memref_squeeze %dma_wait3A_133 : memref<1x2x128xi32, #tpu.memory_space<hbm>> -> memref<2x128xi32, #tpu.memory_space<hbm>>
      tpu.wait_dma2 semaphore(%run_scoped3A_106 : memref<!tpu.dma_semaphore, #tpu.memory_space<semaphore_mem>>) src(%dma_wait3A_134 : memref<2x128xi32, #tpu.memory_space<hbm>>) dst(%dma_wait3A_131 : memref<2x128xi32, #tpu.memory_space<vmem>>)
      tpu.yield
    }) : () -> ()
    %dma_start3A_31 = arith.constant 1 : i32
    %dma_start3A_32 = arith.constant 0 : i32
    %dma_start3A_33 = arith.constant 0 : i32
    %dma_start3A_34 = tpu.memref_slice %arg6[%dma_start3A_31, %dma_start3A_32, %dma_start3A_33] : memref<2x2x128xi32, #tpu.memory_space<vmem>> -> memref<1x1x128xi32, #tpu.memory_space<vmem>>
    %dma_start3A_35 = tpu.memref_squeeze %dma_start3A_34 : memref<1x1x128xi32, #tpu.memory_space<vmem>> -> memref<128xi32, #tpu.memory_space<vmem>>
    %dma_start3A_36 = arith.constant 0 : i32
    %dma_start3A_37 = arith.constant 0 : i32
    %dma_start3A_38 = tpu.memref_slice %arg2[%arg0, %dma_start3A_36, %dma_start3A_37] : memref<2x5000x128xf32, #tpu.memory_space<hbm>> -> memref<1x5000x128xf32, #tpu.memory_space<hbm>>
    %dma_start3A_39 = tpu.memref_squeeze %dma_start3A_38 : memref<1x5000x128xf32, #tpu.memory_space<hbm>> -> memref<5000x128xf32, #tpu.memory_space<hbm>>
    %dma_start3A_40 = arith.constant 0 : i32
    %dma_start3A_41 = arith.constant 0 : i32
    %dma_start3A_42 = tpu.memref_slice %dma_start3A_39[%dma_start3A_40, %dma_start3A_41] : memref<5000x128xf32, #tpu.memory_space<hbm>> -> memref<5000x128xf32, #tpu.memory_space<hbm>>
    tpu.enqueue_indirect_dma source(%dma_start3A_42 : memref<5000x128xf32, #tpu.memory_space<hbm>>) target(%arg8 : memref<128x128xf32, #tpu.memory_space<vmem>>) offsets(%dma_start3A_35 : memref<128xi32, #tpu.memory_space<vmem>>) semaphore(%arg10 : memref<!tpu.dma_semaphore, #tpu.memory_space<semaphore_mem>>)
    %scan3A_43 = arith.constant 0 : i32
    %scan3A_44 = arith.constant 0 : i32
    %scan3A_45 = arith.constant 78 : i32
    %scan3A_46 = arith.addi %scan3A_44, %scan3A_45 : i32
    %scan3A_47 = arith.constant 1 : i32
    %scan3A_48 = scf.for %scan3A_106 = %scan3A_44 to %scan3A_46 step %scan3A_47 iter_args(%scan3A_107 = %scan3A_43) -> (i32)  : i32 {
      %mul3A_108 = arith.constant 2 : i32
      %mul3A_109 = arith.muli %mul3A_108, %scan3A_106 : i32
      %dma_wait3A_110 = arith.constant 0 : i32
      %dma_wait3A_111 = arith.constant 0 : i32
      %dma_wait3A_112 = arith.constant 0 : i32
      %dma_wait3A_113 = tpu.memref_slice %arg6[%dma_wait3A_110, %dma_wait3A_111, %dma_wait3A_112] : memref<2x2x128xi32, #tpu.memory_space<vmem>> -> memref<1x1x128xi32, #tpu.memory_space<vmem>>
      %dma_wait3A_114 = tpu.memref_squeeze %dma_wait3A_113 : memref<1x1x128xi32, #tpu.memory_space<vmem>> -> memref<128xi32, #tpu.memory_space<vmem>>
      %dma_wait3A_115 = arith.constant 0 : i32
      %dma_wait3A_116 = arith.constant 0 : i32
      %dma_wait3A_117 = tpu.memref_slice %arg2[%arg0, %dma_wait3A_115, %dma_wait3A_116] : memref<2x5000x128xf32, #tpu.memory_space<hbm>> -> memref<1x5000x128xf32, #tpu.memory_space<hbm>>
      %dma_wait3A_118 = tpu.memref_squeeze %dma_wait3A_117 : memref<1x5000x128xf32, #tpu.memory_space<hbm>> -> memref<5000x128xf32, #tpu.memory_space<hbm>>
      %dma_wait3A_119 = arith.constant 0 : i32
      %dma_wait3A_120 = arith.constant 0 : i32
      %dma_wait3A_121 = tpu.memref_slice %dma_wait3A_118[%dma_wait3A_119, %dma_wait3A_120] : memref<5000x128xf32, #tpu.memory_space<hbm>> -> memref<5000x128xf32, #tpu.memory_space<hbm>>
      tpu.wait_indirect_dma semaphore(%arg9 : memref<!tpu.dma_semaphore, #tpu.memory_space<semaphore_mem>>) src(%dma_wait3A_121 : memref<5000x128xf32, #tpu.memory_space<hbm>>) dst(%arg7 : memref<128x128xf32, #tpu.memory_space<vmem>>)
      %dma_start3A_122 = arith.constant 0 : i32
      %dma_start3A_123 = arith.constant 1 : i32
      %dma_start3A_124 = arith.constant 0 : i32
      %dma_start3A_125 = tpu.memref_slice %arg6[%dma_start3A_122, %dma_start3A_123, %dma_start3A_124] : memref<2x2x128xi32, #tpu.memory_space<vmem>> -> memref<1x1x128xi32, #tpu.memory_space<vmem>>
      %dma_start3A_126 = tpu.memref_squeeze %dma_start3A_125 : memref<1x1x128xi32, #tpu.memory_space<vmem>> -> memref<128xi32, #tpu.memory_space<vmem>>
      %dma_start3A_127 = arith.constant 0 : i32
      %dma_start3A_128 = arith.constant 0 : i32
      %dma_start3A_129 = tpu.memref_slice %arg5[%dma_start3A_127, %dma_start3A_128] : memref<5120x128xf32, #tpu.memory_space<vmem_shared>> -> memref<5120x128xf32, #tpu.memory_space<vmem_shared>>
      tpu.enqueue_indirect_dma source(%arg7 : memref<128x128xf32, #tpu.memory_space<vmem>>) target(%dma_start3A_129 : memref<5120x128xf32, #tpu.memory_space<vmem_shared>>) offsets(%dma_start3A_126 : memref<128xi32, #tpu.memory_space<vmem>>) semaphore(%arg11 : memref<!tpu.dma_semaphore, #tpu.memory_space<semaphore_mem>>) {add = true}
      %dma_wait3A_130 = arith.constant 1 : i32
      %dma_wait3A_131 = arith.constant 0 : i32
      %dma_wait3A_132 = arith.constant 0 : i32
      %dma_wait3A_133 = tpu.memref_slice %arg6[%dma_wait3A_130, %dma_wait3A_131, %dma_wait3A_132] : memref<2x2x128xi32, #tpu.memory_space<vmem>> -> memref<1x1x128xi32, #tpu.memory_space<vmem>>
      %dma_wait3A_134 = tpu.memref_squeeze %dma_wait3A_133 : memref<1x1x128xi32, #tpu.memory_space<vmem>> -> memref<128xi32, #tpu.memory_space<vmem>>
      %dma_wait3A_135 = arith.constant 0 : i32
      %dma_wait3A_136 = arith.constant 0 : i32
      %dma_wait3A_137 = tpu.memref_slice %arg2[%arg0, %dma_wait3A_135, %dma_wait3A_136] : memref<2x5000x128xf32, #tpu.memory_space<hbm>> -> memref<1x5000x128xf32, #tpu.memory_space<hbm>>
      %dma_wait3A_138 = tpu.memref_squeeze %dma_wait3A_137 : memref<1x5000x128xf32, #tpu.memory_space<hbm>> -> memref<5000x128xf32, #tpu.memory_space<hbm>>
      %dma_wait3A_139 = arith.constant 0 : i32
      %dma_wait3A_140 = arith.constant 0 : i32
      %dma_wait3A_141 = tpu.memref_slice %dma_wait3A_138[%dma_wait3A_139, %dma_wait3A_140] : memref<5000x128xf32, #tpu.memory_space<hbm>> -> memref<5000x128xf32, #tpu.memory_space<hbm>>
      tpu.wait_indirect_dma semaphore(%arg10 : memref<!tpu.dma_semaphore, #tpu.memory_space<semaphore_mem>>) src(%dma_wait3A_141 : memref<5000x128xf32, #tpu.memory_space<hbm>>) dst(%arg8 : memref<128x128xf32, #tpu.memory_space<vmem>>)
      %dma_start3A_142 = arith.constant 1 : i32
      %dma_start3A_143 = arith.constant 1 : i32
      %dma_start3A_144 = arith.constant 0 : i32
      %dma_start3A_145 = tpu.memref_slice %arg6[%dma_start3A_142, %dma_start3A_143, %dma_start3A_144] : memref<2x2x128xi32, #tpu.memory_space<vmem>> -> memref<1x1x128xi32, #tpu.memory_space<vmem>>
      %dma_start3A_146 = tpu.memref_squeeze %dma_start3A_145 : memref<1x1x128xi32, #tpu.memory_space<vmem>> -> memref<128xi32, #tpu.memory_space<vmem>>
      %dma_start3A_147 = arith.constant 0 : i32
      %dma_start3A_148 = arith.constant 0 : i32
      %dma_start3A_149 = tpu.memref_slice %arg5[%dma_start3A_147, %dma_start3A_148] : memref<5120x128xf32, #tpu.memory_space<vmem_shared>> -> memref<5120x128xf32, #tpu.memory_space<vmem_shared>>
      tpu.enqueue_indirect_dma source(%arg8 : memref<128x128xf32, #tpu.memory_space<vmem>>) target(%dma_start3A_149 : memref<5120x128xf32, #tpu.memory_space<vmem_shared>>) offsets(%dma_start3A_146 : memref<128xi32, #tpu.memory_space<vmem>>) semaphore(%arg12 : memref<!tpu.dma_semaphore, #tpu.memory_space<semaphore_mem>>) {add = true}
      %dma_wait3A_150 = arith.constant 0 : i32
      %dma_wait3A_151 = arith.constant 1 : i32
      %dma_wait3A_152 = arith.constant 0 : i32
      %dma_wait3A_153 = tpu.memref_slice %arg6[%dma_wait3A_150, %dma_wait3A_151, %dma_wait3A_152] : memref<2x2x128xi32, #tpu.memory_space<vmem>> -> memref<1x1x128xi32, #tpu.memory_space<vmem>>
      %dma_wait3A_154 = tpu.memref_squeeze %dma_wait3A_153 : memref<1x1x128xi32, #tpu.memory_space<vmem>> -> memref<128xi32, #tpu.memory_space<vmem>>
      %dma_wait3A_155 = arith.constant 0 : i32
      %dma_wait3A_156 = arith.constant 0 : i32
      %dma_wait3A_157 = tpu.memref_slice %arg5[%dma_wait3A_155, %dma_wait3A_156] : memref<5120x128xf32, #tpu.memory_space<vmem_shared>> -> memref<5120x128xf32, #tpu.memory_space<vmem_shared>>
      tpu.wait_indirect_dma semaphore(%arg11 : memref<!tpu.dma_semaphore, #tpu.memory_space<semaphore_mem>>) src(%arg7 : memref<128x128xf32, #tpu.memory_space<vmem>>) dst(%dma_wait3A_157 : memref<5120x128xf32, #tpu.memory_space<vmem_shared>>)
      %add3A_158 = arith.constant 2 : i32
      %add3A_159 = arith.addi %mul3A_109, %add3A_158 : i32
      %add3A_160 = arith.constant 0 : i32
      %add3A_161 = arith.addi %add3A_159, %add3A_160 : i32
      %mul3A_162 = arith.constant 128 : i32
      %mul3A_163 = arith.muli %add3A_161, %mul3A_162 : i32
      %add3A_164 = arith.addi %mul3A_14, %mul3A_163 : i32
      %run_scoped3A_165 = arith.constant 0 : i32
      "tpu.region"() ({
        %run_scoped3A_207 = tpu.sem_alloc : memref<!tpu.dma_semaphore, #tpu.memory_space<semaphore_mem>>
        %dma_start3A_208 = arith.constant 0 : i32
        %dma_start3A_209 = arith.constant 0 : i32
        %dma_start3A_210 = tpu.memref_slice %arg6[%run_scoped3A_165, %dma_start3A_208, %dma_start3A_209] : memref<2x2x128xi32, #tpu.memory_space<vmem>> -> memref<1x2x128xi32, #tpu.memory_space<vmem>>
        %dma_start3A_211 = tpu.memref_squeeze %dma_start3A_210 : memref<1x2x128xi32, #tpu.memory_space<vmem>> -> memref<2x128xi32, #tpu.memory_space<vmem>>
        %dma_start3A_212 = arith.constant 0 : i32
        %dma_start3A_213 = tpu.memref_slice %arg3[%arg0, %dma_start3A_212, %add3A_164] : memref<2x2x323584xi32, #tpu.memory_space<hbm>> -> memref<1x2x128xi32, #tpu.memory_space<hbm>>
        %dma_start3A_214 = tpu.memref_squeeze %dma_start3A_213 : memref<1x2x128xi32, #tpu.memory_space<hbm>> -> memref<2x128xi32, #tpu.memory_space<hbm>>
        %dma_start3A_215 = arith.constant 0 : i32
        %dma_start3A_216 = arith.constant 0 : i32
        %dma_start3A_217 = tpu.memref_slice %arg6[%run_scoped3A_165, %dma_start3A_215, %dma_start3A_216] : memref<2x2x128xi32, #tpu.memory_space<vmem>> -> memref<1x2x128xi32, #tpu.memory_space<vmem>>
        %dma_start3A_218 = tpu.memref_squeeze %dma_start3A_217 : memref<1x2x128xi32, #tpu.memory_space<vmem>> -> memref<2x128xi32, #tpu.memory_space<vmem>>
        %dma_start3A_219 = arith.constant 0 : i32
        %dma_start3A_220 = tpu.memref_slice %arg3[%arg0, %dma_start3A_219, %add3A_164] : memref<2x2x323584xi32, #tpu.memory_space<hbm>> -> memref<1x2x128xi32, #tpu.memory_space<hbm>>
        %dma_start3A_221 = tpu.memref_squeeze %dma_start3A_220 : memref<1x2x128xi32, #tpu.memory_space<hbm>> -> memref<2x128xi32, #tpu.memory_space<hbm>>
        tpu.enqueue_dma source(%dma_start3A_221 : memref<2x128xi32, #tpu.memory_space<hbm>>) target(%dma_start3A_218 : memref<2x128xi32, #tpu.memory_space<vmem>>) target_semaphore(%run_scoped3A_207 : memref<!tpu.dma_semaphore, #tpu.memory_space<semaphore_mem>>)
        %dma_wait3A_222 = arith.constant 0 : i32
        %dma_wait3A_223 = arith.constant 0 : i32
        %dma_wait3A_224 = tpu.memref_slice %arg6[%run_scoped3A_165, %dma_wait3A_222, %dma_wait3A_223] : memref<2x2x128xi32, #tpu.memory_space<vmem>> -> memref<1x2x128xi32, #tpu.memory_space<vmem>>
        %dma_wait3A_225 = tpu.memref_squeeze %dma_wait3A_224 : memref<1x2x128xi32, #tpu.memory_space<vmem>> -> memref<2x128xi32, #tpu.memory_space<vmem>>
        %dma_wait3A_226 = arith.constant 0 : i32
        %dma_wait3A_227 = tpu.memref_slice %arg3[%arg0, %dma_wait3A_226, %add3A_164] : memref<2x2x323584xi32, #tpu.memory_space<hbm>> -> memref<1x2x128xi32, #tpu.memory_space<hbm>>
        %dma_wait3A_228 = tpu.memref_squeeze %dma_wait3A_227 : memref<1x2x128xi32, #tpu.memory_space<hbm>> -> memref<2x128xi32, #tpu.memory_space<hbm>>
        %dma_wait3A_229 = arith.constant 0 : i32
        %dma_wait3A_230 = arith.constant 0 : i32
        %dma_wait3A_231 = tpu.memref_slice %arg6[%run_scoped3A_165, %dma_wait3A_229, %dma_wait3A_230] : memref<2x2x128xi32, #tpu.memory_space<vmem>> -> memref<1x2x128xi32, #tpu.memory_space<vmem>>
        %dma_wait3A_232 = tpu.memref_squeeze %dma_wait3A_231 : memref<1x2x128xi32, #tpu.memory_space<vmem>> -> memref<2x128xi32, #tpu.memory_space<vmem>>
        %dma_wait3A_233 = arith.constant 0 : i32
        %dma_wait3A_234 = tpu.memref_slice %arg3[%arg0, %dma_wait3A_233, %add3A_164] : memref<2x2x323584xi32, #tpu.memory_space<hbm>> -> memref<1x2x128xi32, #tpu.memory_space<hbm>>
        %dma_wait3A_235 = tpu.memref_squeeze %dma_wait3A_234 : memref<1x2x128xi32, #tpu.memory_space<hbm>> -> memref<2x128xi32, #tpu.memory_space<hbm>>
        tpu.wait_dma2 semaphore(%run_scoped3A_207 : memref<!tpu.dma_semaphore, #tpu.memory_space<semaphore_mem>>) src(%dma_wait3A_235 : memref<2x128xi32, #tpu.memory_space<hbm>>) dst(%dma_wait3A_232 : memref<2x128xi32, #tpu.memory_space<vmem>>)
        tpu.yield
      }) : () -> ()
      %dma_start3A_166 = arith.constant 0 : i32
      %dma_start3A_167 = arith.constant 0 : i32
      %dma_start3A_168 = arith.constant 0 : i32
      %dma_start3A_169 = tpu.memref_slice %arg6[%dma_start3A_166, %dma_start3A_167, %dma_start3A_168] : memref<2x2x128xi32, #tpu.memory_space<vmem>> -> memref<1x1x128xi32, #tpu.memory_space<vmem>>
      %dma_start3A_170 = tpu.memref_squeeze %dma_start3A_169 : memref<1x1x128xi32, #tpu.memory_space<vmem>> -> memref<128xi32, #tpu.memory_space<vmem>>
      %dma_start3A_171 = arith.constant 0 : i32
      %dma_start3A_172 = arith.constant 0 : i32
      %dma_start3A_173 = tpu.memref_slice %arg2[%arg0, %dma_start3A_171, %dma_start3A_172] : memref<2x5000x128xf32, #tpu.memory_space<hbm>> -> memref<1x5000x128xf32, #tpu.memory_space<hbm>>
      %dma_start3A_174 = tpu.memref_squeeze %dma_start3A_173 : memref<1x5000x128xf32, #tpu.memory_space<hbm>> -> memref<5000x128xf32, #tpu.memory_space<hbm>>
      %dma_start3A_175 = arith.constant 0 : i32
      %dma_start3A_176 = arith.constant 0 : i32
      %dma_start3A_177 = tpu.memref_slice %dma_start3A_174[%dma_start3A_175, %dma_start3A_176] : memref<5000x128xf32, #tpu.memory_space<hbm>> -> memref<5000x128xf32, #tpu.memory_space<hbm>>
      tpu.enqueue_indirect_dma source(%dma_start3A_177 : memref<5000x128xf32, #tpu.memory_space<hbm>>) target(%arg7 : memref<128x128xf32, #tpu.memory_space<vmem>>) offsets(%dma_start3A_170 : memref<128xi32, #tpu.memory_space<vmem>>) semaphore(%arg9 : memref<!tpu.dma_semaphore, #tpu.memory_space<semaphore_mem>>)
      %dma_wait3A_178 = arith.constant 1 : i32
      %dma_wait3A_179 = arith.constant 1 : i32
      %dma_wait3A_180 = arith.constant 0 : i32
      %dma_wait3A_181 = tpu.memref_slice %arg6[%dma_wait3A_178, %dma_wait3A_179, %dma_wait3A_180] : memref<2x2x128xi32, #tpu.memory_space<vmem>> -> memref<1x1x128xi32, #tpu.memory_space<vmem>>
      %dma_wait3A_182 = tpu.memref_squeeze %dma_wait3A_181 : memref<1x1x128xi32, #tpu.memory_space<vmem>> -> memref<128xi32, #tpu.memory_space<vmem>>
      %dma_wait3A_183 = arith.constant 0 : i32
      %dma_wait3A_184 = arith.constant 0 : i32
      %dma_wait3A_185 = tpu.memref_slice %arg5[%dma_wait3A_183, %dma_wait3A_184] : memref<5120x128xf32, #tpu.memory_space<vmem_shared>> -> memref<5120x128xf32, #tpu.memory_space<vmem_shared>>
      tpu.wait_indirect_dma semaphore(%arg12 : memref<!tpu.dma_semaphore, #tpu.memory_space<semaphore_mem>>) src(%arg8 : memref<128x128xf32, #tpu.memory_space<vmem>>) dst(%dma_wait3A_185 : memref<5120x128xf32, #tpu.memory_space<vmem_shared>>)
      %add3A_186 = arith.constant 2 : i32
      %add3A_187 = arith.addi %mul3A_109, %add3A_186 : i32
      %add3A_188 = arith.constant 1 : i32
      %add3A_189 = arith.addi %add3A_187, %add3A_188 : i32
      %mul3A_190 = arith.constant 128 : i32
      %mul3A_191 = arith.muli %add3A_189, %mul3A_190 : i32
      %add3A_192 = arith.addi %mul3A_14, %mul3A_191 : i32
      %run_scoped3A_193 = arith.constant 1 : i32
      "tpu.region"() ({
        %run_scoped3A_207 = tpu.sem_alloc : memref<!tpu.dma_semaphore, #tpu.memory_space<semaphore_mem>>
        %dma_start3A_208 = arith.constant 0 : i32
        %dma_start3A_209 = arith.constant 0 : i32
        %dma_start3A_210 = tpu.memref_slice %arg6[%run_scoped3A_193, %dma_start3A_208, %dma_start3A_209] : memref<2x2x128xi32, #tpu.memory_space<vmem>> -> memref<1x2x128xi32, #tpu.memory_space<vmem>>
        %dma_start3A_211 = tpu.memref_squeeze %dma_start3A_210 : memref<1x2x128xi32, #tpu.memory_space<vmem>> -> memref<2x128xi32, #tpu.memory_space<vmem>>
        %dma_start3A_212 = arith.constant 0 : i32
        %dma_start3A_213 = tpu.memref_slice %arg3[%arg0, %dma_start3A_212, %add3A_192] : memref<2x2x323584xi32, #tpu.memory_space<hbm>> -> memref<1x2x128xi32, #tpu.memory_space<hbm>>
        %dma_start3A_214 = tpu.memref_squeeze %dma_start3A_213 : memref<1x2x128xi32, #tpu.memory_space<hbm>> -> memref<2x128xi32, #tpu.memory_space<hbm>>
        %dma_start3A_215 = arith.constant 0 : i32
        %dma_start3A_216 = arith.constant 0 : i32
        %dma_start3A_217 = tpu.memref_slice %arg6[%run_scoped3A_193, %dma_start3A_215, %dma_start3A_216] : memref<2x2x128xi32, #tpu.memory_space<vmem>> -> memref<1x2x128xi32, #tpu.memory_space<vmem>>
        %dma_start3A_218 = tpu.memref_squeeze %dma_start3A_217 : memref<1x2x128xi32, #tpu.memory_space<vmem>> -> memref<2x128xi32, #tpu.memory_space<vmem>>
        %dma_start3A_219 = arith.constant 0 : i32
        %dma_start3A_220 = tpu.memref_slice %arg3[%arg0, %dma_start3A_219, %add3A_192] : memref<2x2x323584xi32, #tpu.memory_space<hbm>> -> memref<1x2x128xi32, #tpu.memory_space<hbm>>
        %dma_start3A_221 = tpu.memref_squeeze %dma_start3A_220 : memref<1x2x128xi32, #tpu.memory_space<hbm>> -> memref<2x128xi32, #tpu.memory_space<hbm>>
        tpu.enqueue_dma source(%dma_start3A_221 : memref<2x128xi32, #tpu.memory_space<hbm>>) target(%dma_start3A_218 : memref<2x128xi32, #tpu.memory_space<vmem>>) target_semaphore(%run_scoped3A_207 : memref<!tpu.dma_semaphore, #tpu.memory_space<semaphore_mem>>)
        %dma_wait3A_222 = arith.constant 0 : i32
        %dma_wait3A_223 = arith.constant 0 : i32
        %dma_wait3A_224 = tpu.memref_slice %arg6[%run_scoped3A_193, %dma_wait3A_222, %dma_wait3A_223] : memref<2x2x128xi32, #tpu.memory_space<vmem>> -> memref<1x2x128xi32, #tpu.memory_space<vmem>>
        %dma_wait3A_225 = tpu.memref_squeeze %dma_wait3A_224 : memref<1x2x128xi32, #tpu.memory_space<vmem>> -> memref<2x128xi32, #tpu.memory_space<vmem>>
        %dma_wait3A_226 = arith.constant 0 : i32
        %dma_wait3A_227 = tpu.memref_slice %arg3[%arg0, %dma_wait3A_226, %add3A_192] : memref<2x2x323584xi32, #tpu.memory_space<hbm>> -> memref<1x2x128xi32, #tpu.memory_space<hbm>>
        %dma_wait3A_228 = tpu.memref_squeeze %dma_wait3A_227 : memref<1x2x128xi32, #tpu.memory_space<hbm>> -> memref<2x128xi32, #tpu.memory_space<hbm>>
        %dma_wait3A_229 = arith.constant 0 : i32
        %dma_wait3A_230 = arith.constant 0 : i32
        %dma_wait3A_231 = tpu.memref_slice %arg6[%run_scoped3A_193, %dma_wait3A_229, %dma_wait3A_230] : memref<2x2x128xi32, #tpu.memory_space<vmem>> -> memref<1x2x128xi32, #tpu.memory_space<vmem>>
        %dma_wait3A_232 = tpu.memref_squeeze %dma_wait3A_231 : memref<1x2x128xi32, #tpu.memory_space<vmem>> -> memref<2x128xi32, #tpu.memory_space<vmem>>
        %dma_wait3A_233 = arith.constant 0 : i32
        %dma_wait3A_234 = tpu.memref_slice %arg3[%arg0, %dma_wait3A_233, %add3A_192] : memref<2x2x323584xi32, #tpu.memory_space<hbm>> -> memref<1x2x128xi32, #tpu.memory_space<hbm>>
        %dma_wait3A_235 = tpu.memref_squeeze %dma_wait3A_234 : memref<1x2x128xi32, #tpu.memory_space<hbm>> -> memref<2x128xi32, #tpu.memory_space<hbm>>
        tpu.wait_dma2 semaphore(%run_scoped3A_207 : memref<!tpu.dma_semaphore, #tpu.memory_space<semaphore_mem>>) src(%dma_wait3A_235 : memref<2x128xi32, #tpu.memory_space<hbm>>) dst(%dma_wait3A_232 : memref<2x128xi32, #tpu.memory_space<vmem>>)
        tpu.yield
      }) : () -> ()
      %dma_start3A_194 = arith.constant 1 : i32
      %dma_start3A_195 = arith.constant 0 : i32
      %dma_start3A_196 = arith.constant 0 : i32
      %dma_start3A_197 = tpu.memref_slice %arg6[%dma_start3A_194, %dma_start3A_195, %dma_start3A_196] : memref<2x2x128xi32, #tpu.memory_space<vmem>> -> memref<1x1x128xi32, #tpu.memory_space<vmem>>
      %dma_start3A_198 = tpu.memref_squeeze %dma_start3A_197 : memref<1x1x128xi32, #tpu.memory_space<vmem>> -> memref<128xi32, #tpu.memory_space<vmem>>
      %dma_start3A_199 = arith.constant 0 : i32
      %dma_start3A_200 = arith.constant 0 : i32
      %dma_start3A_201 = tpu.memref_slice %arg2[%arg0, %dma_start3A_199, %dma_start3A_200] : memref<2x5000x128xf32, #tpu.memory_space<hbm>> -> memref<1x5000x128xf32, #tpu.memory_space<hbm>>
      %dma_start3A_202 = tpu.memref_squeeze %dma_start3A_201 : memref<1x5000x128xf32, #tpu.memory_space<hbm>> -> memref<5000x128xf32, #tpu.memory_space<hbm>>
      %dma_start3A_203 = arith.constant 0 : i32
      %dma_start3A_204 = arith.constant 0 : i32
      %dma_start3A_205 = tpu.memref_slice %dma_start3A_202[%dma_start3A_203, %dma_start3A_204] : memref<5000x128xf32, #tpu.memory_space<hbm>> -> memref<5000x128xf32, #tpu.memory_space<hbm>>
      tpu.enqueue_indirect_dma source(%dma_start3A_205 : memref<5000x128xf32, #tpu.memory_space<hbm>>) target(%arg8 : memref<128x128xf32, #tpu.memory_space<vmem>>) offsets(%dma_start3A_198 : memref<128xi32, #tpu.memory_space<vmem>>) semaphore(%arg10 : memref<!tpu.dma_semaphore, #tpu.memory_space<semaphore_mem>>)
      %scan3A_206 = arith.constant 0 : i32
      scf.yield %scan3A_206 : i32
    }
    %scan3A_49 = arith.constant 78 : i32
    %dma_wait3A = arith.constant 0 : i32
    %dma_wait3A_50 = arith.constant 0 : i32
    %dma_wait3A_51 = arith.constant 0 : i32
    %dma_wait3A_52 = tpu.memref_slice %arg6[%dma_wait3A, %dma_wait3A_50, %dma_wait3A_51] : memref<2x2x128xi32, #tpu.memory_space<vmem>> -> memref<1x1x128xi32, #tpu.memory_space<vmem>>
    %dma_wait3A_53 = tpu.memref_squeeze %dma_wait3A_52 : memref<1x1x128xi32, #tpu.memory_space<vmem>> -> memref<128xi32, #tpu.memory_space<vmem>>
    %dma_wait3A_54 = arith.constant 0 : i32
    %dma_wait3A_55 = arith.constant 0 : i32
    %dma_wait3A_56 = tpu.memref_slice %arg2[%arg0, %dma_wait3A_54, %dma_wait3A_55] : memref<2x5000x128xf32, #tpu.memory_space<hbm>> -> memref<1x5000x128xf32, #tpu.memory_space<hbm>>
    %dma_wait3A_57 = tpu.memref_squeeze %dma_wait3A_56 : memref<1x5000x128xf32, #tpu.memory_space<hbm>> -> memref<5000x128xf32, #tpu.memory_space<hbm>>
    %dma_wait3A_58 = arith.constant 0 : i32
    %dma_wait3A_59 = arith.constant 0 : i32
    %dma_wait3A_60 = tpu.memref_slice %dma_wait3A_57[%dma_wait3A_58, %dma_wait3A_59] : memref<5000x128xf32, #tpu.memory_space<hbm>> -> memref<5000x128xf32, #tpu.memory_space<hbm>>
    tpu.wait_indirect_dma semaphore(%arg9 : memref<!tpu.dma_semaphore, #tpu.memory_space<semaphore_mem>>) src(%dma_wait3A_60 : memref<5000x128xf32, #tpu.memory_space<hbm>>) dst(%arg7 : memref<128x128xf32, #tpu.memory_space<vmem>>)
    %dma_start3A_61 = arith.constant 0 : i32
    %dma_start3A_62 = arith.constant 1 : i32
    %dma_start3A_63 = arith.constant 0 : i32
    %dma_start3A_64 = tpu.memref_slice %arg6[%dma_start3A_61, %dma_start3A_62, %dma_start3A_63] : memref<2x2x128xi32, #tpu.memory_space<vmem>> -> memref<1x1x128xi32, #tpu.memory_space<vmem>>
    %dma_start3A_65 = tpu.memref_squeeze %dma_start3A_64 : memref<1x1x128xi32, #tpu.memory_space<vmem>> -> memref<128xi32, #tpu.memory_space<vmem>>
    %dma_start3A_66 = arith.constant 0 : i32
    %dma_start3A_67 = arith.constant 0 : i32
    %dma_start3A_68 = tpu.memref_slice %arg5[%dma_start3A_66, %dma_start3A_67] : memref<5120x128xf32, #tpu.memory_space<vmem_shared>> -> memref<5120x128xf32, #tpu.memory_space<vmem_shared>>
    tpu.enqueue_indirect_dma source(%arg7 : memref<128x128xf32, #tpu.memory_space<vmem>>) target(%dma_start3A_68 : memref<5120x128xf32, #tpu.memory_space<vmem_shared>>) offsets(%dma_start3A_65 : memref<128xi32, #tpu.memory_space<vmem>>) semaphore(%arg11 : memref<!tpu.dma_semaphore, #tpu.memory_space<semaphore_mem>>) {add = true}
    %dma_wait3A_69 = arith.constant 1 : i32
    %dma_wait3A_70 = arith.constant 0 : i32
    %dma_wait3A_71 = arith.constant 0 : i32
    %dma_wait3A_72 = tpu.memref_slice %arg6[%dma_wait3A_69, %dma_wait3A_70, %dma_wait3A_71] : memref<2x2x128xi32, #tpu.memory_space<vmem>> -> memref<1x1x128xi32, #tpu.memory_space<vmem>>
    %dma_wait3A_73 = tpu.memref_squeeze %dma_wait3A_72 : memref<1x1x128xi32, #tpu.memory_space<vmem>> -> memref<128xi32, #tpu.memory_space<vmem>>
    %dma_wait3A_74 = arith.constant 0 : i32
    %dma_wait3A_75 = arith.constant 0 : i32
    %dma_wait3A_76 = tpu.memref_slice %arg2[%arg0, %dma_wait3A_74, %dma_wait3A_75] : memref<2x5000x128xf32, #tpu.memory_space<hbm>> -> memref<1x5000x128xf32, #tpu.memory_space<hbm>>
    %dma_wait3A_77 = tpu.memref_squeeze %dma_wait3A_76 : memref<1x5000x128xf32, #tpu.memory_space<hbm>> -> memref<5000x128xf32, #tpu.memory_space<hbm>>
    %dma_wait3A_78 = arith.constant 0 : i32
    %dma_wait3A_79 = arith.constant 0 : i32
    %dma_wait3A_80 = tpu.memref_slice %dma_wait3A_77[%dma_wait3A_78, %dma_wait3A_79] : memref<5000x128xf32, #tpu.memory_space<hbm>> -> memref<5000x128xf32, #tpu.memory_space<hbm>>
    tpu.wait_indirect_dma semaphore(%arg10 : memref<!tpu.dma_semaphore, #tpu.memory_space<semaphore_mem>>) src(%dma_wait3A_80 : memref<5000x128xf32, #tpu.memory_space<hbm>>) dst(%arg8 : memref<128x128xf32, #tpu.memory_space<vmem>>)
    %dma_start3A_81 = arith.constant 1 : i32
    %dma_start3A_82 = arith.constant 1 : i32
    %dma_start3A_83 = arith.constant 0 : i32
    %dma_start3A_84 = tpu.memref_slice %arg6[%dma_start3A_81, %dma_start3A_82, %dma_start3A_83] : memref<2x2x128xi32, #tpu.memory_space<vmem>> -> memref<1x1x128xi32, #tpu.memory_space<vmem>>
    %dma_start3A_85 = tpu.memref_squeeze %dma_start3A_84 : memref<1x1x128xi32, #tpu.memory_space<vmem>> -> memref<128xi32, #tpu.memory_space<vmem>>
    %dma_start3A_86 = arith.constant 0 : i32
    %dma_start3A_87 = arith.constant 0 : i32
    %dma_start3A_88 = tpu.memref_slice %arg5[%dma_start3A_86, %dma_start3A_87] : memref<5120x128xf32, #tpu.memory_space<vmem_shared>> -> memref<5120x128xf32, #tpu.memory_space<vmem_shared>>
    tpu.enqueue_indirect_dma source(%arg8 : memref<128x128xf32, #tpu.memory_space<vmem>>) target(%dma_start3A_88 : memref<5120x128xf32, #tpu.memory_space<vmem_shared>>) offsets(%dma_start3A_85 : memref<128xi32, #tpu.memory_space<vmem>>) semaphore(%arg12 : memref<!tpu.dma_semaphore, #tpu.memory_space<semaphore_mem>>) {add = true}
    %dma_wait3A_89 = arith.constant 0 : i32
    %dma_wait3A_90 = arith.constant 1 : i32
    %dma_wait3A_91 = arith.constant 0 : i32
    %dma_wait3A_92 = tpu.memref_slice %arg6[%dma_wait3A_89, %dma_wait3A_90, %dma_wait3A_91] : memref<2x2x128xi32, #tpu.memory_space<vmem>> -> memref<1x1x128xi32, #tpu.memory_space<vmem>>
    %dma_wait3A_93 = tpu.memref_squeeze %dma_wait3A_92 : memref<1x1x128xi32, #tpu.memory_space<vmem>> -> memref<128xi32, #tpu.memory_space<vmem>>
    %dma_wait3A_94 = arith.constant 0 : i32
    %dma_wait3A_95 = arith.constant 0 : i32
    %dma_wait3A_96 = tpu.memref_slice %arg5[%dma_wait3A_94, %dma_wait3A_95] : memref<5120x128xf32, #tpu.memory_space<vmem_shared>> -> memref<5120x128xf32, #tpu.memory_space<vmem_shared>>
    tpu.wait_indirect_dma semaphore(%arg11 : memref<!tpu.dma_semaphore, #tpu.memory_space<semaphore_mem>>) src(%arg7 : memref<128x128xf32, #tpu.memory_space<vmem>>) dst(%dma_wait3A_96 : memref<5120x128xf32, #tpu.memory_space<vmem_shared>>)
    %dma_wait3A_97 = arith.constant 1 : i32
    %dma_wait3A_98 = arith.constant 1 : i32
    %dma_wait3A_99 = arith.constant 0 : i32
    %dma_wait3A_100 = tpu.memref_slice %arg6[%dma_wait3A_97, %dma_wait3A_98, %dma_wait3A_99] : memref<2x2x128xi32, #tpu.memory_space<vmem>> -> memref<1x1x128xi32, #tpu.memory_space<vmem>>
    %dma_wait3A_101 = tpu.memref_squeeze %dma_wait3A_100 : memref<1x1x128xi32, #tpu.memory_space<vmem>> -> memref<128xi32, #tpu.memory_space<vmem>>
    %dma_wait3A_102 = arith.constant 0 : i32
    %dma_wait3A_103 = arith.constant 0 : i32
    %dma_wait3A_104 = tpu.memref_slice %arg5[%dma_wait3A_102, %dma_wait3A_103] : memref<5120x128xf32, #tpu.memory_space<vmem_shared>> -> memref<5120x128xf32, #tpu.memory_space<vmem_shared>>
    tpu.wait_indirect_dma semaphore(%arg12 : memref<!tpu.dma_semaphore, #tpu.memory_space<semaphore_mem>>) src(%arg8 : memref<128x128xf32, #tpu.memory_space<vmem>>) dst(%dma_wait3A_104 : memref<5120x128xf32, #tpu.memory_space<vmem_shared>>)
    %barrier3A_105 = arith.constant 0 : index
    tpu.barrier barrier_id(%barrier3A_105)
    "tpu.region"() ({
      %run_scoped3A_106 = tpu.sem_alloc : memref<!tpu.dma_semaphore, #tpu.memory_space<semaphore_mem>>
      %dma_start3A_107 = arith.constant 0 : i32
      %dma_start3A_108 = tpu.memref_slice %arg4[%arg0, %mul3A_7, %dma_start3A_107] : memref<2x5120x128xf32, #tpu.memory_space<hbm>> -> memref<1x320x128xf32, #tpu.memory_space<hbm>>
      %dma_start3A_109 = tpu.memref_squeeze %dma_start3A_108 : memref<1x320x128xf32, #tpu.memory_space<hbm>> -> memref<320x128xf32, #tpu.memory_space<hbm>>
      %dma_start3A_110 = arith.constant 0 : i32
      %dma_start3A_111 = tpu.memref_slice %arg5[%mul3A_7, %dma_start3A_110] : memref<5120x128xf32, #tpu.memory_space<vmem_shared>> -> memref<320x128xf32, #tpu.memory_space<vmem_shared>>
      tpu.enqueue_dma source(%dma_start3A_111 : memref<320x128xf32, #tpu.memory_space<vmem_shared>>) target(%dma_start3A_109 : memref<320x128xf32, #tpu.memory_space<hbm>>) target_semaphore(%run_scoped3A_106 : memref<!tpu.dma_semaphore, #tpu.memory_space<semaphore_mem>>)
      %dma_wait3A_112 = arith.constant 0 : i32
      %dma_wait3A_113 = tpu.memref_slice %arg4[%arg0, %mul3A_7, %dma_wait3A_112] : memref<2x5120x128xf32, #tpu.memory_space<hbm>> -> memref<1x320x128xf32, #tpu.memory_space<hbm>>
      %dma_wait3A_114 = tpu.memref_squeeze %dma_wait3A_113 : memref<1x320x128xf32, #tpu.memory_space<hbm>> -> memref<320x128xf32, #tpu.memory_space<hbm>>
      %dma_wait3A_115 = arith.constant 0 : i32
      %dma_wait3A_116 = tpu.memref_slice %arg5[%mul3A_7, %dma_wait3A_115] : memref<5120x128xf32, #tpu.memory_space<vmem_shared>> -> memref<320x128xf32, #tpu.memory_space<vmem_shared>>
      tpu.wait_dma2 semaphore(%run_scoped3A_106 : memref<!tpu.dma_semaphore, #tpu.memory_space<semaphore_mem>>) src(%dma_wait3A_116 : memref<320x128xf32, #tpu.memory_space<vmem_shared>>) dst(%dma_wait3A_114 : memref<320x128xf32, #tpu.memory_space<hbm>>)
      tpu.yield
    }) : () -> ()
    return
  }
}

#map = affine_map<(d0, d1) -> (0, 0, 0)>
module attributes {stable_mosaic.version = 14 : i64} {
  func.func @body(%arg0: i32, %arg1: i32, %arg2: memref<2x5000x128xf32, #tpu.memory_space<hbm>>, %arg3: memref<2x2x323584xi32, #tpu.memory_space<hbm>>, %arg4: memref<2x5120x128xf32, #tpu.memory_space<hbm>>, %arg5: memref<5120x128xf32, #tpu.memory_space<vmem_shared>>, %arg6: memref<2x2x128xi32, #tpu.memory_space<vmem>>, %arg7: memref<128x128xf32, #tpu.memory_space<vmem>>, %arg8: memref<128x128xf32, #tpu.memory_space<vmem>>, %arg9: memref<!tpu.dma_semaphore, #tpu.memory_space<semaphore_mem>>, %arg10: memref<!tpu.dma_semaphore, #tpu.memory_space<semaphore_mem>>, %arg11: memref<!tpu.dma_semaphore, #tpu.memory_space<semaphore_mem>>, %arg12: memref<!tpu.dma_semaphore, #tpu.memory_space<semaphore_mem>>) attributes {dimension_semantics = [#tpu.dimension_semantics<core_parallel>, #tpu.dimension_semantics<subcore_parallel>], iteration_bounds = array<i64: 2, 16>, scalar_prefetch = 0 : i64, scratch_operands = 8 : i64, tpu.core_type = #tpu.core_type<sc_vector_subcore>, window_params = [{transform_indices = #map}, {transform_indices = #map}, {transform_indices = #map}]} {
    %broadcast_in_dim3A = arith.constant 0.000000e+00 : f32
    %broadcast_in_dim3A_0 = vector.broadcast %broadcast_in_dim3A : f32 to vector<16xf32>
    %scan3A = arith.constant 0 : i32
    %scan3A_1 = arith.constant 0 : i32
    %scan3A_2 = arith.constant 128 : i32
    %scan3A_3 = arith.addi %scan3A_1, %scan3A_2 : i32
    %scan3A_4 = arith.constant 1 : i32
    %scan3A_5 = scf.for %scan3A_106 = %scan3A_1 to %scan3A_3 step %scan3A_4 iter_args(%scan3A_107 = %scan3A) -> (i32)  : i32 {
      %swap3A = arith.index_cast %scan3A_106 : i32 to index
      %swap3A_108 = arith.constant 0 : index
      %swap3A_109 = tpu.vector_load %arg7[%swap3A, %swap3A_108] {strides = array<i32>} : memref<128x128xf32, #tpu.memory_space<vmem>>, vector<1x16xf32>,
      %swap3A_110 = vector.shape_cast %swap3A_109 : vector<1x16xf32> to vector<16xf32>
      %swap3A_111 = vector.shape_cast %broadcast_in_dim3A_0 : vector<16xf32> to vector<1x16xf32>
      tpu.vector_store %arg7[%swap3A, %swap3A_108], %swap3A_111 {strides = array<i32>} : memref<128x128xf32, #tpu.memory_space<vmem>>, vector<1x16xf32>,
      %swap3A_112 = arith.index_cast %scan3A_106 : i32 to index
      %swap3A_113 = arith.constant 16 : index
      %swap3A_114 = tpu.vector_load %arg7[%swap3A_112, %swap3A_113] {strides = array<i32>} : memref<128x128xf32, #tpu.memory_space<vmem>>, vector<1x16xf32>,
      %swap3A_115 = vector.shape_cast %swap3A_114 : vector<1x16xf32> to vector<16xf32>
      %swap3A_116 = vector.shape_cast %broadcast_in_dim3A_0 : vector<16xf32> to vector<1x16xf32>
      tpu.vector_store %arg7[%swap3A_112, %swap3A_113], %swap3A_116 {strides = array<i32>} : memref<128x128xf32, #tpu.memory_space<vmem>>, vector<1x16xf32>,
      %swap3A_117 = arith.index_cast %scan3A_106 : i32 to index
      %swap3A_118 = arith.constant 32 : index
      %swap3A_119 = tpu.vector_load %arg7[%swap3A_117, %swap3A_118] {strides = array<i32>} : memref<128x128xf32, #tpu.memory_space<vmem>>, vector<1x16xf32>,
      %swap3A_120 = vector.shape_cast %swap3A_119 : vector<1x16xf32> to vector<16xf32>
      %swap3A_121 = vector.shape_cast %broadcast_in_dim3A_0 : vector<16xf32> to vector<1x16xf32>
      tpu.vector_store %arg7[%swap3A_117, %swap3A_118], %swap3A_121 {strides = array<i32>} : memref<128x128xf32, #tpu.memory_space<vmem>>, vector<1x16xf32>,
      %swap3A_122 = arith.index_cast %scan3A_106 : i32 to index
      %swap3A_123 = arith.constant 48 : index
      %swap3A_124 = tpu.vector_load %arg7[%swap3A_122, %swap3A_123] {strides = array<i32>} : memref<128x128xf32, #tpu.memory_space<vmem>>, vector<1x16xf32>,
      %swap3A_125 = vector.shape_cast %swap3A_124 : vector<1x16xf32> to vector<16xf32>
      %swap3A_126 = vector.shape_cast %broadcast_in_dim3A_0 : vector<16xf32> to vector<1x16xf32>
      tpu.vector_store %arg7[%swap3A_122, %swap3A_123], %swap3A_126 {strides = array<i32>} : memref<128x128xf32, #tpu.memory_space<vmem>>, vector<1x16xf32>,
      %swap3A_127 = arith.index_cast %scan3A_106 : i32 to index
      %swap3A_128 = arith.constant 64 : index
      %swap3A_129 = tpu.vector_load %arg7[%swap3A_127, %swap3A_128] {strides = array<i32>} : memref<128x128xf32, #tpu.memory_space<vmem>>, vector<1x16xf32>,
      %swap3A_130 = vector.shape_cast %swap3A_129 : vector<1x16xf32> to vector<16xf32>
      %swap3A_131 = vector.shape_cast %broadcast_in_dim3A_0 : vector<16xf32> to vector<1x16xf32>
      tpu.vector_store %arg7[%swap3A_127, %swap3A_128], %swap3A_131 {strides = array<i32>} : memref<128x128xf32, #tpu.memory_space<vmem>>, vector<1x16xf32>,
      %swap3A_132 = arith.index_cast %scan3A_106 : i32 to index
      %swap3A_133 = arith.constant 80 : index
      %swap3A_134 = tpu.vector_load %arg7[%swap3A_132, %swap3A_133] {strides = array<i32>} : memref<128x128xf32, #tpu.memory_space<vmem>>, vector<1x16xf32>,
      %swap3A_135 = vector.shape_cast %swap3A_134 : vector<1x16xf32> to vector<16xf32>
      %swap3A_136 = vector.shape_cast %broadcast_in_dim3A_0 : vector<16xf32> to vector<1x16xf32>
      tpu.vector_store %arg7[%swap3A_132, %swap3A_133], %swap3A_136 {strides = array<i32>} : memref<128x128xf32, #tpu.memory_space<vmem>>, vector<1x16xf32>,
      %swap3A_137 = arith.index_cast %scan3A_106 : i32 to index
      %swap3A_138 = arith.constant 96 : index
      %swap3A_139 = tpu.vector_load %arg7[%swap3A_137, %swap3A_138] {strides = array<i32>} : memref<128x128xf32, #tpu.memory_space<vmem>>, vector<1x16xf32>,
      %swap3A_140 = vector.shape_cast %swap3A_139 : vector<1x16xf32> to vector<16xf32>
      %swap3A_141 = vector.shape_cast %broadcast_in_dim3A_0 : vector<16xf32> to vector<1x16xf32>
      tpu.vector_store %arg7[%swap3A_137, %swap3A_138], %swap3A_141 {strides = array<i32>} : memref<128x128xf32, #tpu.memory_space<vmem>>, vector<1x16xf32>,
      %swap3A_142 = arith.index_cast %scan3A_106 : i32 to index
      %swap3A_143 = arith.constant 112 : index
      %swap3A_144 = tpu.vector_load %arg7[%swap3A_142, %swap3A_143] {strides = array<i32>} : memref<128x128xf32, #tpu.memory_space<vmem>>, vector<1x16xf32>,
      %swap3A_145 = vector.shape_cast %swap3A_144 : vector<1x16xf32> to vector<16xf32>
      %swap3A_146 = vector.shape_cast %broadcast_in_dim3A_0 : vector<16xf32> to vector<1x16xf32>
      tpu.vector_store %arg7[%swap3A_142, %swap3A_143], %swap3A_146 {strides = array<i32>} : memref<128x128xf32, #tpu.memory_space<vmem>>, vector<1x16xf32>,
      %scan3A_147 = arith.constant 0 : i32
      scf.yield %scan3A_147 : i32
    }
    %scan3A_6 = arith.constant 128 : i32
    %mul3A = arith.constant 320 : i32
    %mul3A_7 = arith.muli %arg1, %mul3A : i32
    %add3A = arith.constant 0 : i32
    %add3A_8 = arith.addi %mul3A_7, %add3A : i32
    "tpu.region"() ({
      %run_scoped3A_106 = tpu.sem_alloc : memref<!tpu.dma_semaphore, #tpu.memory_space<semaphore_mem>>
      %dma_start3A_107 = arith.constant 0 : i32
      %dma_start3A_108 = tpu.memref_slice %arg5[%add3A_8, %dma_start3A_107] : memref<5120x128xf32, #tpu.memory_space<vmem_shared>> -> memref<128x128xf32, #tpu.memory_space<vmem_shared>>
      %dma_start3A_109 = arith.constant 0 : i32
      %dma_start3A_110 = tpu.memref_slice %arg5[%add3A_8, %dma_start3A_109] : memref<5120x128xf32, #tpu.memory_space<vmem_shared>> -> memref<128x128xf32, #tpu.memory_space<vmem_shared>>
      tpu.enqueue_dma source(%arg7 : memref<128x128xf32, #tpu.memory_space<vmem>>) target(%dma_start3A_110 : memref<128x128xf32, #tpu.memory_space<vmem_shared>>) target_semaphore(%run_scoped3A_106 : memref<!tpu.dma_semaphore, #tpu.memory_space<semaphore_mem>>)
      %dma_wait3A_111 = arith.constant 0 : i32
      %dma_wait3A_112 = tpu.memref_slice %arg5[%add3A_8, %dma_wait3A_111] : memref<5120x128xf32, #tpu.memory_space<vmem_shared>> -> memref<128x128xf32, #tpu.memory_space<vmem_shared>>
      %dma_wait3A_113 = arith.constant 0 : i32
      %dma_wait3A_114 = tpu.memref_slice %arg5[%add3A_8, %dma_wait3A_113] : memref<5120x128xf32, #tpu.memory_space<vmem_shared>> -> memref<128x128xf32, #tpu.memory_space<vmem_shared>>
      tpu.wait_dma2 semaphore(%run_scoped3A_106 : memref<!tpu.dma_semaphore, #tpu.memory_space<semaphore_mem>>) src(%arg7 : memref<128x128xf32, #tpu.memory_space<vmem>>) dst(%dma_wait3A_114 : memref<128x128xf32, #tpu.memory_space<vmem_shared>>)
      tpu.yield
    }) : () -> ()
    %add3A_9 = arith.constant 128 : i32
    %add3A_10 = arith.addi %mul3A_7, %add3A_9 : i32
    "tpu.region"() ({
      %run_scoped3A_106 = tpu.sem_alloc : memref<!tpu.dma_semaphore, #tpu.memory_space<semaphore_mem>>
      %dma_start3A_107 = arith.constant 0 : i32
      %dma_start3A_108 = tpu.memref_slice %arg5[%add3A_10, %dma_start3A_107] : memref<5120x128xf32, #tpu.memory_space<vmem_shared>> -> memref<128x128xf32, #tpu.memory_space<vmem_shared>>
      %dma_start3A_109 = arith.constant 0 : i32
      %dma_start3A_110 = tpu.memref_slice %arg5[%add3A_10, %dma_start3A_109] : memref<5120x128xf32, #tpu.memory_space<vmem_shared>> -> memref<128x128xf32, #tpu.memory_space<vmem_shared>>
      tpu.enqueue_dma source(%arg7 : memref<128x128xf32, #tpu.memory_space<vmem>>) target(%dma_start3A_110 : memref<128x128xf32, #tpu.memory_space<vmem_shared>>) target_semaphore(%run_scoped3A_106 : memref<!tpu.dma_semaphore, #tpu.memory_space<semaphore_mem>>)
      %dma_wait3A_111 = arith.constant 0 : i32
      %dma_wait3A_112 = tpu.memref_slice %arg5[%add3A_10, %dma_wait3A_111] : memref<5120x128xf32, #tpu.memory_space<vmem_shared>> -> memref<128x128xf32, #tpu.memory_space<vmem_shared>>
      %dma_wait3A_113 = arith.constant 0 : i32
      %dma_wait3A_114 = tpu.memref_slice %arg5[%add3A_10, %dma_wait3A_113] : memref<5120x128xf32, #tpu.memory_space<vmem_shared>> -> memref<128x128xf32, #tpu.memory_space<vmem_shared>>
      tpu.wait_dma2 semaphore(%run_scoped3A_106 : memref<!tpu.dma_semaphore, #tpu.memory_space<semaphore_mem>>) src(%arg7 : memref<128x128xf32, #tpu.memory_space<vmem>>) dst(%dma_wait3A_114 : memref<128x128xf32, #tpu.memory_space<vmem_shared>>)
      tpu.yield
    }) : () -> ()
    %add3A_11 = arith.constant 256 : i32
    %add3A_12 = arith.addi %mul3A_7, %add3A_11 : i32
    "tpu.region"() ({
      %run_scoped3A_106 = tpu.sem_alloc : memref<!tpu.dma_semaphore, #tpu.memory_space<semaphore_mem>>
      %dma_start3A_107 = arith.constant 0 : i32
      %dma_start3A_108 = arith.constant 0 : i32
      %dma_start3A_109 = tpu.memref_slice %arg7[%dma_start3A_107, %dma_start3A_108] : memref<128x128xf32, #tpu.memory_space<vmem>> -> memref<64x128xf32, #tpu.memory_space<vmem>>
      %dma_start3A_110 = arith.constant 0 : i32
      %dma_start3A_111 = tpu.memref_slice %arg5[%add3A_12, %dma_start3A_110] : memref<5120x128xf32, #tpu.memory_space<vmem_shared>> -> memref<64x128xf32, #tpu.memory_space<vmem_shared>>
      %dma_start3A_112 = arith.constant 0 : i32
      %dma_start3A_113 = tpu.memref_slice %arg5[%add3A_12, %dma_start3A_112] : memref<5120x128xf32, #tpu.memory_space<vmem_shared>> -> memref<64x128xf32, #tpu.memory_space<vmem_shared>>
      %dma_start3A_114 = arith.constant 0 : i32
      %dma_start3A_115 = arith.constant 0 : i32
      %dma_start3A_116 = tpu.memref_slice %arg7[%dma_start3A_114, %dma_start3A_115] : memref<128x128xf32, #tpu.memory_space<vmem>> -> memref<64x128xf32, #tpu.memory_space<vmem>>
      tpu.enqueue_dma source(%dma_start3A_116 : memref<64x128xf32, #tpu.memory_space<vmem>>) target(%dma_start3A_113 : memref<64x128xf32, #tpu.memory_space<vmem_shared>>) target_semaphore(%run_scoped3A_106 : memref<!tpu.dma_semaphore, #tpu.memory_space<semaphore_mem>>)
      %dma_wait3A_117 = arith.constant 0 : i32
      %dma_wait3A_118 = arith.constant 0 : i32
      %dma_wait3A_119 = tpu.memref_slice %arg7[%dma_wait3A_117, %dma_wait3A_118] : memref<128x128xf32, #tpu.memory_space<vmem>> -> memref<64x128xf32, #tpu.memory_space<vmem>>
      %dma_wait3A_120 = arith.constant 0 : i32
      %dma_wait3A_121 = tpu.memref_slice %arg5[%add3A_12, %dma_wait3A_120] : memref<5120x128xf32, #tpu.memory_space<vmem_shared>> -> memref<64x128xf32, #tpu.memory_space<vmem_shared>>
      %dma_wait3A_122 = arith.constant 0 : i32
      %dma_wait3A_123 = tpu.memref_slice %arg5[%add3A_12, %dma_wait3A_122] : memref<5120x128xf32, #tpu.memory_space<vmem_shared>> -> memref<64x128xf32, #tpu.memory_space<vmem_shared>>
      %dma_wait3A_124 = arith.constant 0 : i32
      %dma_wait3A_125 = arith.constant 0 : i32
      %dma_wait3A_126 = tpu.memref_slice %arg7[%dma_wait3A_124, %dma_wait3A_125] : memref<128x128xf32, #tpu.memory_space<vmem>> -> memref<64x128xf32, #tpu.memory_space<vmem>>
      tpu.wait_dma2 semaphore(%run_scoped3A_106 : memref<!tpu.dma_semaphore, #tpu.memory_space<semaphore_mem>>) src(%dma_wait3A_126 : memref<64x128xf32, #tpu.memory_space<vmem>>) dst(%dma_wait3A_123 : memref<64x128xf32, #tpu.memory_space<vmem_shared>>)
      tpu.yield
    }) : () -> ()
    %barrier3A = arith.constant 0 : index
    tpu.barrier barrier_id(%barrier3A)
    %mul3A_13 = arith.constant 20224 : i32
    %mul3A_14 = arith.muli %arg1, %mul3A_13 : i32
    %add3A_15 = arith.constant 0 : i32
    %add3A_16 = arith.addi %mul3A_14, %add3A_15 : i32
    %run_scoped3A = arith.constant 0 : i32
    "tpu.region"() ({
      %run_scoped3A_106 = tpu.sem_alloc : memref<!tpu.dma_semaphore, #tpu.memory_space<semaphore_mem>>
      %dma_start3A_107 = arith.constant 0 : i32
      %dma_start3A_108 = arith.constant 0 : i32
      %dma_start3A_109 = tpu.memref_slice %arg6[%run_scoped3A, %dma_start3A_107, %dma_start3A_108] : memref<2x2x128xi32, #tpu.memory_space<vmem>> -> memref<1x2x128xi32, #tpu.memory_space<vmem>>
      %dma_start3A_110 = tpu.memref_squeeze %dma_start3A_109 : memref<1x2x128xi32, #tpu.memory_space<vmem>> -> memref<2x128xi32, #tpu.memory_space<vmem>>
      %dma_start3A_111 = arith.constant 0 : i32
      %dma_start3A_112 = tpu.memref_slice %arg3[%arg0, %dma_start3A_111, %add3A_16] : memref<2x2x323584xi32, #tpu.memory_space<hbm>> -> memref<1x2x128xi32, #tpu.memory_space<hbm>>
      %dma_start3A_113 = tpu.memref_squeeze %dma_start3A_112 : memref<1x2x128xi32, #tpu.memory_space<hbm>> -> memref<2x128xi32, #tpu.memory_space<hbm>>
      %dma_start3A_114 = arith.constant 0 : i32
      %dma_start3A_115 = arith.constant 0 : i32
      %dma_start3A_116 = tpu.memref_slice %arg6[%run_scoped3A, %dma_start3A_114, %dma_start3A_115] : memref<2x2x128xi32, #tpu.memory_space<vmem>> -> memref<1x2x128xi32, #tpu.memory_space<vmem>>
      %dma_start3A_117 = tpu.memref_squeeze %dma_start3A_116 : memref<1x2x128xi32, #tpu.memory_space<vmem>> -> memref<2x128xi32, #tpu.memory_space<vmem>>
      %dma_start3A_118 = arith.constant 0 : i32
      %dma_start3A_119 = tpu.memref_slice %arg3[%arg0, %dma_start3A_118, %add3A_16] : memref<2x2x323584xi32, #tpu.memory_space<hbm>> -> memref<1x2x128xi32, #tpu.memory_space<hbm>>
      %dma_start3A_120 = tpu.memref_squeeze %dma_start3A_119 : memref<1x2x128xi32, #tpu.memory_space<hbm>> -> memref<2x128xi32, #tpu.memory_space<hbm>>
      tpu.enqueue_dma source(%dma_start3A_120 : memref<2x128xi32, #tpu.memory_space<hbm>>) target(%dma_start3A_117 : memref<2x128xi32, #tpu.memory_space<vmem>>) target_semaphore(%run_scoped3A_106 : memref<!tpu.dma_semaphore, #tpu.memory_space<semaphore_mem>>)
      %dma_wait3A_121 = arith.constant 0 : i32
      %dma_wait3A_122 = arith.constant 0 : i32
      %dma_wait3A_123 = tpu.memref_slice %arg6[%run_scoped3A, %dma_wait3A_121, %dma_wait3A_122] : memref<2x2x128xi32, #tpu.memory_space<vmem>> -> memref<1x2x128xi32, #tpu.memory_space<vmem>>
      %dma_wait3A_124 = tpu.memref_squeeze %dma_wait3A_123 : memref<1x2x128xi32, #tpu.memory_space<vmem>> -> memref<2x128xi32, #tpu.memory_space<vmem>>
      %dma_wait3A_125 = arith.constant 0 : i32
      %dma_wait3A_126 = tpu.memref_slice %arg3[%arg0, %dma_wait3A_125, %add3A_16] : memref<2x2x323584xi32, #tpu.memory_space<hbm>> -> memref<1x2x128xi32, #tpu.memory_space<hbm>>
      %dma_wait3A_127 = tpu.memref_squeeze %dma_wait3A_126 : memref<1x2x128xi32, #tpu.memory_space<hbm>> -> memref<2x128xi32, #tpu.memory_space<hbm>>
      %dma_wait3A_128 = arith.constant 0 : i32
      %dma_wait3A_129 = arith.constant 0 : i32
      %dma_wait3A_130 = tpu.memref_slice %arg6[%run_scoped3A, %dma_wait3A_128, %dma_wait3A_129] : memref<2x2x128xi32, #tpu.memory_space<vmem>> -> memref<1x2x128xi32, #tpu.memory_space<vmem>>
      %dma_wait3A_131 = tpu.memref_squeeze %dma_wait3A_130 : memref<1x2x128xi32, #tpu.memory_space<vmem>> -> memref<2x128xi32, #tpu.memory_space<vmem>>
      %dma_wait3A_132 = arith.constant 0 : i32
      %dma_wait3A_133 = tpu.memref_slice %arg3[%arg0, %dma_wait3A_132, %add3A_16] : memref<2x2x323584xi32, #tpu.memory_space<hbm>> -> memref<1x2x128xi32, #tpu.memory_space<hbm>>
      %dma_wait3A_134 = tpu.memref_squeeze %dma_wait3A_133 : memref<1x2x128xi32, #tpu.memory_space<hbm>> -> memref<2x128xi32, #tpu.memory_space<hbm>>
      tpu.wait_dma2 semaphore(%run_scoped3A_106 : memref<!tpu.dma_semaphore, #tpu.memory_space<semaphore_mem>>) src(%dma_wait3A_134 : memref<2x128xi32, #tpu.memory_space<hbm>>) dst(%dma_wait3A_131 : memref<2x128xi32, #tpu.memory_space<vmem>>)
      tpu.yield
    }) : () -> ()
    %dma_start3A = arith.constant 0 : i32
    %dma_start3A_17 = arith.constant 0 : i32
    %dma_start3A_18 = arith.constant 0 : i32
    %dma_start3A_19 = tpu.memref_slice %arg6[%dma_start3A, %dma_start3A_17, %dma_start3A_18] : memref<2x2x128xi32, #tpu.memory_space<vmem>> -> memref<1x1x128xi32, #tpu.memory_space<vmem>>
    %dma_start3A_20 = tpu.memref_squeeze %dma_start3A_19 : memref<1x1x128xi32, #tpu.memory_space<vmem>> -> memref<128xi32, #tpu.memory_space<vmem>>
    %dma_start3A_21 = arith.constant 0 : i32
    %dma_start3A_22 = arith.constant 0 : i32
    %dma_start3A_23 = tpu.memref_slice %arg2[%arg0, %dma_start3A_21, %dma_start3A_22] : memref<2x5000x128xf32, #tpu.memory_space<hbm>> -> memref<1x5000x128xf32, #tpu.memory_space<hbm>>
    %dma_start3A_24 = tpu.memref_squeeze %dma_start3A_23 : memref<1x5000x128xf32, #tpu.memory_space<hbm>> -> memref<5000x128xf32, #tpu.memory_space<hbm>>
    %dma_start3A_25 = arith.constant 0 : i32
    %dma_start3A_26 = arith.constant 0 : i32
    %dma_start3A_27 = tpu.memref_slice %dma_start3A_24[%dma_start3A_25, %dma_start3A_26] : memref<5000x128xf32, #tpu.memory_space<hbm>> -> memref<5000x128xf32, #tpu.memory_space<hbm>>
    tpu.enqueue_indirect_dma source(%dma_start3A_27 : memref<5000x128xf32, #tpu.memory_space<hbm>>) target(%arg7 : memref<128x128xf32, #tpu.memory_space<vmem>>) offsets(%dma_start3A_20 : memref<128xi32, #tpu.memory_space<vmem>>) semaphore(%arg9 : memref<!tpu.dma_semaphore, #tpu.memory_space<semaphore_mem>>)
    %add3A_28 = arith.constant 128 : i32
    %add3A_29 = arith.addi %mul3A_14, %add3A_28 : i32
    %run_scoped3A_30 = arith.constant 1 : i32
    "tpu.region"() ({
      %run_scoped3A_106 = tpu.sem_alloc : memref<!tpu.dma_semaphore, #tpu.memory_space<semaphore_mem>>
      %dma_start3A_107 = arith.constant 0 : i32
      %dma_start3A_108 = arith.constant 0 : i32
      %dma_start3A_109 = tpu.memref_slice %arg6[%run_scoped3A_30, %dma_start3A_107, %dma_start3A_108] : memref<2x2x128xi32, #tpu.memory_space<vmem>> -> memref<1x2x128xi32, #tpu.memory_space<vmem>>
      %dma_start3A_110 = tpu.memref_squeeze %dma_start3A_109 : memref<1x2x128xi32, #tpu.memory_space<vmem>> -> memref<2x128xi32, #tpu.memory_space<vmem>>
      %dma_start3A_111 = arith.constant 0 : i32
      %dma_start3A_112 = tpu.memref_slice %arg3[%arg0, %dma_start3A_111, %add3A_29] : memref<2x2x323584xi32, #tpu.memory_space<hbm>> -> memref<1x2x128xi32, #tpu.memory_space<hbm>>
      %dma_start3A_113 = tpu.memref_squeeze %dma_start3A_112 : memref<1x2x128xi32, #tpu.memory_space<hbm>> -> memref<2x128xi32, #tpu.memory_space<hbm>>
      %dma_start3A_114 = arith.constant 0 : i32
      %dma_start3A_115 = arith.constant 0 : i32
      %dma_start3A_116 = tpu.memref_slice %arg6[%run_scoped3A_30, %dma_start3A_114, %dma_start3A_115] : memref<2x2x128xi32, #tpu.memory_space<vmem>> -> memref<1x2x128xi32, #tpu.memory_space<vmem>>
      %dma_start3A_117 = tpu.memref_squeeze %dma_start3A_116 : memref<1x2x128xi32, #tpu.memory_space<vmem>> -> memref<2x128xi32, #tpu.memory_space<vmem>>
      %dma_start3A_118 = arith.constant 0 : i32
      %dma_start3A_119 = tpu.memref_slice %arg3[%arg0, %dma_start3A_118, %add3A_29] : memref<2x2x323584xi32, #tpu.memory_space<hbm>> -> memref<1x2x128xi32, #tpu.memory_space<hbm>>
      %dma_start3A_120 = tpu.memref_squeeze %dma_start3A_119 : memref<1x2x128xi32, #tpu.memory_space<hbm>> -> memref<2x128xi32, #tpu.memory_space<hbm>>
      tpu.enqueue_dma source(%dma_start3A_120 : memref<2x128xi32, #tpu.memory_space<hbm>>) target(%dma_start3A_117 : memref<2x128xi32, #tpu.memory_space<vmem>>) target_semaphore(%run_scoped3A_106 : memref<!tpu.dma_semaphore, #tpu.memory_space<semaphore_mem>>)
      %dma_wait3A_121 = arith.constant 0 : i32
      %dma_wait3A_122 = arith.constant 0 : i32
      %dma_wait3A_123 = tpu.memref_slice %arg6[%run_scoped3A_30, %dma_wait3A_121, %dma_wait3A_122] : memref<2x2x128xi32, #tpu.memory_space<vmem>> -> memref<1x2x128xi32, #tpu.memory_space<vmem>>
      %dma_wait3A_124 = tpu.memref_squeeze %dma_wait3A_123 : memref<1x2x128xi32, #tpu.memory_space<vmem>> -> memref<2x128xi32, #tpu.memory_space<vmem>>
      %dma_wait3A_125 = arith.constant 0 : i32
      %dma_wait3A_126 = tpu.memref_slice %arg3[%arg0, %dma_wait3A_125, %add3A_29] : memref<2x2x323584xi32, #tpu.memory_space<hbm>> -> memref<1x2x128xi32, #tpu.memory_space<hbm>>
      %dma_wait3A_127 = tpu.memref_squeeze %dma_wait3A_126 : memref<1x2x128xi32, #tpu.memory_space<hbm>> -> memref<2x128xi32, #tpu.memory_space<hbm>>
      %dma_wait3A_128 = arith.constant 0 : i32
      %dma_wait3A_129 = arith.constant 0 : i32
      %dma_wait3A_130 = tpu.memref_slice %arg6[%run_scoped3A_30, %dma_wait3A_128, %dma_wait3A_129] : memref<2x2x128xi32, #tpu.memory_space<vmem>> -> memref<1x2x128xi32, #tpu.memory_space<vmem>>
      %dma_wait3A_131 = tpu.memref_squeeze %dma_wait3A_130 : memref<1x2x128xi32, #tpu.memory_space<vmem>> -> memref<2x128xi32, #tpu.memory_space<vmem>>
      %dma_wait3A_132 = arith.constant 0 : i32
      %dma_wait3A_133 = tpu.memref_slice %arg3[%arg0, %dma_wait3A_132, %add3A_29] : memref<2x2x323584xi32, #tpu.memory_space<hbm>> -> memref<1x2x128xi32, #tpu.memory_space<hbm>>
      %dma_wait3A_134 = tpu.memref_squeeze %dma_wait3A_133 : memref<1x2x128xi32, #tpu.memory_space<hbm>> -> memref<2x128xi32, #tpu.memory_space<hbm>>
      tpu.wait_dma2 semaphore(%run_scoped3A_106 : memref<!tpu.dma_semaphore, #tpu.memory_space<semaphore_mem>>) src(%dma_wait3A_134 : memref<2x128xi32, #tpu.memory_space<hbm>>) dst(%dma_wait3A_131 : memref<2x128xi32, #tpu.memory_space<vmem>>)
      tpu.yield
    }) : () -> ()
    %dma_start3A_31 = arith.constant 1 : i32
    %dma_start3A_32 = arith.constant 0 : i32
    %dma_start3A_33 = arith.constant 0 : i32
    %dma_start3A_34 = tpu.memref_slice %arg6[%dma_start3A_31, %dma_start3A_32, %dma_start3A_33] : memref<2x2x128xi32, #tpu.memory_space<vmem>> -> memref<1x1x128xi32, #tpu.memory_space<vmem>>
    %dma_start3A_35 = tpu.memref_squeeze %dma_start3A_34 : memref<1x1x128xi32, #tpu.memory_space<vmem>> -> memref<128xi32, #tpu.memory_space<vmem>>
    %dma_start3A_36 = arith.constant 0 : i32
    %dma_start3A_37 = arith.constant 0 : i32
    %dma_start3A_38 = tpu.memref_slice %arg2[%arg0, %dma_start3A_36, %dma_start3A_37] : memref<2x5000x128xf32, #tpu.memory_space<hbm>> -> memref<1x5000x128xf32, #tpu.memory_space<hbm>>
    %dma_start3A_39 = tpu.memref_squeeze %dma_start3A_38 : memref<1x5000x128xf32, #tpu.memory_space<hbm>> -> memref<5000x128xf32, #tpu.memory_space<hbm>>
    %dma_start3A_40 = arith.constant 0 : i32
    %dma_start3A_41 = arith.constant 0 : i32
    %dma_start3A_42 = tpu.memref_slice %dma_start3A_39[%dma_start3A_40, %dma_start3A_41] : memref<5000x128xf32, #tpu.memory_space<hbm>> -> memref<5000x128xf32, #tpu.memory_space<hbm>>
    tpu.enqueue_indirect_dma source(%dma_start3A_42 : memref<5000x128xf32, #tpu.memory_space<hbm>>) target(%arg8 : memref<128x128xf32, #tpu.memory_space<vmem>>) offsets(%dma_start3A_35 : memref<128xi32, #tpu.memory_space<vmem>>) semaphore(%arg10 : memref<!tpu.dma_semaphore, #tpu.memory_space<semaphore_mem>>)
    %scan3A_43 = arith.constant 0 : i32
    %scan3A_44 = arith.constant 0 : i32
    %scan3A_45 = arith.constant 78 : i32
    %scan3A_46 = arith.addi %scan3A_44, %scan3A_45 : i32
    %scan3A_47 = arith.constant 1 : i32
    %scan3A_48 = scf.for %scan3A_106 = %scan3A_44 to %scan3A_46 step %scan3A_47 iter_args(%scan3A_107 = %scan3A_43) -> (i32)  : i32 {
      %mul3A_108 = arith.constant 2 : i32
      %mul3A_109 = arith.muli %mul3A_108, %scan3A_106 : i32
      %dma_wait3A_110 = arith.constant 0 : i32
      %dma_wait3A_111 = arith.constant 0 : i32
      %dma_wait3A_112 = arith.constant 0 : i32
      %dma_wait3A_113 = tpu.memref_slice %arg6[%dma_wait3A_110, %dma_wait3A_111, %dma_wait3A_112] : memref<2x2x128xi32, #tpu.memory_space<vmem>> -> memref<1x1x128xi32, #tpu.memory_space<vmem>>
      %dma_wait3A_114 = tpu.memref_squeeze %dma_wait3A_113 : memref<1x1x128xi32, #tpu.memory_space<vmem>> -> memref<128xi32, #tpu.memory_space<vmem>>
      %dma_wait3A_115 = arith.constant 0 : i32
      %dma_wait3A_116 = arith.constant 0 : i32
      %dma_wait3A_117 = tpu.memref_slice %arg2[%arg0, %dma_wait3A_115, %dma_wait3A_116] : memref<2x5000x128xf32, #tpu.memory_space<hbm>> -> memref<1x5000x128xf32, #tpu.memory_space<hbm>>
      %dma_wait3A_118 = tpu.memref_squeeze %dma_wait3A_117 : memref<1x5000x128xf32, #tpu.memory_space<hbm>> -> memref<5000x128xf32, #tpu.memory_space<hbm>>
      %dma_wait3A_119 = arith.constant 0 : i32
      %dma_wait3A_120 = arith.constant 0 : i32
      %dma_wait3A_121 = tpu.memref_slice %dma_wait3A_118[%dma_wait3A_119, %dma_wait3A_120] : memref<5000x128xf32, #tpu.memory_space<hbm>> -> memref<5000x128xf32, #tpu.memory_space<hbm>>
      tpu.wait_indirect_dma semaphore(%arg9 : memref<!tpu.dma_semaphore, #tpu.memory_space<semaphore_mem>>) src(%dma_wait3A_121 : memref<5000x128xf32, #tpu.memory_space<hbm>>) dst(%arg7 : memref<128x128xf32, #tpu.memory_space<vmem>>)
      %dma_start3A_122 = arith.constant 0 : i32
      %dma_start3A_123 = arith.constant 1 : i32
      %dma_start3A_124 = arith.constant 0 : i32
      %dma_start3A_125 = tpu.memref_slice %arg6[%dma_start3A_122, %dma_start3A_123, %dma_start3A_124] : memref<2x2x128xi32, #tpu.memory_space<vmem>> -> memref<1x1x128xi32, #tpu.memory_space<vmem>>
      %dma_start3A_126 = tpu.memref_squeeze %dma_start3A_125 : memref<1x1x128xi32, #tpu.memory_space<vmem>> -> memref<128xi32, #tpu.memory_space<vmem>>
      %dma_start3A_127 = arith.constant 0 : i32
      %dma_start3A_128 = arith.constant 0 : i32
      %dma_start3A_129 = tpu.memref_slice %arg5[%dma_start3A_127, %dma_start3A_128] : memref<5120x128xf32, #tpu.memory_space<vmem_shared>> -> memref<5120x128xf32, #tpu.memory_space<vmem_shared>>
      tpu.enqueue_indirect_dma source(%arg7 : memref<128x128xf32, #tpu.memory_space<vmem>>) target(%dma_start3A_129 : memref<5120x128xf32, #tpu.memory_space<vmem_shared>>) offsets(%dma_start3A_126 : memref<128xi32, #tpu.memory_space<vmem>>) semaphore(%arg11 : memref<!tpu.dma_semaphore, #tpu.memory_space<semaphore_mem>>) {add = true}
      %dma_wait3A_130 = arith.constant 1 : i32
      %dma_wait3A_131 = arith.constant 0 : i32
      %dma_wait3A_132 = arith.constant 0 : i32
      %dma_wait3A_133 = tpu.memref_slice %arg6[%dma_wait3A_130, %dma_wait3A_131, %dma_wait3A_132] : memref<2x2x128xi32, #tpu.memory_space<vmem>> -> memref<1x1x128xi32, #tpu.memory_space<vmem>>
      %dma_wait3A_134 = tpu.memref_squeeze %dma_wait3A_133 : memref<1x1x128xi32, #tpu.memory_space<vmem>> -> memref<128xi32, #tpu.memory_space<vmem>>
      %dma_wait3A_135 = arith.constant 0 : i32
      %dma_wait3A_136 = arith.constant 0 : i32
      %dma_wait3A_137 = tpu.memref_slice %arg2[%arg0, %dma_wait3A_135, %dma_wait3A_136] : memref<2x5000x128xf32, #tpu.memory_space<hbm>> -> memref<1x5000x128xf32, #tpu.memory_space<hbm>>
      %dma_wait3A_138 = tpu.memref_squeeze %dma_wait3A_137 : memref<1x5000x128xf32, #tpu.memory_space<hbm>> -> memref<5000x128xf32, #tpu.memory_space<hbm>>
      %dma_wait3A_139 = arith.constant 0 : i32
      %dma_wait3A_140 = arith.constant 0 : i32
      %dma_wait3A_141 = tpu.memref_slice %dma_wait3A_138[%dma_wait3A_139, %dma_wait3A_140] : memref<5000x128xf32, #tpu.memory_space<hbm>> -> memref<5000x128xf32, #tpu.memory_space<hbm>>
      tpu.wait_indirect_dma semaphore(%arg10 : memref<!tpu.dma_semaphore, #tpu.memory_space<semaphore_mem>>) src(%dma_wait3A_141 : memref<5000x128xf32, #tpu.memory_space<hbm>>) dst(%arg8 : memref<128x128xf32, #tpu.memory_space<vmem>>)
      %dma_start3A_142 = arith.constant 1 : i32
      %dma_start3A_143 = arith.constant 1 : i32
      %dma_start3A_144 = arith.constant 0 : i32
      %dma_start3A_145 = tpu.memref_slice %arg6[%dma_start3A_142, %dma_start3A_143, %dma_start3A_144] : memref<2x2x128xi32, #tpu.memory_space<vmem>> -> memref<1x1x128xi32, #tpu.memory_space<vmem>>
      %dma_start3A_146 = tpu.memref_squeeze %dma_start3A_145 : memref<1x1x128xi32, #tpu.memory_space<vmem>> -> memref<128xi32, #tpu.memory_space<vmem>>
      %dma_start3A_147 = arith.constant 0 : i32
      %dma_start3A_148 = arith.constant 0 : i32
      %dma_start3A_149 = tpu.memref_slice %arg5[%dma_start3A_147, %dma_start3A_148] : memref<5120x128xf32, #tpu.memory_space<vmem_shared>> -> memref<5120x128xf32, #tpu.memory_space<vmem_shared>>
      tpu.enqueue_indirect_dma source(%arg8 : memref<128x128xf32, #tpu.memory_space<vmem>>) target(%dma_start3A_149 : memref<5120x128xf32, #tpu.memory_space<vmem_shared>>) offsets(%dma_start3A_146 : memref<128xi32, #tpu.memory_space<vmem>>) semaphore(%arg12 : memref<!tpu.dma_semaphore, #tpu.memory_space<semaphore_mem>>) {add = true}
      %dma_wait3A_150 = arith.constant 0 : i32
      %dma_wait3A_151 = arith.constant 1 : i32
      %dma_wait3A_152 = arith.constant 0 : i32
      %dma_wait3A_153 = tpu.memref_slice %arg6[%dma_wait3A_150, %dma_wait3A_151, %dma_wait3A_152] : memref<2x2x128xi32, #tpu.memory_space<vmem>> -> memref<1x1x128xi32, #tpu.memory_space<vmem>>
      %dma_wait3A_154 = tpu.memref_squeeze %dma_wait3A_153 : memref<1x1x128xi32, #tpu.memory_space<vmem>> -> memref<128xi32, #tpu.memory_space<vmem>>
      %dma_wait3A_155 = arith.constant 0 : i32
      %dma_wait3A_156 = arith.constant 0 : i32
      %dma_wait3A_157 = tpu.memref_slice %arg5[%dma_wait3A_155, %dma_wait3A_156] : memref<5120x128xf32, #tpu.memory_space<vmem_shared>> -> memref<5120x128xf32, #tpu.memory_space<vmem_shared>>
      tpu.wait_indirect_dma semaphore(%arg11 : memref<!tpu.dma_semaphore, #tpu.memory_space<semaphore_mem>>) src(%arg7 : memref<128x128xf32, #tpu.memory_space<vmem>>) dst(%dma_wait3A_157 : memref<5120x128xf32, #tpu.memory_space<vmem_shared>>)
      %add3A_158 = arith.constant 2 : i32
      %add3A_159 = arith.addi %mul3A_109, %add3A_158 : i32
      %add3A_160 = arith.constant 0 : i32
      %add3A_161 = arith.addi %add3A_159, %add3A_160 : i32
      %mul3A_162 = arith.constant 128 : i32
      %mul3A_163 = arith.muli %add3A_161, %mul3A_162 : i32
      %add3A_164 = arith.addi %mul3A_14, %mul3A_163 : i32
      %run_scoped3A_165 = arith.constant 0 : i32
      "tpu.region"() ({
        %run_scoped3A_207 = tpu.sem_alloc : memref<!tpu.dma_semaphore, #tpu.memory_space<semaphore_mem>>
        %dma_start3A_208 = arith.constant 0 : i32
        %dma_start3A_209 = arith.constant 0 : i32
        %dma_start3A_210 = tpu.memref_slice %arg6[%run_scoped3A_165, %dma_start3A_208, %dma_start3A_209] : memref<2x2x128xi32, #tpu.memory_space<vmem>> -> memref<1x2x128xi32, #tpu.memory_space<vmem>>
        %dma_start3A_211 = tpu.memref_squeeze %dma_start3A_210 : memref<1x2x128xi32, #tpu.memory_space<vmem>> -> memref<2x128xi32, #tpu.memory_space<vmem>>
        %dma_start3A_212 = arith.constant 0 : i32
        %dma_start3A_213 = tpu.memref_slice %arg3[%arg0, %dma_start3A_212, %add3A_164] : memref<2x2x323584xi32, #tpu.memory_space<hbm>> -> memref<1x2x128xi32, #tpu.memory_space<hbm>>
        %dma_start3A_214 = tpu.memref_squeeze %dma_start3A_213 : memref<1x2x128xi32, #tpu.memory_space<hbm>> -> memref<2x128xi32, #tpu.memory_space<hbm>>
        %dma_start3A_215 = arith.constant 0 : i32
        %dma_start3A_216 = arith.constant 0 : i32
        %dma_start3A_217 = tpu.memref_slice %arg6[%run_scoped3A_165, %dma_start3A_215, %dma_start3A_216] : memref<2x2x128xi32, #tpu.memory_space<vmem>> -> memref<1x2x128xi32, #tpu.memory_space<vmem>>
        %dma_start3A_218 = tpu.memref_squeeze %dma_start3A_217 : memref<1x2x128xi32, #tpu.memory_space<vmem>> -> memref<2x128xi32, #tpu.memory_space<vmem>>
        %dma_start3A_219 = arith.constant 0 : i32
        %dma_start3A_220 = tpu.memref_slice %arg3[%arg0, %dma_start3A_219, %add3A_164] : memref<2x2x323584xi32, #tpu.memory_space<hbm>> -> memref<1x2x128xi32, #tpu.memory_space<hbm>>
        %dma_start3A_221 = tpu.memref_squeeze %dma_start3A_220 : memref<1x2x128xi32, #tpu.memory_space<hbm>> -> memref<2x128xi32, #tpu.memory_space<hbm>>
        tpu.enqueue_dma source(%dma_start3A_221 : memref<2x128xi32, #tpu.memory_space<hbm>>) target(%dma_start3A_218 : memref<2x128xi32, #tpu.memory_space<vmem>>) target_semaphore(%run_scoped3A_207 : memref<!tpu.dma_semaphore, #tpu.memory_space<semaphore_mem>>)
        %dma_wait3A_222 = arith.constant 0 : i32
        %dma_wait3A_223 = arith.constant 0 : i32
        %dma_wait3A_224 = tpu.memref_slice %arg6[%run_scoped3A_165, %dma_wait3A_222, %dma_wait3A_223] : memref<2x2x128xi32, #tpu.memory_space<vmem>> -> memref<1x2x128xi32, #tpu.memory_space<vmem>>
        %dma_wait3A_225 = tpu.memref_squeeze %dma_wait3A_224 : memref<1x2x128xi32, #tpu.memory_space<vmem>> -> memref<2x128xi32, #tpu.memory_space<vmem>>
        %dma_wait3A_226 = arith.constant 0 : i32
        %dma_wait3A_227 = tpu.memref_slice %arg3[%arg0, %dma_wait3A_226, %add3A_164] : memref<2x2x323584xi32, #tpu.memory_space<hbm>> -> memref<1x2x128xi32, #tpu.memory_space<hbm>>
        %dma_wait3A_228 = tpu.memref_squeeze %dma_wait3A_227 : memref<1x2x128xi32, #tpu.memory_space<hbm>> -> memref<2x128xi32, #tpu.memory_space<hbm>>
        %dma_wait3A_229 = arith.constant 0 : i32
        %dma_wait3A_230 = arith.constant 0 : i32
        %dma_wait3A_231 = tpu.memref_slice %arg6[%run_scoped3A_165, %dma_wait3A_229, %dma_wait3A_230] : memref<2x2x128xi32, #tpu.memory_space<vmem>> -> memref<1x2x128xi32, #tpu.memory_space<vmem>>
        %dma_wait3A_232 = tpu.memref_squeeze %dma_wait3A_231 : memref<1x2x128xi32, #tpu.memory_space<vmem>> -> memref<2x128xi32, #tpu.memory_space<vmem>>
        %dma_wait3A_233 = arith.constant 0 : i32
        %dma_wait3A_234 = tpu.memref_slice %arg3[%arg0, %dma_wait3A_233, %add3A_164] : memref<2x2x323584xi32, #tpu.memory_space<hbm>> -> memref<1x2x128xi32, #tpu.memory_space<hbm>>
        %dma_wait3A_235 = tpu.memref_squeeze %dma_wait3A_234 : memref<1x2x128xi32, #tpu.memory_space<hbm>> -> memref<2x128xi32, #tpu.memory_space<hbm>>
        tpu.wait_dma2 semaphore(%run_scoped3A_207 : memref<!tpu.dma_semaphore, #tpu.memory_space<semaphore_mem>>) src(%dma_wait3A_235 : memref<2x128xi32, #tpu.memory_space<hbm>>) dst(%dma_wait3A_232 : memref<2x128xi32, #tpu.memory_space<vmem>>)
        tpu.yield
      }) : () -> ()
      %dma_start3A_166 = arith.constant 0 : i32
      %dma_start3A_167 = arith.constant 0 : i32
      %dma_start3A_168 = arith.constant 0 : i32
      %dma_start3A_169 = tpu.memref_slice %arg6[%dma_start3A_166, %dma_start3A_167, %dma_start3A_168] : memref<2x2x128xi32, #tpu.memory_space<vmem>> -> memref<1x1x128xi32, #tpu.memory_space<vmem>>
      %dma_start3A_170 = tpu.memref_squeeze %dma_start3A_169 : memref<1x1x128xi32, #tpu.memory_space<vmem>> -> memref<128xi32, #tpu.memory_space<vmem>>
      %dma_start3A_171 = arith.constant 0 : i32
      %dma_start3A_172 = arith.constant 0 : i32
      %dma_start3A_173 = tpu.memref_slice %arg2[%arg0, %dma_start3A_171, %dma_start3A_172] : memref<2x5000x128xf32, #tpu.memory_space<hbm>> -> memref<1x5000x128xf32, #tpu.memory_space<hbm>>
      %dma_start3A_174 = tpu.memref_squeeze %dma_start3A_173 : memref<1x5000x128xf32, #tpu.memory_space<hbm>> -> memref<5000x128xf32, #tpu.memory_space<hbm>>
      %dma_start3A_175 = arith.constant 0 : i32
      %dma_start3A_176 = arith.constant 0 : i32
      %dma_start3A_177 = tpu.memref_slice %dma_start3A_174[%dma_start3A_175, %dma_start3A_176] : memref<5000x128xf32, #tpu.memory_space<hbm>> -> memref<5000x128xf32, #tpu.memory_space<hbm>>
      tpu.enqueue_indirect_dma source(%dma_start3A_177 : memref<5000x128xf32, #tpu.memory_space<hbm>>) target(%arg7 : memref<128x128xf32, #tpu.memory_space<vmem>>) offsets(%dma_start3A_170 : memref<128xi32, #tpu.memory_space<vmem>>) semaphore(%arg9 : memref<!tpu.dma_semaphore, #tpu.memory_space<semaphore_mem>>)
      %dma_wait3A_178 = arith.constant 1 : i32
      %dma_wait3A_179 = arith.constant 1 : i32
      %dma_wait3A_180 = arith.constant 0 : i32
      %dma_wait3A_181 = tpu.memref_slice %arg6[%dma_wait3A_178, %dma_wait3A_179, %dma_wait3A_180] : memref<2x2x128xi32, #tpu.memory_space<vmem>> -> memref<1x1x128xi32, #tpu.memory_space<vmem>>
      %dma_wait3A_182 = tpu.memref_squeeze %dma_wait3A_181 : memref<1x1x128xi32, #tpu.memory_space<vmem>> -> memref<128xi32, #tpu.memory_space<vmem>>
      %dma_wait3A_183 = arith.constant 0 : i32
      %dma_wait3A_184 = arith.constant 0 : i32
      %dma_wait3A_185 = tpu.memref_slice %arg5[%dma_wait3A_183, %dma_wait3A_184] : memref<5120x128xf32, #tpu.memory_space<vmem_shared>> -> memref<5120x128xf32, #tpu.memory_space<vmem_shared>>
      tpu.wait_indirect_dma semaphore(%arg12 : memref<!tpu.dma_semaphore, #tpu.memory_space<semaphore_mem>>) src(%arg8 : memref<128x128xf32, #tpu.memory_space<vmem>>) dst(%dma_wait3A_185 : memref<5120x128xf32, #tpu.memory_space<vmem_shared>>)
      %add3A_186 = arith.constant 2 : i32
      %add3A_187 = arith.addi %mul3A_109, %add3A_186 : i32
      %add3A_188 = arith.constant 1 : i32
      %add3A_189 = arith.addi %add3A_187, %add3A_188 : i32
      %mul3A_190 = arith.constant 128 : i32
      %mul3A_191 = arith.muli %add3A_189, %mul3A_190 : i32
      %add3A_192 = arith.addi %mul3A_14, %mul3A_191 : i32
      %run_scoped3A_193 = arith.constant 1 : i32
      "tpu.region"() ({
        %run_scoped3A_207 = tpu.sem_alloc : memref<!tpu.dma_semaphore, #tpu.memory_space<semaphore_mem>>
        %dma_start3A_208 = arith.constant 0 : i32
        %dma_start3A_209 = arith.constant 0 : i32
        %dma_start3A_210 = tpu.memref_slice %arg6[%run_scoped3A_193, %dma_start3A_208, %dma_start3A_209] : memref<2x2x128xi32, #tpu.memory_space<vmem>> -> memref<1x2x128xi32, #tpu.memory_space<vmem>>
        %dma_start3A_211 = tpu.memref_squeeze %dma_start3A_210 : memref<1x2x128xi32, #tpu.memory_space<vmem>> -> memref<2x128xi32, #tpu.memory_space<vmem>>
        %dma_start3A_212 = arith.constant 0 : i32
        %dma_start3A_213 = tpu.memref_slice %arg3[%arg0, %dma_start3A_212, %add3A_192] : memref<2x2x323584xi32, #tpu.memory_space<hbm>> -> memref<1x2x128xi32, #tpu.memory_space<hbm>>
        %dma_start3A_214 = tpu.memref_squeeze %dma_start3A_213 : memref<1x2x128xi32, #tpu.memory_space<hbm>> -> memref<2x128xi32, #tpu.memory_space<hbm>>
        %dma_start3A_215 = arith.constant 0 : i32
        %dma_start3A_216 = arith.constant 0 : i32
        %dma_start3A_217 = tpu.memref_slice %arg6[%run_scoped3A_193, %dma_start3A_215, %dma_start3A_216] : memref<2x2x128xi32, #tpu.memory_space<vmem>> -> memref<1x2x128xi32, #tpu.memory_space<vmem>>
        %dma_start3A_218 = tpu.memref_squeeze %dma_start3A_217 : memref<1x2x128xi32, #tpu.memory_space<vmem>> -> memref<2x128xi32, #tpu.memory_space<vmem>>
        %dma_start3A_219 = arith.constant 0 : i32
        %dma_start3A_220 = tpu.memref_slice %arg3[%arg0, %dma_start3A_219, %add3A_192] : memref<2x2x323584xi32, #tpu.memory_space<hbm>> -> memref<1x2x128xi32, #tpu.memory_space<hbm>>
        %dma_start3A_221 = tpu.memref_squeeze %dma_start3A_220 : memref<1x2x128xi32, #tpu.memory_space<hbm>> -> memref<2x128xi32, #tpu.memory_space<hbm>>
        tpu.enqueue_dma source(%dma_start3A_221 : memref<2x128xi32, #tpu.memory_space<hbm>>) target(%dma_start3A_218 : memref<2x128xi32, #tpu.memory_space<vmem>>) target_semaphore(%run_scoped3A_207 : memref<!tpu.dma_semaphore, #tpu.memory_space<semaphore_mem>>)
        %dma_wait3A_222 = arith.constant 0 : i32
        %dma_wait3A_223 = arith.constant 0 : i32
        %dma_wait3A_224 = tpu.memref_slice %arg6[%run_scoped3A_193, %dma_wait3A_222, %dma_wait3A_223] : memref<2x2x128xi32, #tpu.memory_space<vmem>> -> memref<1x2x128xi32, #tpu.memory_space<vmem>>
        %dma_wait3A_225 = tpu.memref_squeeze %dma_wait3A_224 : memref<1x2x128xi32, #tpu.memory_space<vmem>> -> memref<2x128xi32, #tpu.memory_space<vmem>>
        %dma_wait3A_226 = arith.constant 0 : i32
        %dma_wait3A_227 = tpu.memref_slice %arg3[%arg0, %dma_wait3A_226, %add3A_192] : memref<2x2x323584xi32, #tpu.memory_space<hbm>> -> memref<1x2x128xi32, #tpu.memory_space<hbm>>
        %dma_wait3A_228 = tpu.memref_squeeze %dma_wait3A_227 : memref<1x2x128xi32, #tpu.memory_space<hbm>> -> memref<2x128xi32, #tpu.memory_space<hbm>>
        %dma_wait3A_229 = arith.constant 0 : i32
        %dma_wait3A_230 = arith.constant 0 : i32
        %dma_wait3A_231 = tpu.memref_slice %arg6[%run_scoped3A_193, %dma_wait3A_229, %dma_wait3A_230] : memref<2x2x128xi32, #tpu.memory_space<vmem>> -> memref<1x2x128xi32, #tpu.memory_space<vmem>>
        %dma_wait3A_232 = tpu.memref_squeeze %dma_wait3A_231 : memref<1x2x128xi32, #tpu.memory_space<vmem>> -> memref<2x128xi32, #tpu.memory_space<vmem>>
        %dma_wait3A_233 = arith.constant 0 : i32
        %dma_wait3A_234 = tpu.memref_slice %arg3[%arg0, %dma_wait3A_233, %add3A_192] : memref<2x2x323584xi32, #tpu.memory_space<hbm>> -> memref<1x2x128xi32, #tpu.memory_space<hbm>>
        %dma_wait3A_235 = tpu.memref_squeeze %dma_wait3A_234 : memref<1x2x128xi32, #tpu.memory_space<hbm>> -> memref<2x128xi32, #tpu.memory_space<hbm>>
        tpu.wait_dma2 semaphore(%run_scoped3A_207 : memref<!tpu.dma_semaphore, #tpu.memory_space<semaphore_mem>>) src(%dma_wait3A_235 : memref<2x128xi32, #tpu.memory_space<hbm>>) dst(%dma_wait3A_232 : memref<2x128xi32, #tpu.memory_space<vmem>>)
        tpu.yield
      }) : () -> ()
      %dma_start3A_194 = arith.constant 1 : i32
      %dma_start3A_195 = arith.constant 0 : i32
      %dma_start3A_196 = arith.constant 0 : i32
      %dma_start3A_197 = tpu.memref_slice %arg6[%dma_start3A_194, %dma_start3A_195, %dma_start3A_196] : memref<2x2x128xi32, #tpu.memory_space<vmem>> -> memref<1x1x128xi32, #tpu.memory_space<vmem>>
      %dma_start3A_198 = tpu.memref_squeeze %dma_start3A_197 : memref<1x1x128xi32, #tpu.memory_space<vmem>> -> memref<128xi32, #tpu.memory_space<vmem>>
      %dma_start3A_199 = arith.constant 0 : i32
      %dma_start3A_200 = arith.constant 0 : i32
      %dma_start3A_201 = tpu.memref_slice %arg2[%arg0, %dma_start3A_199, %dma_start3A_200] : memref<2x5000x128xf32, #tpu.memory_space<hbm>> -> memref<1x5000x128xf32, #tpu.memory_space<hbm>>
      %dma_start3A_202 = tpu.memref_squeeze %dma_start3A_201 : memref<1x5000x128xf32, #tpu.memory_space<hbm>> -> memref<5000x128xf32, #tpu.memory_space<hbm>>
      %dma_start3A_203 = arith.constant 0 : i32
      %dma_start3A_204 = arith.constant 0 : i32
      %dma_start3A_205 = tpu.memref_slice %dma_start3A_202[%dma_start3A_203, %dma_start3A_204] : memref<5000x128xf32, #tpu.memory_space<hbm>> -> memref<5000x128xf32, #tpu.memory_space<hbm>>
      tpu.enqueue_indirect_dma source(%dma_start3A_205 : memref<5000x128xf32, #tpu.memory_space<hbm>>) target(%arg8 : memref<128x128xf32, #tpu.memory_space<vmem>>) offsets(%dma_start3A_198 : memref<128xi32, #tpu.memory_space<vmem>>) semaphore(%arg10 : memref<!tpu.dma_semaphore, #tpu.memory_space<semaphore_mem>>)
      %scan3A_206 = arith.constant 0 : i32
      scf.yield %scan3A_206 : i32
    }
    %scan3A_49 = arith.constant 78 : i32
    %dma_wait3A = arith.constant 0 : i32
    %dma_wait3A_50 = arith.constant 0 : i32
    %dma_wait3A_51 = arith.constant 0 : i32
    %dma_wait3A_52 = tpu.memref_slice %arg6[%dma_wait3A, %dma_wait3A_50, %dma_wait3A_51] : memref<2x2x128xi32, #tpu.memory_space<vmem>> -> memref<1x1x128xi32, #tpu.memory_space<vmem>>
    %dma_wait3A_53 = tpu.memref_squeeze %dma_wait3A_52 : memref<1x1x128xi32, #tpu.memory_space<vmem>> -> memref<128xi32, #tpu.memory_space<vmem>>
    %dma_wait3A_54 = arith.constant 0 : i32
    %dma_wait3A_55 = arith.constant 0 : i32
    %dma_wait3A_56 = tpu.memref_slice %arg2[%arg0, %dma_wait3A_54, %dma_wait3A_55] : memref<2x5000x128xf32, #tpu.memory_space<hbm>> -> memref<1x5000x128xf32, #tpu.memory_space<hbm>>
    %dma_wait3A_57 = tpu.memref_squeeze %dma_wait3A_56 : memref<1x5000x128xf32, #tpu.memory_space<hbm>> -> memref<5000x128xf32, #tpu.memory_space<hbm>>
    %dma_wait3A_58 = arith.constant 0 : i32
    %dma_wait3A_59 = arith.constant 0 : i32
    %dma_wait3A_60 = tpu.memref_slice %dma_wait3A_57[%dma_wait3A_58, %dma_wait3A_59] : memref<5000x128xf32, #tpu.memory_space<hbm>> -> memref<5000x128xf32, #tpu.memory_space<hbm>>
    tpu.wait_indirect_dma semaphore(%arg9 : memref<!tpu.dma_semaphore, #tpu.memory_space<semaphore_mem>>) src(%dma_wait3A_60 : memref<5000x128xf32, #tpu.memory_space<hbm>>) dst(%arg7 : memref<128x128xf32, #tpu.memory_space<vmem>>)
    %dma_start3A_61 = arith.constant 0 : i32
    %dma_start3A_62 = arith.constant 1 : i32
    %dma_start3A_63 = arith.constant 0 : i32
    %dma_start3A_64 = tpu.memref_slice %arg6[%dma_start3A_61, %dma_start3A_62, %dma_start3A_63] : memref<2x2x128xi32, #tpu.memory_space<vmem>> -> memref<1x1x128xi32, #tpu.memory_space<vmem>>
    %dma_start3A_65 = tpu.memref_squeeze %dma_start3A_64 : memref<1x1x128xi32, #tpu.memory_space<vmem>> -> memref<128xi32, #tpu.memory_space<vmem>>
    %dma_start3A_66 = arith.constant 0 : i32
    %dma_start3A_67 = arith.constant 0 : i32
    %dma_start3A_68 = tpu.memref_slice %arg5[%dma_start3A_66, %dma_start3A_67] : memref<5120x128xf32, #tpu.memory_space<vmem_shared>> -> memref<5120x128xf32, #tpu.memory_space<vmem_shared>>
    tpu.enqueue_indirect_dma source(%arg7 : memref<128x128xf32, #tpu.memory_space<vmem>>) target(%dma_start3A_68 : memref<5120x128xf32, #tpu.memory_space<vmem_shared>>) offsets(%dma_start3A_65 : memref<128xi32, #tpu.memory_space<vmem>>) semaphore(%arg11 : memref<!tpu.dma_semaphore, #tpu.memory_space<semaphore_mem>>) {add = true}
    %dma_wait3A_69 = arith.constant 1 : i32
    %dma_wait3A_70 = arith.constant 0 : i32
    %dma_wait3A_71 = arith.constant 0 : i32
    %dma_wait3A_72 = tpu.memref_slice %arg6[%dma_wait3A_69, %dma_wait3A_70, %dma_wait3A_71] : memref<2x2x128xi32, #tpu.memory_space<vmem>> -> memref<1x1x128xi32, #tpu.memory_space<vmem>>
    %dma_wait3A_73 = tpu.memref_squeeze %dma_wait3A_72 : memref<1x1x128xi32, #tpu.memory_space<vmem>> -> memref<128xi32, #tpu.memory_space<vmem>>
    %dma_wait3A_74 = arith.constant 0 : i32
    %dma_wait3A_75 = arith.constant 0 : i32
    %dma_wait3A_76 = tpu.memref_slice %arg2[%arg0, %dma_wait3A_74, %dma_wait3A_75] : memref<2x5000x128xf32, #tpu.memory_space<hbm>> -> memref<1x5000x128xf32, #tpu.memory_space<hbm>>
    %dma_wait3A_77 = tpu.memref_squeeze %dma_wait3A_76 : memref<1x5000x128xf32, #tpu.memory_space<hbm>> -> memref<5000x128xf32, #tpu.memory_space<hbm>>
    %dma_wait3A_78 = arith.constant 0 : i32
    %dma_wait3A_79 = arith.constant 0 : i32
    %dma_wait3A_80 = tpu.memref_slice %dma_wait3A_77[%dma_wait3A_78, %dma_wait3A_79] : memref<5000x128xf32, #tpu.memory_space<hbm>> -> memref<5000x128xf32, #tpu.memory_space<hbm>>
    tpu.wait_indirect_dma semaphore(%arg10 : memref<!tpu.dma_semaphore, #tpu.memory_space<semaphore_mem>>) src(%dma_wait3A_80 : memref<5000x128xf32, #tpu.memory_space<hbm>>) dst(%arg8 : memref<128x128xf32, #tpu.memory_space<vmem>>)
    %dma_start3A_81 = arith.constant 1 : i32
    %dma_start3A_82 = arith.constant 1 : i32
    %dma_start3A_83 = arith.constant 0 : i32
    %dma_start3A_84 = tpu.memref_slice %arg6[%dma_start3A_81, %dma_start3A_82, %dma_start3A_83] : memref<2x2x128xi32, #tpu.memory_space<vmem>> -> memref<1x1x128xi32, #tpu.memory_space<vmem>>
    %dma_start3A_85 = tpu.memref_squeeze %dma_start3A_84 : memref<1x1x128xi32, #tpu.memory_space<vmem>> -> memref<128xi32, #tpu.memory_space<vmem>>
    %dma_start3A_86 = arith.constant 0 : i32
    %dma_start3A_87 = arith.constant 0 : i32
    %dma_start3A_88 = tpu.memref_slice %arg5[%dma_start3A_86, %dma_start3A_87] : memref<5120x128xf32, #tpu.memory_space<vmem_shared>> -> memref<5120x128xf32, #tpu.memory_space<vmem_shared>>
    tpu.enqueue_indirect_dma source(%arg8 : memref<128x128xf32, #tpu.memory_space<vmem>>) target(%dma_start3A_88 : memref<5120x128xf32, #tpu.memory_space<vmem_shared>>) offsets(%dma_start3A_85 : memref<128xi32, #tpu.memory_space<vmem>>) semaphore(%arg12 : memref<!tpu.dma_semaphore, #tpu.memory_space<semaphore_mem>>) {add = true}
    %dma_wait3A_89 = arith.constant 0 : i32
    %dma_wait3A_90 = arith.constant 1 : i32
    %dma_wait3A_91 = arith.constant 0 : i32
    %dma_wait3A_92 = tpu.memref_slice %arg6[%dma_wait3A_89, %dma_wait3A_90, %dma_wait3A_91] : memref<2x2x128xi32, #tpu.memory_space<vmem>> -> memref<1x1x128xi32, #tpu.memory_space<vmem>>
    %dma_wait3A_93 = tpu.memref_squeeze %dma_wait3A_92 : memref<1x1x128xi32, #tpu.memory_space<vmem>> -> memref<128xi32, #tpu.memory_space<vmem>>
    %dma_wait3A_94 = arith.constant 0 : i32
    %dma_wait3A_95 = arith.constant 0 : i32
    %dma_wait3A_96 = tpu.memref_slice %arg5[%dma_wait3A_94, %dma_wait3A_95] : memref<5120x128xf32, #tpu.memory_space<vmem_shared>> -> memref<5120x128xf32, #tpu.memory_space<vmem_shared>>
    tpu.wait_indirect_dma semaphore(%arg11 : memref<!tpu.dma_semaphore, #tpu.memory_space<semaphore_mem>>) src(%arg7 : memref<128x128xf32, #tpu.memory_space<vmem>>) dst(%dma_wait3A_96 : memref<5120x128xf32, #tpu.memory_space<vmem_shared>>)
    %dma_wait3A_97 = arith.constant 1 : i32
    %dma_wait3A_98 = arith.constant 1 : i32
    %dma_wait3A_99 = arith.constant 0 : i32
    %dma_wait3A_100 = tpu.memref_slice %arg6[%dma_wait3A_97, %dma_wait3A_98, %dma_wait3A_99] : memref<2x2x128xi32, #tpu.memory_space<vmem>> -> memref<1x1x128xi32, #tpu.memory_space<vmem>>
    %dma_wait3A_101 = tpu.memref_squeeze %dma_wait3A_100 : memref<1x1x128xi32, #tpu.memory_space<vmem>> -> memref<128xi32, #tpu.memory_space<vmem>>
    %dma_wait3A_102 = arith.constant 0 : i32
    %dma_wait3A_103 = arith.constant 0 : i32
    %dma_wait3A_104 = tpu.memref_slice %arg5[%dma_wait3A_102, %dma_wait3A_103] : memref<5120x128xf32, #tpu.memory_space<vmem_shared>> -> memref<5120x128xf32, #tpu.memory_space<vmem_shared>>
    tpu.wait_indirect_dma semaphore(%arg12 : memref<!tpu.dma_semaphore, #tpu.memory_space<semaphore_mem>>) src(%arg8 : memref<128x128xf32, #tpu.memory_space<vmem>>) dst(%dma_wait3A_104 : memref<5120x128xf32, #tpu.memory_space<vmem_shared>>)
    %barrier3A_105 = arith.constant 0 : index
    tpu.barrier barrier_id(%barrier3A_105)
    "tpu.region"() ({
      %run_scoped3A_106 = tpu.sem_alloc : memref<!tpu.dma_semaphore, #tpu.memory_space<semaphore_mem>>
      %dma_start3A_107 = arith.constant 0 : i32
      %dma_start3A_108 = tpu.memref_slice %arg4[%arg0, %mul3A_7, %dma_start3A_107] : memref<2x5120x128xf32, #tpu.memory_space<hbm>> -> memref<1x320x128xf32, #tpu.memory_space<hbm>>
      %dma_start3A_109 = tpu.memref_squeeze %dma_start3A_108 : memref<1x320x128xf32, #tpu.memory_space<hbm>> -> memref<320x128xf32, #tpu.memory_space<hbm>>
      %dma_start3A_110 = arith.constant 0 : i32
      %dma_start3A_111 = tpu.memref_slice %arg5[%mul3A_7, %dma_start3A_110] : memref<5120x128xf32, #tpu.memory_space<vmem_shared>> -> memref<320x128xf32, #tpu.memory_space<vmem_shared>>
      tpu.enqueue_dma source(%dma_start3A_111 : memref<320x128xf32, #tpu.memory_space<vmem_shared>>) target(%dma_start3A_109 : memref<320x128xf32, #tpu.memory_space<hbm>>) target_semaphore(%run_scoped3A_106 : memref<!tpu.dma_semaphore, #tpu.memory_space<semaphore_mem>>)
      %dma_wait3A_112 = arith.constant 0 : i32
      %dma_wait3A_113 = tpu.memref_slice %arg4[%arg0, %mul3A_7, %dma_wait3A_112] : memref<2x5120x128xf32, #tpu.memory_space<hbm>> -> memref<1x320x128xf32, #tpu.memory_space<hbm>>
      %dma_wait3A_114 = tpu.memref_squeeze %dma_wait3A_113 : memref<1x320x128xf32, #tpu.memory_space<hbm>> -> memref<320x128xf32, #tpu.memory_space<hbm>>
      %dma_wait3A_115 = arith.constant 0 : i32
      %dma_wait3A_116 = tpu.memref_slice %arg5[%mul3A_7, %dma_wait3A_115] : memref<5120x128xf32, #tpu.memory_space<vmem_shared>> -> memref<320x128xf32, #tpu.memory_space<vmem_shared>>
      tpu.wait_dma2 semaphore(%run_scoped3A_106 : memref<!tpu.dma_semaphore, #tpu.memory_space<semaphore_mem>>) src(%dma_wait3A_116 : memref<320x128xf32, #tpu.memory_space<vmem_shared>>) dst(%dma_wait3A_114 : memref<320x128xf32, #tpu.memory_space<hbm>>)
      tpu.yield
    }) : () -> ()
    return
  }
}

#map = affine_map<(d0, d1) -> (0)>
#map1 = affine_map<(d0, d1) -> (0, 0, 0)>
module attributes {stable_mosaic.version = 14 : i64} {
  func.func @body(%arg0: i32, %arg1: i32, %arg2: memref<323584xi32, #tpu.memory_space<hbm>>, %arg3: memref<323584xi32, #tpu.memory_space<hbm>>, %arg4: memref<2x16x5120xf32, #tpu.memory_space<hbm>>, %arg5: memref<2x16x5120xf32, #tpu.memory_space<hbm>>, %arg6: memref<5120xf32, #tpu.memory_space<vmem>>, %arg7: memref<5120xf32, #tpu.memory_space<vmem>>, %arg8: memref<10112xi32, #tpu.memory_space<vmem>>, %arg9: memref<10112xi32, #tpu.memory_space<vmem>>) attributes {dimension_semantics = [#tpu.dimension_semantics<core_parallel>, #tpu.dimension_semantics<subcore_parallel>], iteration_bounds = array<i64: 2, 16>, scalar_prefetch = 0 : i64, scratch_operands = 4 : i64, tpu.core_type = #tpu.core_type<sc_vector_subcore>, window_params = [{transform_indices = #map}, {transform_indices = #map}, {transform_indices = #map1}, {transform_indices = #map1}]} {
    %mul3A = arith.constant 161792 : i32
    %mul3A_0 = arith.muli %arg0, %mul3A : i32
    %mul3A_1 = arith.constant 10112 : i32
    %mul3A_2 = arith.muli %arg1, %mul3A_1 : i32
    %add3A = arith.addi %mul3A_0, %mul3A_2 : i32
    "tpu.region"() ({
      %run_scoped3A = tpu.sem_alloc : memref<!tpu.dma_semaphore, #tpu.memory_space<semaphore_mem>>
      %dma_start3A = tpu.memref_slice %arg2[%add3A] : memref<323584xi32, #tpu.memory_space<hbm>> -> memref<10112xi32, #tpu.memory_space<hbm>>
      %dma_start3A_17 = tpu.memref_slice %arg2[%add3A] : memref<323584xi32, #tpu.memory_space<hbm>> -> memref<10112xi32, #tpu.memory_space<hbm>>
      tpu.enqueue_dma source(%dma_start3A_17 : memref<10112xi32, #tpu.memory_space<hbm>>) target(%arg8 : memref<10112xi32, #tpu.memory_space<vmem>>) target_semaphore(%run_scoped3A : memref<!tpu.dma_semaphore, #tpu.memory_space<semaphore_mem>>)
      %dma_wait3A = tpu.memref_slice %arg2[%add3A] : memref<323584xi32, #tpu.memory_space<hbm>> -> memref<10112xi32, #tpu.memory_space<hbm>>
      %dma_wait3A_18 = tpu.memref_slice %arg2[%add3A] : memref<323584xi32, #tpu.memory_space<hbm>> -> memref<10112xi32, #tpu.memory_space<hbm>>
      tpu.wait_dma2 semaphore(%run_scoped3A : memref<!tpu.dma_semaphore, #tpu.memory_space<semaphore_mem>>) src(%dma_wait3A_18 : memref<10112xi32, #tpu.memory_space<hbm>>) dst(%arg8 : memref<10112xi32, #tpu.memory_space<vmem>>)
      tpu.yield
    }) : () -> ()
    "tpu.region"() ({
      %run_scoped3A = tpu.sem_alloc : memref<!tpu.dma_semaphore, #tpu.memory_space<semaphore_mem>>
      %dma_start3A = tpu.memref_slice %arg3[%add3A] : memref<323584xi32, #tpu.memory_space<hbm>> -> memref<10112xi32, #tpu.memory_space<hbm>>
      %dma_start3A_17 = tpu.memref_slice %arg3[%add3A] : memref<323584xi32, #tpu.memory_space<hbm>> -> memref<10112xi32, #tpu.memory_space<hbm>>
      tpu.enqueue_dma source(%dma_start3A_17 : memref<10112xi32, #tpu.memory_space<hbm>>) target(%arg9 : memref<10112xi32, #tpu.memory_space<vmem>>) target_semaphore(%run_scoped3A : memref<!tpu.dma_semaphore, #tpu.memory_space<semaphore_mem>>)
      %dma_wait3A = tpu.memref_slice %arg3[%add3A] : memref<323584xi32, #tpu.memory_space<hbm>> -> memref<10112xi32, #tpu.memory_space<hbm>>
      %dma_wait3A_18 = tpu.memref_slice %arg3[%add3A] : memref<323584xi32, #tpu.memory_space<hbm>> -> memref<10112xi32, #tpu.memory_space<hbm>>
      tpu.wait_dma2 semaphore(%run_scoped3A : memref<!tpu.dma_semaphore, #tpu.memory_space<semaphore_mem>>) src(%dma_wait3A_18 : memref<10112xi32, #tpu.memory_space<hbm>>) dst(%arg9 : memref<10112xi32, #tpu.memory_space<vmem>>)
      tpu.yield
    }) : () -> ()
    %scan3A = arith.constant 0 : i32
    %scan3A_3 = arith.constant 0 : i32
    %scan3A_4 = arith.constant 320 : i32
    %scan3A_5 = arith.addi %scan3A_3, %scan3A_4 : i32
    %scan3A_6 = arith.constant 1 : i32
    %scan3A_7 = scf.for %scan3A_17 = %scan3A_3 to %scan3A_5 step %scan3A_6 iter_args(%scan3A_18 = %scan3A) -> (i32)  : i32 {
      %broadcast_in_dim3A_19 = arith.constant 0.000000e+00 : f32
      %broadcast_in_dim3A_20 = vector.broadcast %broadcast_in_dim3A_19 : f32 to vector<16xf32>
      %mul3A_21 = arith.constant 16 : i32
      %mul3A_22 = arith.muli %scan3A_17, %mul3A_21 : i32
      %swap3A = arith.index_cast %mul3A_22 : i32 to index
      %swap3A_23 = tpu.vector_load %arg6[%swap3A] {strides = array<i32>} : memref<5120xf32, #tpu.memory_space<vmem>>, vector<16xf32>,
      tpu.vector_store %arg6[%swap3A], %broadcast_in_dim3A_20 {strides = array<i32>} : memref<5120xf32, #tpu.memory_space<vmem>>, vector<16xf32>,
      %broadcast_in_dim3A_24 = arith.constant 0.000000e+00 : f32
      %broadcast_in_dim3A_25 = vector.broadcast %broadcast_in_dim3A_24 : f32 to vector<16xf32>
      %mul3A_26 = arith.constant 16 : i32
      %mul3A_27 = arith.muli %scan3A_17, %mul3A_26 : i32
      %swap3A_28 = arith.index_cast %mul3A_27 : i32 to index
      %swap3A_29 = tpu.vector_load %arg7[%swap3A_28] {strides = array<i32>} : memref<5120xf32, #tpu.memory_space<vmem>>, vector<16xf32>,
      tpu.vector_store %arg7[%swap3A_28], %broadcast_in_dim3A_25 {strides = array<i32>} : memref<5120xf32, #tpu.memory_space<vmem>>, vector<16xf32>,
      %scan3A_30 = arith.constant 0 : i32
      scf.yield %scan3A_30 : i32
    }
    %scan3A_8 = arith.constant 320 : i32
    %broadcast_in_dim3A = arith.constant 1.000000e+00 : f32
    %broadcast_in_dim3A_9 = vector.broadcast %broadcast_in_dim3A : f32 to vector<16xf32>
    %scan3A_10 = arith.constant 0 : i32
    %scan3A_11 = arith.constant 0 : i32
    %scan3A_12 = arith.constant 632 : i32
    %scan3A_13 = arith.addi %scan3A_11, %scan3A_12 : i32
    %scan3A_14 = arith.constant 1 : i32
    %scan3A_15 = scf.for %scan3A_17 = %scan3A_11 to %scan3A_13 step %scan3A_14 iter_args(%scan3A_18 = %scan3A_10) -> (i32)  : i32 {
      %mul3A_19 = arith.constant 16 : i32
      %mul3A_20 = arith.muli %scan3A_17, %mul3A_19 : i32
      %get3A = arith.index_cast %mul3A_20 : i32 to index
      %get3A_21 = tpu.vector_load %arg9[%get3A] {strides = array<i32>} : memref<10112xi32, #tpu.memory_space<vmem>>, vector<16xi32>,
      tpu.vector_store_idx %arg6[%get3A_21], %broadcast_in_dim3A_9 {add = true} : memref<5120xf32, #tpu.memory_space<vmem>>[vector<16xi32>], vector<16xf32>,
      %mul3A_22 = arith.constant 16 : i32
      %mul3A_23 = arith.muli %scan3A_17, %mul3A_22 : i32
      %get3A_24 = arith.index_cast %mul3A_23 : i32 to index
      %get3A_25 = tpu.vector_load %arg8[%get3A_24] {strides = array<i32>} : memref<10112xi32, #tpu.memory_space<vmem>>, vector<16xi32>,
      tpu.vector_store_idx %arg7[%get3A_25], %broadcast_in_dim3A_9 {add = true} : memref<5120xf32, #tpu.memory_space<vmem>>[vector<16xi32>], vector<16xf32>,
      %scan3A_26 = arith.constant 0 : i32
      scf.yield %scan3A_26 : i32
    }
    %scan3A_16 = arith.constant 632 : i32
    "tpu.region"() ({
      %run_scoped3A = tpu.sem_alloc : memref<!tpu.dma_semaphore, #tpu.memory_space<semaphore_mem>>
      %dma_start3A = arith.constant 0 : i32
      %dma_start3A_17 = tpu.memref_slice %arg4[%arg0, %arg1, %dma_start3A] : memref<2x16x5120xf32, #tpu.memory_space<hbm>> -> memref<1x1x5120xf32, #tpu.memory_space<hbm>>
      %dma_start3A_18 = tpu.memref_squeeze %dma_start3A_17 : memref<1x1x5120xf32, #tpu.memory_space<hbm>> -> memref<5120xf32, #tpu.memory_space<hbm>>
      %dma_start3A_19 = arith.constant 0 : i32
      %dma_start3A_20 = tpu.memref_slice %arg4[%arg0, %arg1, %dma_start3A_19] : memref<2x16x5120xf32, #tpu.memory_space<hbm>> -> memref<1x1x5120xf32, #tpu.memory_space<hbm>>
      %dma_start3A_21 = tpu.memref_squeeze %dma_start3A_20 : memref<1x1x5120xf32, #tpu.memory_space<hbm>> -> memref<5120xf32, #tpu.memory_space<hbm>>
      tpu.enqueue_dma source(%arg6 : memref<5120xf32, #tpu.memory_space<vmem>>) target(%dma_start3A_21 : memref<5120xf32, #tpu.memory_space<hbm>>) target_semaphore(%run_scoped3A : memref<!tpu.dma_semaphore, #tpu.memory_space<semaphore_mem>>)
      %dma_wait3A = arith.constant 0 : i32
      %dma_wait3A_22 = tpu.memref_slice %arg4[%arg0, %arg1, %dma_wait3A] : memref<2x16x5120xf32, #tpu.memory_space<hbm>> -> memref<1x1x5120xf32, #tpu.memory_space<hbm>>
      %dma_wait3A_23 = tpu.memref_squeeze %dma_wait3A_22 : memref<1x1x5120xf32, #tpu.memory_space<hbm>> -> memref<5120xf32, #tpu.memory_space<hbm>>
      %dma_wait3A_24 = arith.constant 0 : i32
      %dma_wait3A_25 = tpu.memref_slice %arg4[%arg0, %arg1, %dma_wait3A_24] : memref<2x16x5120xf32, #tpu.memory_space<hbm>> -> memref<1x1x5120xf32, #tpu.memory_space<hbm>>
      %dma_wait3A_26 = tpu.memref_squeeze %dma_wait3A_25 : memref<1x1x5120xf32, #tpu.memory_space<hbm>> -> memref<5120xf32, #tpu.memory_space<hbm>>
      tpu.wait_dma2 semaphore(%run_scoped3A : memref<!tpu.dma_semaphore, #tpu.memory_space<semaphore_mem>>) src(%arg6 : memref<5120xf32, #tpu.memory_space<vmem>>) dst(%dma_wait3A_26 : memref<5120xf32, #tpu.memory_space<hbm>>)
      tpu.yield
    }) : () -> ()
    "tpu.region"() ({
      %run_scoped3A = tpu.sem_alloc : memref<!tpu.dma_semaphore, #tpu.memory_space<semaphore_mem>>
      %dma_start3A = arith.constant 0 : i32
      %dma_start3A_17 = tpu.memref_slice %arg5[%arg0, %arg1, %dma_start3A] : memref<2x16x5120xf32, #tpu.memory_space<hbm>> -> memref<1x1x5120xf32, #tpu.memory_space<hbm>>
      %dma_start3A_18 = tpu.memref_squeeze %dma_start3A_17 : memref<1x1x5120xf32, #tpu.memory_space<hbm>> -> memref<5120xf32, #tpu.memory_space<hbm>>
      %dma_start3A_19 = arith.constant 0 : i32
      %dma_start3A_20 = tpu.memref_slice %arg5[%arg0, %arg1, %dma_start3A_19] : memref<2x16x5120xf32, #tpu.memory_space<hbm>> -> memref<1x1x5120xf32, #tpu.memory_space<hbm>>
      %dma_start3A_21 = tpu.memref_squeeze %dma_start3A_20 : memref<1x1x5120xf32, #tpu.memory_space<hbm>> -> memref<5120xf32, #tpu.memory_space<hbm>>
      tpu.enqueue_dma source(%arg7 : memref<5120xf32, #tpu.memory_space<vmem>>) target(%dma_start3A_21 : memref<5120xf32, #tpu.memory_space<hbm>>) target_semaphore(%run_scoped3A : memref<!tpu.dma_semaphore, #tpu.memory_space<semaphore_mem>>)
      %dma_wait3A = arith.constant 0 : i32
      %dma_wait3A_22 = tpu.memref_slice %arg5[%arg0, %arg1, %dma_wait3A] : memref<2x16x5120xf32, #tpu.memory_space<hbm>> -> memref<1x1x5120xf32, #tpu.memory_space<hbm>>
      %dma_wait3A_23 = tpu.memref_squeeze %dma_wait3A_22 : memref<1x1x5120xf32, #tpu.memory_space<hbm>> -> memref<5120xf32, #tpu.memory_space<hbm>>
      %dma_wait3A_24 = arith.constant 0 : i32
      %dma_wait3A_25 = tpu.memref_slice %arg5[%arg0, %arg1, %dma_wait3A_24] : memref<2x16x5120xf32, #tpu.memory_space<hbm>> -> memref<1x1x5120xf32, #tpu.memory_space<hbm>>
      %dma_wait3A_26 = tpu.memref_squeeze %dma_wait3A_25 : memref<1x1x5120xf32, #tpu.memory_space<hbm>> -> memref<5120xf32, #tpu.memory_space<hbm>>
      tpu.wait_dma2 semaphore(%run_scoped3A : memref<!tpu.dma_semaphore, #tpu.memory_space<semaphore_mem>>) src(%arg7 : memref<5120xf32, #tpu.memory_space<vmem>>) dst(%dma_wait3A_26 : memref<5120xf32, #tpu.memory_space<hbm>>)
      tpu.yield
    }) : () -> ()
    return
  }
}

module attributes {stable_mosaic.version = 14 : i64} {
  func.func @_tc0_body(%arg0: memref<5000x128xf32, #tpu.memory_space<vmem>>, %arg1: memref<5000x128xf32, #tpu.memory_space<vmem>>, %arg2: memref<2x5120x128xf32, #tpu.memory_space<vmem>>, %arg3: memref<2x16x5120xf32, #tpu.memory_space<vmem>>, %arg4: memref<2x16x5120xf32, #tpu.memory_space<vmem>>, %arg5: memref<128x128xf32, #tpu.memory_space<vmem>>, %arg6: memref<128x128xf32, #tpu.memory_space<vmem>>, %arg7: memref<128xf32, #tpu.memory_space<vmem>>, %arg8: memref<128x128xf32, #tpu.memory_space<vmem>>, %arg9: memref<128x128xf32, #tpu.memory_space<vmem>>, %arg10: memref<128xf32, #tpu.memory_space<vmem>>, %arg11: memref<2x5000x128xf32, #tpu.memory_space<vmem>>) attributes {dimension_semantics = [], scalar_prefetch = 0 : i64, scratch_operands = 0 : i64, tpu.core_type = #tpu.core_type<tc>} {
    %get3A = arith.constant 0 : index
    %get3A_0 = arith.constant 0 : index
    %get3A_1 = arith.constant 0 : index
    %get3A_2 = vector.load %arg3[%get3A, %get3A_0, %get3A_1] : memref<2x16x5120xf32, #tpu.memory_space<vmem>>, vector<2x16x5120xf32>
    %reduce_sum3A = arith.constant dense<0.000000e+00> : vector<5120xf32>
    %reduce_sum3A_3 = vector.multi_reduction <add>, %get3A_2, %reduce_sum3A [0, 1] : vector<2x16x5120xf32> to vector<5120xf32>
    %slice3A = vector.extract_strided_slice %reduce_sum3A_3 {offsets = [0], sizes = [5000], strides = [1]} : vector<5120xf32> to vector<5000xf32>
    %jit3A = arith.constant 1.000000e+00 : f32
    %max3A = vector.broadcast %jit3A : f32 to vector<5000xf32>
    %max3A_4 = arith.maximumf %max3A, %slice3A : vector<5000xf32>
    %get3A_5 = arith.constant 0 : index
    %get3A_6 = arith.constant 0 : index
    %get3A_7 = arith.constant 0 : index
    %get3A_8 = vector.load %arg4[%get3A_5, %get3A_6, %get3A_7] : memref<2x16x5120xf32, #tpu.memory_space<vmem>>, vector<2x16x5120xf32>
    %reduce_sum3A_9 = arith.constant dense<0.000000e+00> : vector<5120xf32>
    %reduce_sum3A_10 = vector.multi_reduction <add>, %get3A_8, %reduce_sum3A_9 [0, 1] : vector<2x16x5120xf32> to vector<5120xf32>
    %slice3A_11 = vector.extract_strided_slice %reduce_sum3A_10 {offsets = [0], sizes = [5000], strides = [1]} : vector<5120xf32> to vector<5000xf32>
    %jit3A_12 = arith.constant 1.000000e+00 : f32
    %max3A_13 = vector.broadcast %jit3A_12 : f32 to vector<5000xf32>
    %max3A_14 = arith.maximumf %max3A_13, %slice3A_11 : vector<5000xf32>
    %get3A_15 = arith.constant 1 : index
    %get3A_16 = arith.constant 0 : index
    %get3A_17 = arith.constant 0 : index
    %get3A_18 = vector.load %arg2[%get3A_15, %get3A_16, %get3A_17] : memref<2x5120x128xf32, #tpu.memory_space<vmem>>, vector<1x5000x128xf32>
    %get3A_19 = vector.shape_cast %get3A_18 : vector<1x5000x128xf32> to vector<5000x128xf32>
    %broadcast_in_dim3A = vector.shape_cast %max3A_4 : vector<5000xf32> to vector<5000x1xf32>
    %div3A = vector.broadcast %broadcast_in_dim3A : vector<5000x1xf32> to vector<5000x128xf32>
    %div3A_20 = arith.divf %get3A_19, %div3A : vector<5000x128xf32>
    %get3A_21 = arith.constant 0 : index
    %get3A_22 = arith.constant 0 : index
    %get3A_23 = arith.constant 0 : index
    %get3A_24 = vector.load %arg2[%get3A_21, %get3A_22, %get3A_23] : memref<2x5120x128xf32, #tpu.memory_space<vmem>>, vector<1x5000x128xf32>
    %get3A_25 = vector.shape_cast %get3A_24 : vector<1x5000x128xf32> to vector<5000x128xf32>
    %broadcast_in_dim3A_26 = vector.shape_cast %max3A_14 : vector<5000xf32> to vector<5000x1xf32>
    %div3A_27 = vector.broadcast %broadcast_in_dim3A_26 : vector<5000x1xf32> to vector<5000x128xf32>
    %div3A_28 = arith.divf %get3A_25, %div3A_27 : vector<5000x128xf32>
    %get3A_29 = arith.constant 0 : index
    %get3A_30 = arith.constant 0 : index
    %get3A_31 = vector.load %arg0[%get3A_29, %get3A_30] : memref<5000x128xf32, #tpu.memory_space<vmem>>, vector<5000x128xf32>
    %get3A_32 = arith.constant 0 : index
    %get3A_33 = arith.constant 0 : index
    %get3A_34 = vector.load %arg5[%get3A_32, %get3A_33] : memref<128x128xf32, #tpu.memory_space<vmem>>, vector<128x128xf32>
    %dot_general3A = arith.constant dense<0.000000e+00> : vector<5000x128xf32>
    %dot_general3A_35 = tpu.matmul %get3A_31, %get3A_34, %dot_general3A {dimension_numbers = #tpu.dot_dimension_numbers<[1], [1], [0], [0], [0, 0, 1, 0], [], []>, transpose_lhs_hint = false} : vector<5000x128xf32>, vector<128x128xf32>, vector<5000x128xf32> -> vector<5000x128xf32>
    %get3A_36 = arith.constant 0 : index
    %get3A_37 = arith.constant 0 : index
    %get3A_38 = vector.load %arg6[%get3A_36, %get3A_37] : memref<128x128xf32, #tpu.memory_space<vmem>>, vector<128x128xf32>
    %dot_general3A_39 = arith.constant dense<0.000000e+00> : vector<5000x128xf32>
    %dot_general3A_40 = tpu.matmul %div3A_20, %get3A_38, %dot_general3A_39 {dimension_numbers = #tpu.dot_dimension_numbers<[1], [1], [0], [0], [0, 0, 1, 0], [], []>, transpose_lhs_hint = false} : vector<5000x128xf32>, vector<128x128xf32>, vector<5000x128xf32> -> vector<5000x128xf32>
    %add3A = arith.addf %dot_general3A_35, %dot_general3A_40 : vector<5000x128xf32>
    %get3A_41 = arith.constant 0 : index
    %get3A_42 = vector.load %arg7[%get3A_41] : memref<128xf32, #tpu.memory_space<vmem>>, vector<128xf32>
    %broadcast_in_dim3A_43 = vector.shape_cast %get3A_42 : vector<128xf32> to vector<1x128xf32>
    %add3A_44 = vector.broadcast %broadcast_in_dim3A_43 : vector<1x128xf32> to vector<5000x128xf32>
    %add3A_45 = arith.addf %add3A, %add3A_44 : vector<5000x128xf32>
    %swap3A = arith.constant 0 : index
    %swap3A_46 = arith.constant 0 : index
    %swap3A_47 = arith.constant 0 : index
    %swap3A_48 = vector.load %arg11[%swap3A, %swap3A_46, %swap3A_47] : memref<2x5000x128xf32, #tpu.memory_space<vmem>>, vector<1x5000x128xf32>
    %swap3A_49 = vector.shape_cast %swap3A_48 : vector<1x5000x128xf32> to vector<5000x128xf32>
    %swap3A_50 = vector.shape_cast %add3A_45 : vector<5000x128xf32> to vector<1x5000x128xf32>
    tpu.vector_store %arg11[%swap3A, %swap3A_46, %swap3A_47], %swap3A_50 {strides = array<i32>} : memref<2x5000x128xf32, #tpu.memory_space<vmem>>, vector<1x5000x128xf32>,
    %get3A_51 = arith.constant 0 : index
    %get3A_52 = arith.constant 0 : index
    %get3A_53 = vector.load %arg1[%get3A_51, %get3A_52] : memref<5000x128xf32, #tpu.memory_space<vmem>>, vector<5000x128xf32>
    %get3A_54 = arith.constant 0 : index
    %get3A_55 = arith.constant 0 : index
    %get3A_56 = vector.load %arg8[%get3A_54, %get3A_55] : memref<128x128xf32, #tpu.memory_space<vmem>>, vector<128x128xf32>
    %dot_general3A_57 = arith.constant dense<0.000000e+00> : vector<5000x128xf32>
    %dot_general3A_58 = tpu.matmul %get3A_53, %get3A_56, %dot_general3A_57 {dimension_numbers = #tpu.dot_dimension_numbers<[1], [1], [0], [0], [0, 0, 1, 0], [], []>, transpose_lhs_hint = false} : vector<5000x128xf32>, vector<128x128xf32>, vector<5000x128xf32> -> vector<5000x128xf32>
    %get3A_59 = arith.constant 0 : index
    %get3A_60 = arith.constant 0 : index
    %get3A_61 = vector.load %arg9[%get3A_59, %get3A_60] : memref<128x128xf32, #tpu.memory_space<vmem>>, vector<128x128xf32>
    %dot_general3A_62 = arith.constant dense<0.000000e+00> : vector<5000x128xf32>
    %dot_general3A_63 = tpu.matmul %div3A_28, %get3A_61, %dot_general3A_62 {dimension_numbers = #tpu.dot_dimension_numbers<[1], [1], [0], [0], [0, 0, 1, 0], [], []>, transpose_lhs_hint = false} : vector<5000x128xf32>, vector<128x128xf32>, vector<5000x128xf32> -> vector<5000x128xf32>
    %add3A_64 = arith.addf %dot_general3A_58, %dot_general3A_63 : vector<5000x128xf32>
    %get3A_65 = arith.constant 0 : index
    %get3A_66 = vector.load %arg10[%get3A_65] : memref<128xf32, #tpu.memory_space<vmem>>, vector<128xf32>
    %broadcast_in_dim3A_67 = vector.shape_cast %get3A_66 : vector<128xf32> to vector<1x128xf32>
    %add3A_68 = vector.broadcast %broadcast_in_dim3A_67 : vector<1x128xf32> to vector<5000x128xf32>
    %add3A_69 = arith.addf %add3A_64, %add3A_68 : vector<5000x128xf32>
    %swap3A_70 = arith.constant 1 : index
    %swap3A_71 = arith.constant 0 : index
    %swap3A_72 = arith.constant 0 : index
    %swap3A_73 = vector.load %arg11[%swap3A_70, %swap3A_71, %swap3A_72] : memref<2x5000x128xf32, #tpu.memory_space<vmem>>, vector<1x5000x128xf32>
    %swap3A_74 = vector.shape_cast %swap3A_73 : vector<1x5000x128xf32> to vector<5000x128xf32>
    %swap3A_75 = vector.shape_cast %add3A_69 : vector<5000x128xf32> to vector<1x5000x128xf32>
    tpu.vector_store %arg11[%swap3A_70, %swap3A_71, %swap3A_72], %swap3A_75 {strides = array<i32>} : memref<2x5000x128xf32, #tpu.memory_space<vmem>>, vector<1x5000x128xf32>,
    return
  }
}

module attributes {stable_mosaic.version = 14 : i64} {
  func.func @_tc1_body(%arg0: memref<2x5000x128xf32, #tpu.memory_space<vmem>>, %arg1: memref<2x5120x128xf32, #tpu.memory_space<vmem>>, %arg2: memref<2x16x5120xf32, #tpu.memory_space<vmem>>, %arg3: memref<2x16x5120xf32, #tpu.memory_space<vmem>>, %arg4: memref<128x128xf32, #tpu.memory_space<vmem>>, %arg5: memref<128x128xf32, #tpu.memory_space<vmem>>, %arg6: memref<128xf32, #tpu.memory_space<vmem>>, %arg7: memref<128x128xf32, #tpu.memory_space<vmem>>, %arg8: memref<128x128xf32, #tpu.memory_space<vmem>>, %arg9: memref<128xf32, #tpu.memory_space<vmem>>, %arg10: memref<2x128xf32, #tpu.memory_space<vmem>>, %arg11: memref<2x128xf32, #tpu.memory_space<vmem>>, %arg12: memref<2xf32, #tpu.memory_space<vmem>>, %arg13: memref<2x5000xf32, #tpu.memory_space<vmem>>, %arg14: memref<2x5000xf32, #tpu.memory_space<vmem>>) attributes {dimension_semantics = [], scalar_prefetch = 0 : i64, scratch_operands = 0 : i64, tpu.core_type = #tpu.core_type<tc>} {
    %get3A = arith.constant 0 : index
    %get3A_0 = arith.constant 0 : index
    %get3A_1 = arith.constant 0 : index
    %get3A_2 = vector.load %arg2[%get3A, %get3A_0, %get3A_1] : memref<2x16x5120xf32, #tpu.memory_space<vmem>>, vector<2x16x5120xf32>
    %reduce_sum3A = arith.constant dense<0.000000e+00> : vector<5120xf32>
    %reduce_sum3A_3 = vector.multi_reduction <add>, %get3A_2, %reduce_sum3A [0, 1] : vector<2x16x5120xf32> to vector<5120xf32>
    %slice3A = vector.extract_strided_slice %reduce_sum3A_3 {offsets = [0], sizes = [5000], strides = [1]} : vector<5120xf32> to vector<5000xf32>
    %jit3A = arith.constant 1.000000e+00 : f32
    %max3A = vector.broadcast %jit3A : f32 to vector<5000xf32>
    %max3A_4 = arith.maximumf %max3A, %slice3A : vector<5000xf32>
    %get3A_5 = arith.constant 0 : index
    %get3A_6 = arith.constant 0 : index
    %get3A_7 = arith.constant 0 : index
    %get3A_8 = vector.load %arg3[%get3A_5, %get3A_6, %get3A_7] : memref<2x16x5120xf32, #tpu.memory_space<vmem>>, vector<2x16x5120xf32>
    %reduce_sum3A_9 = arith.constant dense<0.000000e+00> : vector<5120xf32>
    %reduce_sum3A_10 = vector.multi_reduction <add>, %get3A_8, %reduce_sum3A_9 [0, 1] : vector<2x16x5120xf32> to vector<5120xf32>
    %slice3A_11 = vector.extract_strided_slice %reduce_sum3A_10 {offsets = [0], sizes = [5000], strides = [1]} : vector<5120xf32> to vector<5000xf32>
    %jit3A_12 = arith.constant 1.000000e+00 : f32
    %max3A_13 = vector.broadcast %jit3A_12 : f32 to vector<5000xf32>
    %max3A_14 = arith.maximumf %max3A_13, %slice3A_11 : vector<5000xf32>
    %get3A_15 = arith.constant 1 : index
    %get3A_16 = arith.constant 0 : index
    %get3A_17 = arith.constant 0 : index
    %get3A_18 = vector.load %arg1[%get3A_15, %get3A_16, %get3A_17] : memref<2x5120x128xf32, #tpu.memory_space<vmem>>, vector<1x5000x128xf32>
    %get3A_19 = vector.shape_cast %get3A_18 : vector<1x5000x128xf32> to vector<5000x128xf32>
    %broadcast_in_dim3A = vector.shape_cast %max3A_4 : vector<5000xf32> to vector<5000x1xf32>
    %div3A = vector.broadcast %broadcast_in_dim3A : vector<5000x1xf32> to vector<5000x128xf32>
    %div3A_20 = arith.divf %get3A_19, %div3A : vector<5000x128xf32>
    %get3A_21 = arith.constant 0 : index
    %get3A_22 = arith.constant 0 : index
    %get3A_23 = arith.constant 0 : index
    %get3A_24 = vector.load %arg1[%get3A_21, %get3A_22, %get3A_23] : memref<2x5120x128xf32, #tpu.memory_space<vmem>>, vector<1x5000x128xf32>
    %get3A_25 = vector.shape_cast %get3A_24 : vector<1x5000x128xf32> to vector<5000x128xf32>
    %broadcast_in_dim3A_26 = vector.shape_cast %max3A_14 : vector<5000xf32> to vector<5000x1xf32>
    %div3A_27 = vector.broadcast %broadcast_in_dim3A_26 : vector<5000x1xf32> to vector<5000x128xf32>
    %div3A_28 = arith.divf %get3A_25, %div3A_27 : vector<5000x128xf32>
    %get3A_29 = arith.constant 0 : index
    %get3A_30 = arith.constant 0 : index
    %get3A_31 = vector.load %arg10[%get3A_29, %get3A_30] : memref<2x128xf32, #tpu.memory_space<vmem>>, vector<2x128xf32>
    %get3A_32 = arith.constant 0 : index
    %get3A_33 = arith.constant 0 : index
    %get3A_34 = vector.load %arg4[%get3A_32, %get3A_33] : memref<128x128xf32, #tpu.memory_space<vmem>>, vector<128x128xf32>
    %dot_general3A = arith.constant dense<0.000000e+00> : vector<2x128xf32>
    %dot_general3A_35 = tpu.matmul %get3A_31, %get3A_34, %dot_general3A {dimension_numbers = #tpu.dot_dimension_numbers<[1], [0], [0], [1], [0, 0, 1, 1], [], []>, transpose_lhs_hint = false} : vector<2x128xf32>, vector<128x128xf32>, vector<2x128xf32> -> vector<2x128xf32>
    %get3A_36 = arith.constant 0 : index
    %get3A_37 = arith.constant 0 : index
    %get3A_38 = vector.load %arg10[%get3A_36, %get3A_37] : memref<2x128xf32, #tpu.memory_space<vmem>>, vector<2x128xf32>
    %get3A_39 = arith.constant 0 : index
    %get3A_40 = arith.constant 0 : index
    %get3A_41 = vector.load %arg5[%get3A_39, %get3A_40] : memref<128x128xf32, #tpu.memory_space<vmem>>, vector<128x128xf32>
    %dot_general3A_42 = arith.constant dense<0.000000e+00> : vector<2x128xf32>
    %dot_general3A_43 = tpu.matmul %get3A_38, %get3A_41, %dot_general3A_42 {dimension_numbers = #tpu.dot_dimension_numbers<[1], [0], [0], [1], [0, 0, 1, 1], [], []>, transpose_lhs_hint = false} : vector<2x128xf32>, vector<128x128xf32>, vector<2x128xf32> -> vector<2x128xf32>
    %get3A_44 = arith.constant 0 : index
    %get3A_45 = arith.constant 0 : index
    %get3A_46 = vector.load %arg11[%get3A_44, %get3A_45] : memref<2x128xf32, #tpu.memory_space<vmem>>, vector<2x128xf32>
    %get3A_47 = arith.constant 0 : index
    %get3A_48 = arith.constant 0 : index
    %get3A_49 = vector.load %arg7[%get3A_47, %get3A_48] : memref<128x128xf32, #tpu.memory_space<vmem>>, vector<128x128xf32>
    %dot_general3A_50 = arith.constant dense<0.000000e+00> : vector<2x128xf32>
    %dot_general3A_51 = tpu.matmul %get3A_46, %get3A_49, %dot_general3A_50 {dimension_numbers = #tpu.dot_dimension_numbers<[1], [0], [0], [1], [0, 0, 1, 1], [], []>, transpose_lhs_hint = false} : vector<2x128xf32>, vector<128x128xf32>, vector<2x128xf32> -> vector<2x128xf32>
    %get3A_52 = arith.constant 0 : index
    %get3A_53 = arith.constant 0 : index
    %get3A_54 = vector.load %arg11[%get3A_52, %get3A_53] : memref<2x128xf32, #tpu.memory_space<vmem>>, vector<2x128xf32>
    %get3A_55 = arith.constant 0 : index
    %get3A_56 = arith.constant 0 : index
    %get3A_57 = vector.load %arg8[%get3A_55, %get3A_56] : memref<128x128xf32, #tpu.memory_space<vmem>>, vector<128x128xf32>
    %dot_general3A_58 = arith.constant dense<0.000000e+00> : vector<2x128xf32>
    %dot_general3A_59 = tpu.matmul %get3A_54, %get3A_57, %dot_general3A_58 {dimension_numbers = #tpu.dot_dimension_numbers<[1], [0], [0], [1], [0, 0, 1, 1], [], []>, transpose_lhs_hint = false} : vector<2x128xf32>, vector<128x128xf32>, vector<2x128xf32> -> vector<2x128xf32>
    %get3A_60 = arith.constant 0 : index
    %get3A_61 = arith.constant 0 : index
    %get3A_62 = vector.load %arg10[%get3A_60, %get3A_61] : memref<2x128xf32, #tpu.memory_space<vmem>>, vector<2x128xf32>
    %get3A_63 = arith.constant 0 : index
    %get3A_64 = vector.load %arg6[%get3A_63] : memref<128xf32, #tpu.memory_space<vmem>>, vector<128xf32>
    %broadcast_in_dim3A_65 = vector.shape_cast %get3A_64 : vector<128xf32> to vector<1x128xf32>
    %dot_general3A_66 = arith.constant dense<0.000000e+00> : vector<2x1xf32>
    %dot_general3A_67 = tpu.matmul %get3A_62, %broadcast_in_dim3A_65, %dot_general3A_66 {dimension_numbers = #tpu.dot_dimension_numbers<[1], [1], [0], [0], [0, 0, 1, 0], [], []>, transpose_lhs_hint = false} : vector<2x128xf32>, vector<1x128xf32>, vector<2x1xf32> -> vector<2x1xf32>
    %get3A_68 = arith.constant 0 : index
    %get3A_69 = vector.load %arg12[%get3A_68] : memref<2xf32, #tpu.memory_space<vmem>>, vector<2xf32>
    %broadcast_in_dim3A_70 = vector.shape_cast %get3A_69 : vector<2xf32> to vector<2x1xf32>
    %add3A = arith.addf %dot_general3A_67, %broadcast_in_dim3A_70 : vector<2x1xf32>
    %get3A_71 = arith.constant 0 : index
    %get3A_72 = arith.constant 0 : index
    %get3A_73 = vector.load %arg11[%get3A_71, %get3A_72] : memref<2x128xf32, #tpu.memory_space<vmem>>, vector<2x128xf32>
    %get3A_74 = arith.constant 0 : index
    %get3A_75 = vector.load %arg9[%get3A_74] : memref<128xf32, #tpu.memory_space<vmem>>, vector<128xf32>
    %broadcast_in_dim3A_76 = vector.shape_cast %get3A_75 : vector<128xf32> to vector<1x128xf32>
    %dot_general3A_77 = arith.constant dense<0.000000e+00> : vector<2x1xf32>
    %dot_general3A_78 = tpu.matmul %get3A_73, %broadcast_in_dim3A_76, %dot_general3A_77 {dimension_numbers = #tpu.dot_dimension_numbers<[1], [1], [0], [0], [0, 0, 1, 0], [], []>, transpose_lhs_hint = false} : vector<2x128xf32>, vector<1x128xf32>, vector<2x1xf32> -> vector<2x1xf32>
    %get3A_79 = arith.constant 0 : index
    %get3A_80 = arith.constant 0 : index
    %get3A_81 = arith.constant 0 : index
    %get3A_82 = vector.load %arg0[%get3A_79, %get3A_80, %get3A_81] : memref<2x5000x128xf32, #tpu.memory_space<vmem>>, vector<1x5000x128xf32>
    %get3A_83 = vector.shape_cast %get3A_82 : vector<1x5000x128xf32> to vector<5000x128xf32>
    %dot_general3A_84 = arith.constant dense<0.000000e+00> : vector<2x5000xf32>
    %dot_general3A_85 = tpu.matmul %dot_general3A_35, %get3A_83, %dot_general3A_84 {dimension_numbers = #tpu.dot_dimension_numbers<[1], [1], [0], [0], [0, 0, 1, 0], [], []>, transpose_lhs_hint = false} : vector<2x128xf32>, vector<5000x128xf32>, vector<2x5000xf32> -> vector<2x5000xf32>
    %dot_general3A_86 = arith.constant dense<0.000000e+00> : vector<2x5000xf32>
    %dot_general3A_87 = tpu.matmul %dot_general3A_43, %div3A_20, %dot_general3A_86 {dimension_numbers = #tpu.dot_dimension_numbers<[1], [1], [0], [0], [0, 0, 1, 0], [], []>, transpose_lhs_hint = false} : vector<2x128xf32>, vector<5000x128xf32>, vector<2x5000xf32> -> vector<2x5000xf32>
    %add3A_88 = arith.addf %dot_general3A_85, %dot_general3A_87 : vector<2x5000xf32>
    %add3A_89 = vector.broadcast %add3A : vector<2x1xf32> to vector<2x5000xf32>
    %add3A_90 = arith.addf %add3A_88, %add3A_89 : vector<2x5000xf32>
    %swap3A = arith.constant 0 : index
    %swap3A_91 = arith.constant 0 : index
    %swap3A_92 = vector.load %arg13[%swap3A, %swap3A_91] : memref<2x5000xf32, #tpu.memory_space<vmem>>, vector<2x5000xf32>
    tpu.vector_store %arg13[%swap3A, %swap3A_91], %add3A_90 {strides = array<i32>} : memref<2x5000xf32, #tpu.memory_space<vmem>>, vector<2x5000xf32>,
    %get3A_93 = arith.constant 1 : index
    %get3A_94 = arith.constant 0 : index
    %get3A_95 = arith.constant 0 : index
    %get3A_96 = vector.load %arg0[%get3A_93, %get3A_94, %get3A_95] : memref<2x5000x128xf32, #tpu.memory_space<vmem>>, vector<1x5000x128xf32>
    %get3A_97 = vector.shape_cast %get3A_96 : vector<1x5000x128xf32> to vector<5000x128xf32>
    %dot_general3A_98 = arith.constant dense<0.000000e+00> : vector<2x5000xf32>
    %dot_general3A_99 = tpu.matmul %dot_general3A_51, %get3A_97, %dot_general3A_98 {dimension_numbers = #tpu.dot_dimension_numbers<[1], [1], [0], [0], [0, 0, 1, 0], [], []>, transpose_lhs_hint = false} : vector<2x128xf32>, vector<5000x128xf32>, vector<2x5000xf32> -> vector<2x5000xf32>
    %dot_general3A_100 = arith.constant dense<0.000000e+00> : vector<2x5000xf32>
    %dot_general3A_101 = tpu.matmul %dot_general3A_59, %div3A_28, %dot_general3A_100 {dimension_numbers = #tpu.dot_dimension_numbers<[1], [1], [0], [0], [0, 0, 1, 0], [], []>, transpose_lhs_hint = false} : vector<2x128xf32>, vector<5000x128xf32>, vector<2x5000xf32> -> vector<2x5000xf32>
    %add3A_102 = arith.addf %dot_general3A_99, %dot_general3A_101 : vector<2x5000xf32>
    %add3A_103 = vector.broadcast %dot_general3A_78 : vector<2x1xf32> to vector<2x5000xf32>
    %add3A_104 = arith.addf %add3A_102, %add3A_103 : vector<2x5000xf32>
    %swap3A_105 = arith.constant 0 : index
    %swap3A_106 = arith.constant 0 : index
    %swap3A_107 = vector.load %arg14[%swap3A_105, %swap3A_106] : memref<2x5000xf32, #tpu.memory_space<vmem>>, vector<2x5000xf32>
    tpu.vector_store %arg14[%swap3A_105, %swap3A_106], %add3A_104 {strides = array<i32>} : memref<2x5000xf32, #tpu.memory_space<vmem>>, vector<2x5000xf32>,
    return
  }
}

</mosaic_0001>

<sc_bundles>
// kernel: kernel.11.cloned.1.call-start
scs
__scs_entry_jumppad:
0x0: {  	(pc) =	sbr.rel $0x88, $3  }
0x1: {  	(tag) =	ssettag $0x0;
	lr =	simm.s32 $0x1  }
0x2: {  	[smem:$0x3F94] =	sst lr;
	_ =	strace $0xD0000000  }
0x3: {  	_ = 	snop  }
0x4: {  	_ = 	snop  }
0x5: {  	_ = 	snop  }
0x6: {  	_ = 	snop  }
0x7: {  	_ = 	snop  }
__scs_overlays_trampoline_lowered:
0x8: {  	[smem:$0x3FA3] =	sst s0  }
0x9: {  	[smem:$0x3FA4] =	sst s1  }
0xa: {  	[smem:$0x3FA5] =	sst s2  }
0xb: {  	[smem:$0x3FA6] =	sst s3  }
0xc: {  	[smem:$0x3FA7] =	sst s4  }
0xd: {  	[smem:$0x3FA8] =	sst s5  }
0xe: {  	[smem:$0x3FA9] =	sst s6  }
0xf: {  	[smem:$0x3FAA] =	sst s7  }
0x10: {  	[smem:$0x3FAB] =	sst s8  }
0x11: {  	[smem:$0x3FAC] =	sst s9;
	s0 =	simm.s32 @!p0 $0x0  }
0x12: {  	s1 =	sld [smem:$0x3F92];
	s0 =	simm.s32 @p0 $0x1  }
0x13: {  	[smem:$0x3FAD] =	sst s0;
	s0 =	simm.s32 @!p1 $0x0  }
0x14: {  	s2 =	sld [smem:$0x3F91];
	s0 =	simm.s32 @p1 $0x1  }
0x15: {  	[smem:$0x3FAE] =	sst s0;
	s0 =	simm.s32 @!p2 $0x0  }
0x16: {  	s3 =	sld [smem:$0x3FDB];
	s0 =	simm.s32 @p2 $0x1  }
0x17: {  	s4 =	simm.s32 $0x1BF5;
	[smem:$0x3FB0] =	sst s0  }
0x18: {  	s0 =	sld [smem:$0x3F93];
	_ =	swait.ge [sflag:s4], $0x0  }
0x19: {  	s7 =	sld [smem:$0x3F94]  }
0x1a: {  	s8 =	sadd.s32 $0xFFFFE003, lr  }
0x1b: {  	s9 =	sadd.s32 $0xFFFFFEF7, lr;
	s5 =	simm.s32 $0xFFFFFFFF;
	p2 =	slt.u32 s8, $0xFFFFF086  }
0x1c: {  	p1 =	slt.u32 s9, $0xF7A;
	s5 =	simm.s32 @!p2 $0x0  }
0x1d: {  	s5 =	simm.s32 @p1 $0x1;
	p0 =	seq.s32 s7, s2  }
0x1e: {  	s7 =	smul.u32 @!p0 $0xF7A, s2;
	p2 =	seq.s32 @!p0 s5, $0x0  }
0x1f: {  	s9 =	smul.u32 $0xF7A, s1;
	s8 =	simm.s32 @!p0 $0x1BF5;
	p2 =	por !p2, p0  }
0x20: {  	[sflag:s8] =	ssyncset.s32 @!p0 $0xFFFFF086;
	s6 =	sadd.s32 @!p0 s3, s7;
	s7 =	simm.s32 @!p0 $0x108  }
0x21: {  	s3 =	sadd.s32 s3, s9;
	s6 =	sadd.s32 @!p0 $0x88, s6;
	s7 =	simm.s32 @p2 $0x1082  }
0x22: {  	[simem:s7], [sflag:s8] =	dma.local @!p0 [hbm:s6], $0xF7A  }
0x23: {  	s9 =	sor.u32 $0xD0000000, s2;
	s6 =	simm.s32 $0x108;
	_ =	swait.ge @!p0 [sflag:s8], $0x0  }
0x24: {  	s3 =	sadd.s32 $0x88, s3;
	s6 =	simm.s32 @!p1 $0x1082;
	[sflag:s4] =	ssyncset.s32 $0xFFFFF086  }
0x25: {  	[simem:s6], [sflag:s4] =	dma.local [hbm:s3], $0xF7A  }
0x26: {  	[smem:$0x3F94] =	sst s1;
	(tag) =	ssettag s2;
	_ =	strace s9  }
0x27: {  	s1 =	sld [smem:$0x3FA4]  }
0x28: {  	s2 =	sld [smem:$0x3FA5]  }
0x29: {  	s4 =	sld [smem:$0x3FA7]  }
0x2a: {  	p0 =	seq.s32 s5, $0x0;
	s5 =	sld [smem:$0x3FA8]  }
0x2b: {  	s6 =	sld [smem:$0x3FA9]  }
0x2c: {  	s7 =	sld [smem:$0x3FAA]  }
0x2d: {  	s3 =	simm.s32 $0x108;
	s8 =	sld [smem:$0x3FAB]  }
0x2e: {  	s3 =	simm.s32 @!p0 $0x1082;
	s9 =	sld [smem:$0x3FAC]  }
0x2f: {  	lr =	sadd.s32 s0, s3;
	s0 =	sld [smem:$0x3FA3]  }
0x30: {  	s3 =	sld [smem:$0x3FA6]  }
0x31: {  	[smem:$0x3FAF] =	sst s10  }
0x32: {  	s10 =	sld [smem:$0x3FAD];
	_ =	sdelay $0x3  }
0x33: {  	p0 =	seq.s32 s10, $0x1;
	s10 =	sld [smem:$0x3FAF];
	_ =	sdelay $0x3  }
0x34: {  	[smem:$0x3FAF] =	sst s10  }
0x35: {  	s10 =	sld [smem:$0x3FAE];
	_ =	sdelay $0x3  }
0x36: {  	p1 =	seq.s32 s10, $0x1;
	s10 =	sld [smem:$0x3FAF];
	_ =	sdelay $0x3  }
0x37: {  	[smem:$0x3FAF] =	sst s10  }
0x38: {  	s10 =	sld [smem:$0x3FB0]  }
0x39: {  	_ = 	snop;
	(pc) =	sbr.ind lr, $3  }
0x3a: {  	_ = 	snop  }
0x3b: {  	_ = 	snop  }
0x3c: {  	p2 =	seq.s32 s10, $0x1;
	s10 =	sld [smem:$0x3FAF]  }
0x3d: {  	_ =	shalt  }
0x3e: {  	_ =	shalt  }
0x3f: {  	_ =	shalt  }
0x40: {  	_ =	shalt  }
0x41: {  	_ =	shalt  }
0x42: {  	_ =	shalt  }
0x43: {  	_ =	shalt  }
0x44: {  	_ =	shalt  }
0x45: {  	_ =	shalt  }
0x46: {  	_ =	shalt  }
0x47: {  	_ =	shalt  }
0x48: {  	_ =	shalt  }
0x49: {  	_ =	shalt  }
0x4a: {  	_ =	shalt  }
0x4b: {  	_ =	shalt  }
0x4c: {  	_ =	shalt  }
0x4d: {  	_ =	shalt  }
0x4e: {  	_ =	shalt  }
0x4f: {  	_ =	shalt  }
0x50: {  	_ =	shalt  }
0x51: {  	_ =	shalt  }
0x52: {  	_ =	shalt  }
0x53: {  	_ =	shalt  }
0x54: {  	_ =	shalt  }
0x55: {  	_ =	shalt  }
0x56: {  	_ =	shalt  }
0x57: {  	_ =	shalt  }
0x58: {  	_ =	shalt  }
0x59: {  	_ =	shalt  }
0x5a: {  	_ =	shalt  }
0x5b: {  	_ =	shalt  }
0x5c: {  	_ =	shalt  }
0x5d: {  	_ =	shalt  }
0x5e: {  	_ =	shalt  }
0x5f: {  	_ =	shalt  }
0x60: {  	_ =	shalt  }
0x61: {  	_ =	shalt  }
0x62: {  	_ =	shalt  }
0x63: {  	_ =	shalt  }
0x64: {  	_ =	shalt  }
0x65: {  	_ =	shalt  }
0x66: {  	_ =	shalt  }
0x67: {  	_ =	shalt  }
0x68: {  	_ =	shalt  }
0x69: {  	_ =	shalt  }
0x6a: {  	_ =	shalt  }
0x6b: {  	_ =	shalt  }
0x6c: {  	_ =	shalt  }
0x6d: {  	_ =	shalt  }
0x6e: {  	_ =	shalt  }
0x6f: {  	_ =	shalt  }
0x70: {  	_ =	shalt  }
0x71: {  	_ =	shalt  }
0x72: {  	_ =	shalt  }
0x73: {  	_ =	shalt  }
0x74: {  	_ =	shalt  }
0x75: {  	_ =	shalt  }
0x76: {  	_ =	shalt  }
0x77: {  	_ =	shalt  }
0x78: {  	_ =	shalt  }
0x79: {  	_ =	shalt  }
0x7a: {  	_ =	shalt  }
0x7b: {  	_ =	shalt  }
0x7c: {  	_ =	shalt  }
0x7d: {  	_ =	shalt  }
0x7e: {  	_ =	shalt  }
0x7f: {  	_ =	shalt  }
0x80: {  	_ =	shalt  }
0x81: {  	_ =	shalt  }
0x82: {  	_ =	shalt  }
0x83: {  	_ =	shalt  }
0x84: {  	_ =	shalt  }
0x85: {  	_ =	shalt  }
0x86: {  	_ =	shalt  }
0x87: {  	_ =	shalt  }
.Lfunc_end0:
.L_simem_size_0:
called_computation.1_lowered:
.L_overlay_start_0:
0x88: {  	s2 =	sld [smem:$0x3FD9]  }
0x89: {  	s3 =	sld [smem:$0x3FFE];
	_ =	sdelay $0x1  }
0x8a: {  	s1 =	srdreg.scid  }
0x8b: {  	s0 =	sand.u32 $0x1, s1  }
0x8c: {  	s17 =	sshll.u32 s0, $0xA;
	s2 =	sadd.s32 s3, s2  }
0x8d: {  	s2 =	sadd.s32 s2, s17  }
0x8e: {  	[smem:$0x3FBB] =	sst s2  }
0x8f: {  	_ = 	snop  }
0x90: {  	(tm) =	ssettm $0x1  }
0x91: {  	s18 =	sld [smem:$0x3FFB];
	_ =	sdelay $0x3  }
0x92: {  	_ =	strace s18  }
0x93: {  	s2 =	sld [smem:$0x3FFC];
	_ =	sdelay $0x3  }
0x94: {  	_ =	strace s2  }
0x95: {  	s2 =	sld [smem:$0x3FFD];
	_ =	sdelay $0x3  }
0x96: {  	_ =	strace s2  }
0x97: {  	_ =	strace $0x8FFFFFFF  }
0x98: {  	s19 =	sld [smem:$0x3FDB];
	_ =	sdelay $0x1  }
0x99: {  	s20 =	simm.s32 $_scs_section_size  }
0x9a: {  	s4 =	simm.s32 $_size__tile_overlayer_lowered;
	s5 =	simm.s32 $_tile_overlayer_lowered  }
0x9b: {  	s6 =	simm.s32 $0x1BFF;
	s21 =	sshll.u32 s5, $0x1;
	s3 =	sadd.s32 s20, s19  }
0x9c: {  	s22 =	simm.s32 $0x0;
	s4 =	sshll.u32 s4, $0x1;
	s5 =	sadd.s32 s21, s3  }
0x9d: {  	[timem:s22], [sflag:s6] =	dma.local [hbm:s5], s4  }
0x9e: {  	_ =	swait.ge [sflag:s6], s4  }
0x9f: {  	s4 =	ssub.s32 $0x0, s4;
	[sflag:s6] =	ssyncset.done $0x0  }
0xa0: {  	[sflag:s6] =	ssyncadd.s32 s4;
	_ =	sdelay $0x1  }
0xa1: {  	s23 =	simm.s32 $0x1B8B  }
0xa2: {  	_ =	swait.ge [sflag:s23], $0x1  }
0xa3: {  	[sflag:s23] =	ssyncset.done $0x0  }
0xa4: {  	[sflag:s23] =	ssyncadd.s32 $0xFFFFFFFF  }
0xa5: {  	s4 =	sld [smem:$0x0]  }
0xa6: {  	s5 =	sand.u32 $0xFFFFFFFE, s1  }
0xa7: {  	p0 =	sne.s32 s1, s5  }
0xa8: {  	s5 =	sshll.u32 @p0 s5, $0xE  }
0xa9: {  	s5 =	sadd.s32 @p0 $0x11B8D, s5;
	s6 =	sshll.u32 @p0 s4, $0x11  }
0xaa: {  	s5 =	sor.u32 @p0 s6, s5  }
0xab: {  	[sflag:s5] =	ssyncadd.remote.s32 @p0 $0x1;
	_ =	sdelay $0x1  }
0xac: {  	s5 =	simm.s32 @p0 $0x1B8D  }
0xad: {  	_ =	swait.eq @p0 [sflag:s5], $0x1  }
0xae: {  	[sflag:s5] =	ssyncadd.s32 @p0 $0xFFFFFFFF  }
0xaf: {  	s6 =	sshll.u32 @!p0 s1, $0xE  }
0xb0: {  	s6 =	sor.u32 @!p0 $0x4000, s6;
	s5 =	simm.s32 @!p0 $0x1B8D  }
0xb1: {  	s4 =	sshll.u32 @!p0 s4, $0x11;
	s6 =	sadd.s32 @!p0 $0x11B8D, s6;
	_ =	swait.eq @!p0 [sflag:s5], $0x1  }
0xb2: {  	s4 =	sor.u32 @!p0 s4, s6;
	[sflag:s5] =	ssyncadd.s32 @!p0 $0xFFFFFFFF  }
0xb3: {  	s25 =	simm.s32 $0x1B8E;
	s24 =	sld [smem:$0x3FFE];
	[sflag:s4] =	ssyncadd.remote.s32 @!p0 $0x1  }
0xb4: {  	s26 =	simm.s32 $execute0_lowered;
	[smem:$0x3FD2] =	sst s25  }
0xb5: {  	s5 =	sshll.u32 s26, $0x1;
	_ =	strace $0x80000049;
	[dreg:$0x1] =	wrdreg $0xFFFFFFFF  }
0xb6: {  	s28 =	simm.s32 $_size_execute0_lowered;
	s3 =	sadd.s32 s3, s5;
	[dreg:$0x0] =	wrdreg $0x0  }
0xb7: {  	s5 =	sshll.u32 s28, $0x1;
	[dreg:$0x2] =	wrdreg s3  }
0xb8: {  	[dreg:$0x3] =	wrdreg s5  }
0xb9: {  	[dreg:$0x4] =	wrdreg $0xC0  }
0xba: {  	_ =	task [dreg:s22], $0x5FFFF  }
0xbb: {  	[dreg:$0x1] =	wrdreg $0xFFFFFFFF  }
0xbc: {  	[dreg:$0x0] =	wrdreg $0x60  }
0xbd: {  	[dreg:$0x2] =	wrdreg s24  }
0xbe: {  	[dreg:$0x3] =	wrdreg $0x0  }
0xbf: {  	[dreg:$0x4] =	wrdreg $0xA  }
0xc0: {  	_ =	task.clear_ibuf [dreg:s22], $0x5FFFF;
	_ =	strace $0x90000049  }
0xc1: {  	s29 =	simm.s32 $0xA;
	_ =	strace $0x8000004B  }
0xc2: {  	_ =	swait.ge [sflag:s29], $0x1  }
0xc3: {  	[sflag:s29] =	ssyncadd.s32 $0xFFFFFFFF  }
0xc4: {  	_ =	strace $0x9000004B  }
0xc5: {  	_ =	sfence  }
0xc6: {  	s30 =	sld [smem:$0x0];
	_ =	sdelay $0x2  }
0xc7: {  	s31 =	sshll.u32 s1, $0xD;
	s1 =	sshrl.u32 s1, $0x2  }
0xc8: {  	s4 =	sand.u32 $0x4000, s31;
	s1 =	sadd.s32 s1, s30  }
0xc9: {  	s0 =	sor.u32 s4, s0;
	s1 =	sshll.u32 s1, $0x11  }
0xca: {  	s0 =	sor.u32 s1, s0  }
0xcb: {  	s0 =	sadd.s32 $0x8F2B, s0  }
0xcc: {  	[sflag:s0] =	ssyncadd.remote.s32 $0x1  }
0xcd: {  	_ =	sfence.sel $0xFFFF  }
0xce: {  	[dreg:$0x0] =	wrdreg $0xFFFFFFFF;
	(pc) =	sbr.abs _section_cstart, $3  }
0xcf: {  	[dreg:$0x1] =	wrdreg $0xFFFFFFFF  }
0xd0: {  	_ =	task.clear_ibuf [dreg:s22], $0x2FFFF;
	_ =	strace $0x9FFFFFFF  }
0xd1: {  	(tm) =	ssettm $0x7FFFFFFF  }
tec
execute0_lowered:
.L_overlay_start_1:
0x0: {  	(tag) =	ssettag $0x1  }
0x1: {  	s5 =	rddreg [dreg:$0x0]  }
0x2: {  	s0 =	srdreg.scid;
	s1 =	rddreg [dreg:$0x1];
	s3 =	simm.s32 $0x0  }
0x3: {  	s2 =	stileid.u32;
	s16 =	simm.s32 $0x5;
	s17 =	simm.s32 $0xA000  }
0x4: {  	s18 =	simm.s32 $0x80;
	s19 =	simm.s32 $0xA100;
	s8 =	smul.u32 $0xA000, s2  }
0x5: {  	s20 =	simm.s32 $0xE200;
	s21 =	simm.s32 $0x1;
	s10 =	smul.u32 $0x28000, s2  }
0x6: {  	s22 =	simm.s32 $0xA080;
	s6 =	sand.u32 $0x1, s0;
	s11 =	smul.u32 $0x9E00, s2  }
0x7: {  	s23 =	simm.s32 $0x2;
	s24 =	simm.s32 $0xA180;
	s4 =	smul.u32 $0x13880, s6  }
0x8: {  	s28 =	simm.s32 $0x0;
	[smem:$0x7FF] =	sst s3;
	s7 =	smul.u32 $0xA0000, s6  }
0x9: {  	_ =	strace $0x8000004A;
	s25 =	smul.u32 $0x9E000, s6;
	s6 =	ssub.s32 $0x2, s6  }
0xa: {  	s26 =	sshrl.u32 s6, $0x1;
	s29 =	sshrl.u32 s10, $0x2;
	s9 =	sadd.s32 s4, s5  }
0xb: {  	s4 =	sadd.s32 $0x53600, s5;
	s7 =	sadd.s32 s8, s7;
	s13 =	ssub.s32 s6, s26  }
0xc: {  	s14 =	sadd.s32 s11, s25;
	s25 =	simm.s32 $0x3;
	s26 =	simm.s32 $0x4  }
0xd: {  	s7 =	sshrl.u32 s7, $0x3;
	s8 =	sshrl.u32 s14, $0x3;
	s30 =	sor.u32 $0x100, s14  }
0xe: {  	s9 =	sadd.s32 $0x2C400, s9;
	s15 =	sadd.s32 $0x300, s14;
	s14 =	sadd.s32 $0x200, s14  }
0xf: {  	s12 =	sadd.s32 s7, s5;
	s5 =	sadd.s32 s29, s1;
	s8 =	sadd.s32 s4, s8  }
0x10: {  	s10 =	sshrl.u32 s30, $0x3;
	s31 =	sshrl.u32 s15, $0x3;
	s15 =	simm.s32 $0xA200  }
0x11: {  	s6 =	sadd.s32 $0x4000, s5;
	s7 =	sadd.s32 $0x8000, s5;
	s10 =	sadd.s32 s4, s10  }
0x12: {  	v0 =	vimm.f32 $0.0e+00;
	s11 =	sadd.s32 $0x7AE00, s12;
	s12 =	smax.u32 s13, $0x1;
	s13 =	sadd.s32 s31, s4  }
.LBB2_1:
0x13: {  	s29 =	simm.s32 $0x0;
	s30 =	simm.s32 $0x200  }
.LBB2_2:
0x14: {  	p0 =	sne.s32 s30, $0xFE00;
	[tilespmem:s29+$0xA270] =	vst v0  }
0x15: {  	[tilespmem:s29+$0xA200] =	vst v0  }
0x16: {  	[tilespmem:s29+$0xA210] =	vst v0  }
.Ltmp0:
0x17: {  	[tilespmem:s29+$0xA220] =	vst v0;
	(pc) =	sbr.rel @p0 .LBB2_2-.Ltmp0, $4  }
0x18: {  	[tilespmem:s29+$0xA230] =	vst v0  }
0x19: {  	[tilespmem:s29+$0xA240] =	vst v0  }
0x1a: {  	[tilespmem:s29+$0xA250] =	vst v0  }
0x1b: {  	[tilespmem:s29+$0xA260] =	vst v0;
	s29 =	sshra.s32 s30, $0x2;
	s30 =	sadd.s32 $0x200, s30  }
0x1c: {  	[tilespmem:s29+$0xA270] =	vst v0  }
0x1d: {  	[tilespmem:s29+$0xA200] =	vst v0  }
0x1e: {  	[tilespmem:s29+$0xA210] =	vst v0  }
0x1f: {  	[tilespmem:s29+$0xA220] =	vst v0  }
0x20: {  	[tilespmem:s29+$0xA230] =	vst v0  }
0x21: {  	[tilespmem:s29+$0xA240] =	vst v0  }
0x22: {  	[tilespmem:s29+$0xA250] =	vst v0  }
0x23: {  	[tilespmem:s29+$0xA260] =	vst v0  }
0x24: {  	[spmem:s5] =	stream.linear.scatter [tilespmem:s15], [sflag:$0x5], $0x4000, $0x38;
	[tilespmem:$0x12200] =	vst v63  }
0x25: {  	_ =	swait.ge [sflag:s16], $0x4000  }
0x26: {  	[sflag:s16] =	ssyncset.done $0x0  }
0x27: {  	[sflag:s16] =	ssyncadd.s32 $0xFFFFC000  }
0x28: {  	[spmem:s6] =	stream.linear.scatter [tilespmem:s15], [sflag:$0x5], $0x4000, $0x38;
	[tilespmem:$0x12200] =	vst v63  }
0x29: {  	_ =	swait.ge [sflag:s16], $0x4000  }
0x2a: {  	[sflag:s16] =	ssyncset.done $0x0  }
0x2b: {  	[sflag:s16] =	ssyncadd.s32 $0xFFFFC000  }
0x2c: {  	[spmem:s7] =	stream.linear.scatter [tilespmem:s15], [sflag:$0x5], $0x2000, $0x38;
	[tilespmem:$0x12200] =	vst v63  }
0x2d: {  	_ =	swait.ge [sflag:s16], $0x2000  }
0x2e: {  	[sflag:s16] =	ssyncset.done $0x0  }
0x2f: {  	[sflag:s16] =	ssyncadd.s32 $0xFFFFE000  }
0x30: {  	s29 =	simm.s32 $0x0;
	[bflag:$0x0] =	sbarrier.arrive $0xFFFF  }
0x31: {  	[tilespmem:s17], [sflag:$0x5] =	stream.linear.gather [hbm4b:s8+s29], $0x100, $0x38;
	[tilespmem:$0x12200] =	vst v63  }
0x32: {  	_ =	swait.ge [sflag:s16], $0x100  }
0x33: {  	[sflag:s16] =	ssyncset.done $0x0  }
0x34: {  	[sflag:s16] =	ssyncadd.s32 $0xFFFFFF00  }
0x35: {  	[tilespmem:s15], [sflag:$0x1] =	stream.indirect.gather [hbm4b:s9+s18], $0x80, s17, s18, $0xb8;
	[tilespmem:$0x12200] =	vst v63  }
0x36: {  	_ = 	snop  }
0x37: {  	[tilespmem:s19], [sflag:$0x5] =	stream.linear.gather [hbm4b:s10+s29], $0x100, $0x38;
	[tilespmem:$0x12200] =	vst v63  }
0x38: {  	_ =	swait.ge [sflag:s16], $0x100  }
0x39: {  	[sflag:s16] =	ssyncset.done $0x0  }
0x3a: {  	[sflag:s16] =	ssyncadd.s32 $0xFFFFFF00  }
0x3b: {  	[tilespmem:s20], [sflag:$0x2] =	stream.indirect.gather [hbm4b:s9+s18], $0x80, s19, s18, $0xb8;
	[tilespmem:$0x12200] =	vst v63  }
0x3c: {  	_ =	swait.ge [sflag:s21], $0x4000  }
0x3d: {  	[sflag:s21] =	ssyncset.done $0x0  }
0x3e: {  	[sflag:s21] =	ssyncadd.s32 $0xFFFFC000  }
0x3f: {  	[spmem:s1] =	stream.indirect.scatter.add.f32 [tilespmem:s15], [sflag:$0x3], $0x80, s22, s18, $0xb8;
	[tilespmem:$0x12200] =	vst v63  }
0x40: {  	_ =	swait.ge [sflag:s23], $0x4000  }
0x41: {  	[sflag:s23] =	ssyncset.done $0x0  }
0x42: {  	[sflag:s23] =	ssyncadd.s32 $0xFFFFC000  }
0x43: {  	[spmem:s1] =	stream.indirect.scatter.add.f32 [tilespmem:s20], [sflag:$0x4], $0x80, s24, s18, $0xb8;
	[tilespmem:$0x12200] =	vst v63  }
0x44: {  	_ =	swait.ge [sflag:s25], $0x4000  }
0x45: {  	s29 =	sshrl.u32 s14, $0x3;
	[sflag:s25] =	ssyncset.done $0x0  }
0x46: {  	s29 =	sadd.s32 s4, s29;
	[sflag:s25] =	ssyncadd.s32 $0xFFFFC000  }
0x47: {  	[tilespmem:s17], [sflag:$0x5] =	stream.linear.gather [hbm4b:s29+s3], $0x100, $0x38;
	[tilespmem:$0x12200] =	vst v63  }
0x48: {  	_ =	swait.ge [sflag:s16], $0x100  }
0x49: {  	[sflag:s16] =	ssyncset.done $0x0  }
0x4a: {  	[sflag:s16] =	ssyncadd.s32 $0xFFFFFF00  }
0x4b: {  	[tilespmem:s15], [sflag:$0x1] =	stream.indirect.gather [hbm4b:s9+s18], $0x80, s17, s18, $0xb8;
	[tilespmem:$0x12200] =	vst v63  }
0x4c: {  	_ =	swait.ge [sflag:s26], $0x4000  }
0x4d: {  	[sflag:s26] =	ssyncset.done $0x0  }
0x4e: {  	s29 =	sadd.s32 $0x0, s13;
	[sflag:s26] =	ssyncadd.s32 $0xFFFFC000  }
0x4f: {  	[tilespmem:s19], [sflag:$0x5] =	stream.linear.gather [hbm4b:s29+s3], $0x100, $0x38;
	[tilespmem:$0x12200] =	vst v63  }
0x50: {  	_ =	swait.ge [sflag:s16], $0x100  }
0x51: {  	[sflag:s16] =	ssyncset.done $0x0  }
0x52: {  	s30 =	sadd.s32 $0x200, s14;
	s29 =	simm.s32 $0x40;
	[sflag:s16] =	ssyncadd.s32 $0xFFFFFF00  }
.LBB2_4:
0x53: {  	[tilespmem:s20], [sflag:$0x2] =	stream.indirect.gather [hbm4b:s9+s18], $0x80, s19, s18, $0xb8;
	[tilespmem:$0x12200] =	vst v63  }
0x54: {  	s31 =	smov.u32 s29  }
0x55: {  	p0 =	sne.s32 s29, $0x1340;
	s29 =	sadd.s32 $0x40, s29;
	_ =	swait.ge [sflag:s21], $0x4000  }
0x56: {  	[sflag:s21] =	ssyncset.done $0x0  }
0x57: {  	[sflag:s21] =	ssyncadd.s32 $0xFFFFC000  }
0x58: {  	[spmem:s1] =	stream.indirect.scatter.add.f32 [tilespmem:s15], [sflag:$0x3], $0x80, s22, s18, $0xb8;
	[tilespmem:$0x12200] =	vst v63  }
0x59: {  	_ =	swait.ge [sflag:s23], $0x4000  }
0x5a: {  	[sflag:s23] =	ssyncset.done $0x0  }
0x5b: {  	[sflag:s23] =	ssyncadd.s32 $0xFFFFC000  }
0x5c: {  	[spmem:s1] =	stream.indirect.scatter.add.f32 [tilespmem:s20], [sflag:$0x4], $0x80, s24, s18, $0xb8;
	[tilespmem:$0x12200] =	vst v63  }
0x5d: {  	_ =	swait.ge [sflag:s25], $0x4000  }
0x5e: {  	s0 =	sshrl.u32 s30, $0x3;
	[sflag:s25] =	ssyncset.done $0x0  }
0x5f: {  	s0 =	sadd.s32 s4, s0;
	[sflag:s25] =	ssyncadd.s32 $0xFFFFC000  }
0x60: {  	[tilespmem:s17], [sflag:$0x5] =	stream.linear.gather [hbm4b:s0+s3], $0x100, $0x38;
	[tilespmem:$0x12200] =	vst v63  }
0x61: {  	_ =	swait.ge [sflag:s16], $0x100  }
0x62: {  	[sflag:s16] =	ssyncset.done $0x0  }
0x63: {  	[sflag:s16] =	ssyncadd.s32 $0xFFFFFF00  }
0x64: {  	[tilespmem:s15], [sflag:$0x1] =	stream.indirect.gather [hbm4b:s9+s18], $0x80, s17, s18, $0xb8;
	[tilespmem:$0x12200] =	vst v63  }
0x65: {  	_ =	swait.ge [sflag:s26], $0x4000  }
0x66: {  	[sflag:s26] =	ssyncset.done $0x0  }
.Ltmp1:
0x67: {  	s0 =	sadd.s32 s31, s13;
	[sflag:s26] =	ssyncadd.s32 $0xFFFFC000;
	(pc) =	sbr.rel @p0 .LBB2_4-.Ltmp1, $4  }
0x68: {  	[tilespmem:s19], [sflag:$0x5] =	stream.linear.gather [hbm4b:s0+s3], $0x100, $0x38;
	[tilespmem:$0x12200] =	vst v63  }
0x69: {  	_ =	swait.ge [sflag:s16], $0x100  }
0x6a: {  	[sflag:s16] =	ssyncset.done $0x0  }
0x6b: {  	s30 =	sadd.s32 $0x200, s30;
	[sflag:s16] =	ssyncadd.s32 $0xFFFFFF00  }
0x6c: {  	[tilespmem:s20], [sflag:$0x2] =	stream.indirect.gather [hbm4b:s9+s18], $0x80, s19, s18, $0xb8;
	[tilespmem:$0x12200] =	vst v63  }
0x6d: {  	_ =	swait.ge [sflag:s21], $0x4000  }
0x6e: {  	[sflag:s21] =	ssyncset.done $0x0  }
0x6f: {  	[sflag:s21] =	ssyncadd.s32 $0xFFFFC000  }
0x70: {  	[spmem:s1] =	stream.indirect.scatter.add.f32 [tilespmem:s15], [sflag:$0x3], $0x80, s22, s18, $0xb8;
	[tilespmem:$0x12200] =	vst v63  }
0x71: {  	_ =	swait.ge [sflag:s23], $0x4000  }
0x72: {  	[sflag:s23] =	ssyncset.done $0x0  }
0x73: {  	[sflag:s23] =	ssyncadd.s32 $0xFFFFC000  }
0x74: {  	[spmem:s1] =	stream.indirect.scatter.add.f32 [tilespmem:s20], [sflag:$0x4], $0x80, s24, s18, $0xb8;
	[tilespmem:$0x12200] =	vst v63  }
0x75: {  	_ =	swait.ge [sflag:s25], $0x4000  }
0x76: {  	[sflag:s25] =	ssyncset.done $0x0  }
0x77: {  	[sflag:s25] =	ssyncadd.s32 $0xFFFFC000  }
0x78: {  	_ =	swait.ge [sflag:s26], $0x4000  }
0x79: {  	s0 =	sshll.u32 s2, $0x6;
	s28 =	sadd.s32 $0x1, s28;
	[sflag:s26] =	ssyncset.done $0x0  }
0x7a: {  	s29 =	sshrl.u32 s5, $0x3;
	p0 =	sne.s32 s28, s12;
	[sflag:s26] =	ssyncadd.s32 $0xFFFFC000  }
.Ltmp2:
0x7b: {  	s0 =	sor.u32 $0x1C05, s0;
	[bflag:$0x0] =	sbarrier.arrive $0xFFFF;
	(pc) =	sbr.rel @p0 .LBB2_1-.Ltmp2, $4  }
0x7c: {  	[hbm:s11], [sflag:s0] =	dma.local [spmem:s29], $0x1400  }
0x7d: {  	_ =	swait.ge [sflag:s16], $0x1400  }
0x7e: {  	[sflag:s16] =	ssyncset.done $0x0  }
0x7f: {  	[sflag:s16] =	ssyncadd.s32 $0xFFFFEC00  }
0x80: {  	_ =	sfence.sel $0x180000  }
0x81: {  	[bflag:$0x0] =	sbarrier.arrive $0xFFFF  }
0x82: {  	_ =	strace $0x9000004A  }
0x83: {  	[bflag:$0x2] =	sbarrier.arrive $0xFFFF  }
0x84: {  	p0 =	sne.s32 s2, $0x0;
	s0 =	rddreg [dreg:$0x2]  }
0x85: {  	s0 =	sadd.s32 @!p0 $0x100000, s0  }
0x86: {  	[sflag:s0] =	ssyncadd.tile.s32 @!p0 $0x1;
	_ =	shalt  }
.Lfunc_end2:
_tile_overlayer_lowered:
.L_overlay_start_2:
0x87: {  	(tag) =	ssettag $0x2  }
0x88: {  	s0 =	rddreg [dreg:$0x0];
	s2 =	stileid.u32  }
0x89: {  	s1 =	rddreg [dreg:$0x1];
	p0 =	sne.s32 s2, $0x0  }
0x8a: {  	s3 =	rddreg [dreg:$0x2];
	[bflag:$0x3] =	sbarrier.arrive $0xFFFF;
	s2 =	simm.s32 @!p0 $0x1C05  }
0x8b: {  	[timem:s3], [sflag:s2] =	dma.local @!p0 [hbm:s0], s1  }
0x8c: {  	s0 =	simm.s32 @!p0 $0x5  }
0x8d: {  	_ =	swait.ge @!p0 [sflag:s0], s1  }
0x8e: {  	s1 =	ssub.s32 @!p0 $0x0, s1;
	[sflag:s0] =	ssyncset.done @!p0 $0x0  }
0x8f: {  	[sflag:s0] =	ssyncadd.s32 @!p0 s1  }
0x90: {  	[bflag:$0x3] =	sbarrier.arrive $0xFFFF  }
0x91: {  	_ =	shalt  }

// kernel: kernel.14.cloned.1.call-start
scs
__scs_entry_jumppad:
0x0: {  	(pc) =	sbr.rel $0x88, $3  }
0x1: {  	(tag) =	ssettag $0x0;
	lr =	simm.s32 $0x1  }
0x2: {  	[smem:$0x3F94] =	sst lr;
	_ =	strace $0xD0000000  }
0x3: {  	_ = 	snop  }
0x4: {  	_ = 	snop  }
0x5: {  	_ = 	snop  }
0x6: {  	_ = 	snop  }
0x7: {  	_ = 	snop  }
__scs_overlays_trampoline_lowered:
0x8: {  	[smem:$0x3FA3] =	sst s0  }
0x9: {  	[smem:$0x3FA4] =	sst s1  }
0xa: {  	[smem:$0x3FA5] =	sst s2  }
0xb: {  	[smem:$0x3FA6] =	sst s3  }
0xc: {  	[smem:$0x3FA7] =	sst s4  }
0xd: {  	[smem:$0x3FA8] =	sst s5  }
0xe: {  	[smem:$0x3FA9] =	sst s6  }
0xf: {  	[smem:$0x3FAA] =	sst s7  }
0x10: {  	[smem:$0x3FAB] =	sst s8  }
0x11: {  	[smem:$0x3FAC] =	sst s9;
	s0 =	simm.s32 @!p0 $0x0  }
0x12: {  	s1 =	sld [smem:$0x3F92];
	s0 =	simm.s32 @p0 $0x1  }
0x13: {  	[smem:$0x3FAD] =	sst s0;
	s0 =	simm.s32 @!p1 $0x0  }
0x14: {  	s2 =	sld [smem:$0x3F91];
	s0 =	simm.s32 @p1 $0x1  }
0x15: {  	[smem:$0x3FAE] =	sst s0;
	s0 =	simm.s32 @!p2 $0x0  }
0x16: {  	s3 =	sld [smem:$0x3FDB];
	s0 =	simm.s32 @p2 $0x1  }
0x17: {  	s4 =	simm.s32 $0x1BF5;
	[smem:$0x3FB0] =	sst s0  }
0x18: {  	s0 =	sld [smem:$0x3F93];
	_ =	swait.ge [sflag:s4], $0x0  }
0x19: {  	s7 =	sld [smem:$0x3F94]  }
0x1a: {  	s8 =	sadd.s32 $0xFFFFE003, lr  }
0x1b: {  	s9 =	sadd.s32 $0xFFFFFEF7, lr;
	s5 =	simm.s32 $0xFFFFFFFF;
	p2 =	slt.u32 s8, $0xFFFFF086  }
0x1c: {  	p1 =	slt.u32 s9, $0xF7A;
	s5 =	simm.s32 @!p2 $0x0  }
0x1d: {  	s5 =	simm.s32 @p1 $0x1;
	p0 =	seq.s32 s7, s2  }
0x1e: {  	s7 =	smul.u32 @!p0 $0xF7A, s2;
	p2 =	seq.s32 @!p0 s5, $0x0  }
0x1f: {  	s9 =	smul.u32 $0xF7A, s1;
	s8 =	simm.s32 @!p0 $0x1BF5;
	p2 =	por !p2, p0  }
0x20: {  	[sflag:s8] =	ssyncset.s32 @!p0 $0xFFFFF086;
	s6 =	sadd.s32 @!p0 s3, s7;
	s7 =	simm.s32 @!p0 $0x108  }
0x21: {  	s3 =	sadd.s32 s3, s9;
	s6 =	sadd.s32 @!p0 $0x88, s6;
	s7 =	simm.s32 @p2 $0x1082  }
0x22: {  	[simem:s7], [sflag:s8] =	dma.local @!p0 [hbm:s6], $0xF7A  }
0x23: {  	s9 =	sor.u32 $0xD0000000, s2;
	s6 =	simm.s32 $0x108;
	_ =	swait.ge @!p0 [sflag:s8], $0x0  }
0x24: {  	s3 =	sadd.s32 $0x88, s3;
	s6 =	simm.s32 @!p1 $0x1082;
	[sflag:s4] =	ssyncset.s32 $0xFFFFF086  }
0x25: {  	[simem:s6], [sflag:s4] =	dma.local [hbm:s3], $0xF7A  }
0x26: {  	[smem:$0x3F94] =	sst s1;
	(tag) =	ssettag s2;
	_ =	strace s9  }
0x27: {  	s1 =	sld [smem:$0x3FA4]  }
0x28: {  	s2 =	sld [smem:$0x3FA5]  }
0x29: {  	s4 =	sld [smem:$0x3FA7]  }
0x2a: {  	p0 =	seq.s32 s5, $0x0;
	s5 =	sld [smem:$0x3FA8]  }
0x2b: {  	s6 =	sld [smem:$0x3FA9]  }
0x2c: {  	s7 =	sld [smem:$0x3FAA]  }
0x2d: {  	s3 =	simm.s32 $0x108;
	s8 =	sld [smem:$0x3FAB]  }
0x2e: {  	s3 =	simm.s32 @!p0 $0x1082;
	s9 =	sld [smem:$0x3FAC]  }
0x2f: {  	lr =	sadd.s32 s0, s3;
	s0 =	sld [smem:$0x3FA3]  }
0x30: {  	s3 =	sld [smem:$0x3FA6]  }
0x31: {  	[smem:$0x3FAF] =	sst s10  }
0x32: {  	s10 =	sld [smem:$0x3FAD];
	_ =	sdelay $0x3  }
0x33: {  	p0 =	seq.s32 s10, $0x1;
	s10 =	sld [smem:$0x3FAF];
	_ =	sdelay $0x3  }
0x34: {  	[smem:$0x3FAF] =	sst s10  }
0x35: {  	s10 =	sld [smem:$0x3FAE];
	_ =	sdelay $0x3  }
0x36: {  	p1 =	seq.s32 s10, $0x1;
	s10 =	sld [smem:$0x3FAF];
	_ =	sdelay $0x3  }
0x37: {  	[smem:$0x3FAF] =	sst s10  }
0x38: {  	s10 =	sld [smem:$0x3FB0]  }
0x39: {  	_ = 	snop;
	(pc) =	sbr.ind lr, $3  }
0x3a: {  	_ = 	snop  }
0x3b: {  	_ = 	snop  }
0x3c: {  	p2 =	seq.s32 s10, $0x1;
	s10 =	sld [smem:$0x3FAF]  }
0x3d: {  	_ =	shalt  }
0x3e: {  	_ =	shalt  }
0x3f: {  	_ =	shalt  }
0x40: {  	_ =	shalt  }
0x41: {  	_ =	shalt  }
0x42: {  	_ =	shalt  }
0x43: {  	_ =	shalt  }
0x44: {  	_ =	shalt  }
0x45: {  	_ =	shalt  }
0x46: {  	_ =	shalt  }
0x47: {  	_ =	shalt  }
0x48: {  	_ =	shalt  }
0x49: {  	_ =	shalt  }
0x4a: {  	_ =	shalt  }
0x4b: {  	_ =	shalt  }
0x4c: {  	_ =	shalt  }
0x4d: {  	_ =	shalt  }
0x4e: {  	_ =	shalt  }
0x4f: {  	_ =	shalt  }
0x50: {  	_ =	shalt  }
0x51: {  	_ =	shalt  }
0x52: {  	_ =	shalt  }
0x53: {  	_ =	shalt  }
0x54: {  	_ =	shalt  }
0x55: {  	_ =	shalt  }
0x56: {  	_ =	shalt  }
0x57: {  	_ =	shalt  }
0x58: {  	_ =	shalt  }
0x59: {  	_ =	shalt  }
0x5a: {  	_ =	shalt  }
0x5b: {  	_ =	shalt  }
0x5c: {  	_ =	shalt  }
0x5d: {  	_ =	shalt  }
0x5e: {  	_ =	shalt  }
0x5f: {  	_ =	shalt  }
0x60: {  	_ =	shalt  }
0x61: {  	_ =	shalt  }
0x62: {  	_ =	shalt  }
0x63: {  	_ =	shalt  }
0x64: {  	_ =	shalt  }
0x65: {  	_ =	shalt  }
0x66: {  	_ =	shalt  }
0x67: {  	_ =	shalt  }
0x68: {  	_ =	shalt  }
0x69: {  	_ =	shalt  }
0x6a: {  	_ =	shalt  }
0x6b: {  	_ =	shalt  }
0x6c: {  	_ =	shalt  }
0x6d: {  	_ =	shalt  }
0x6e: {  	_ =	shalt  }
0x6f: {  	_ =	shalt  }
0x70: {  	_ =	shalt  }
0x71: {  	_ =	shalt  }
0x72: {  	_ =	shalt  }
0x73: {  	_ =	shalt  }
0x74: {  	_ =	shalt  }
0x75: {  	_ =	shalt  }
0x76: {  	_ =	shalt  }
0x77: {  	_ =	shalt  }
0x78: {  	_ =	shalt  }
0x79: {  	_ =	shalt  }
0x7a: {  	_ =	shalt  }
0x7b: {  	_ =	shalt  }
0x7c: {  	_ =	shalt  }
0x7d: {  	_ =	shalt  }
0x7e: {  	_ =	shalt  }
0x7f: {  	_ =	shalt  }
0x80: {  	_ =	shalt  }
0x81: {  	_ =	shalt  }
0x82: {  	_ =	shalt  }
0x83: {  	_ =	shalt  }
0x84: {  	_ =	shalt  }
0x85: {  	_ =	shalt  }
0x86: {  	_ =	shalt  }
0x87: {  	_ =	shalt  }
.Lfunc_end0:
.L_simem_size_0:
called_computation.2_lowered:
.L_overlay_start_0:
0x88: {  	s2 =	sld [smem:$0x3FD9]  }
0x89: {  	s3 =	sld [smem:$0x3FFE];
	_ =	sdelay $0x1  }
0x8a: {  	s1 =	srdreg.scid  }
0x8b: {  	s0 =	sand.u32 $0x1, s1  }
0x8c: {  	s16 =	sshll.u32 s0, $0xA;
	s2 =	sadd.s32 s3, s2  }
0x8d: {  	s2 =	sadd.s32 s2, s16  }
0x8e: {  	[smem:$0x3FBB] =	sst s2  }
0x8f: {  	_ = 	snop  }
0x90: {  	(tm) =	ssettm $0x1  }
0x91: {  	s17 =	sld [smem:$0x3FFB];
	_ =	sdelay $0x3  }
0x92: {  	_ =	strace s17  }
0x93: {  	s2 =	sld [smem:$0x3FFC];
	_ =	sdelay $0x3  }
0x94: {  	_ =	strace s2  }
0x95: {  	s2 =	sld [smem:$0x3FFD];
	_ =	sdelay $0x3  }
0x96: {  	_ =	strace s2  }
0x97: {  	_ =	strace $0x8FFFFFFF  }
0x98: {  	s18 =	sld [smem:$0x3FDB];
	_ =	sdelay $0x1  }
0x99: {  	s19 =	simm.s32 $_scs_section_size  }
0x9a: {  	s4 =	simm.s32 $_size__tile_overlayer_lowered;
	s5 =	simm.s32 $_tile_overlayer_lowered  }
0x9b: {  	s22 =	simm.s32 $0x1BFF;
	s21 =	sshll.u32 s5, $0x1;
	s2 =	sadd.s32 s19, s18  }
0x9c: {  	s6 =	simm.s32 $0x0;
	s20 =	sshll.u32 s4, $0x1;
	s4 =	sadd.s32 s21, s2  }
0x9d: {  	[timem:s6], [sflag:s22] =	dma.local [hbm:s4], s20  }
0x9e: {  	_ =	swait.ge [sflag:s22], s20  }
0x9f: {  	s3 =	ssub.s32 $0x0, s20;
	[sflag:s22] =	ssyncset.done $0x0  }
0xa0: {  	[sflag:s22] =	ssyncadd.s32 s3;
	_ =	sdelay $0x1  }
0xa1: {  	s23 =	simm.s32 $0x1B8B  }
0xa2: {  	_ =	swait.ge [sflag:s23], $0x1  }
0xa3: {  	[sflag:s23] =	ssyncset.done $0x0  }
0xa4: {  	s25 =	simm.s32 $0x1B8E;
	s24 =	sld [smem:$0x3FFE];
	[sflag:s23] =	ssyncadd.s32 $0xFFFFFFFF  }
0xa5: {  	s26 =	simm.s32 $execute0_lowered;
	[smem:$0x3FD2] =	sst s25  }
0xa6: {  	s4 =	sshll.u32 s26, $0x1;
	_ =	strace $0x8000004C;
	[dreg:$0x1] =	wrdreg $0xFFFFFFFF  }
0xa7: {  	s28 =	simm.s32 $_size_execute0_lowered;
	s2 =	sadd.s32 s2, s4;
	[dreg:$0x0] =	wrdreg $0x0  }
0xa8: {  	s4 =	sshll.u32 s28, $0x1;
	[dreg:$0x2] =	wrdreg s2  }
0xa9: {  	[dreg:$0x3] =	wrdreg s4  }
0xaa: {  	[dreg:$0x4] =	wrdreg $0xC0  }
0xab: {  	_ =	task [dreg:s6], $0x5FFFF  }
0xac: {  	[dreg:$0x1] =	wrdreg $0xFFFFFFFF  }
0xad: {  	[dreg:$0x0] =	wrdreg $0x60  }
0xae: {  	[dreg:$0x2] =	wrdreg s24  }
0xaf: {  	[dreg:$0x3] =	wrdreg $0x0  }
0xb0: {  	[dreg:$0x4] =	wrdreg $0x9  }
0xb1: {  	_ =	task.clear_ibuf [dreg:s6], $0x5FFFF;
	_ =	strace $0x9000004C  }
0xb2: {  	s29 =	simm.s32 $0x9;
	_ =	strace $0x8000004E  }
0xb3: {  	_ =	swait.ge [sflag:s29], $0x1  }
0xb4: {  	[sflag:s29] =	ssyncadd.s32 $0xFFFFFFFF  }
0xb5: {  	_ =	strace $0x9000004E  }
0xb6: {  	_ =	sfence  }
0xb7: {  	s30 =	sld [smem:$0x0];
	_ =	sdelay $0x2  }
0xb8: {  	s31 =	sshll.u32 s1, $0xD;
	s1 =	sshrl.u32 s1, $0x2  }
0xb9: {  	s3 =	sand.u32 $0x4000, s31;
	s1 =	sadd.s32 s1, s30  }
0xba: {  	s0 =	sor.u32 s3, s0;
	s1 =	sshll.u32 s1, $0x11  }
0xbb: {  	s0 =	sor.u32 s1, s0  }
0xbc: {  	s0 =	sadd.s32 $0x8F2B, s0  }
0xbd: {  	[sflag:s0] =	ssyncadd.remote.s32 $0x1  }
0xbe: {  	_ =	sfence.sel $0xFFFF  }
0xbf: {  	[dreg:$0x0] =	wrdreg $0xFFFFFFFF;
	(pc) =	sbr.abs _section_cstart, $3  }
0xc0: {  	[dreg:$0x1] =	wrdreg $0xFFFFFFFF  }
0xc1: {  	_ =	task.clear_ibuf [dreg:s6], $0x2FFFF;
	_ =	strace $0x9FFFFFFF  }
0xc2: {  	(tm) =	ssettm $0x7FFFFFFF  }
0xc3: {  	_ =	shalt  }
tec
execute0_lowered:
.L_overlay_start_1:
0x0: {  	(tag) =	ssettag $0x1  }
0x1: {  	s5 =	rddreg [dreg:$0x0]  }
0x2: {  	s0 =	srdreg.scid;
	s1 =	rddreg [dreg:$0x1];
	s3 =	simm.s32 $0x0  }
0x3: {  	s2 =	stileid.u32;
	s16 =	simm.s32 $0x5;
	s17 =	simm.s32 $0xA000  }
0x4: {  	s18 =	simm.s32 $0x80;
	s19 =	simm.s32 $0xA100;
	s8 =	smul.u32 $0xA000, s2  }
0x5: {  	s20 =	simm.s32 $0xE200;
	s21 =	simm.s32 $0x1;
	s10 =	smul.u32 $0x28000, s2  }
0x6: {  	s22 =	simm.s32 $0xA080;
	s6 =	sand.u32 $0x1, s0;
	s11 =	smul.u32 $0x9E00, s2  }
0x7: {  	s23 =	simm.s32 $0x2;
	s24 =	simm.s32 $0xA180;
	s4 =	smul.u32 $0x13880, s6  }
0x8: {  	s28 =	simm.s32 $0x0;
	[smem:$0x7FF] =	sst s3;
	s7 =	smul.u32 $0xA0000, s6  }
0x9: {  	_ =	strace $0x8000004D;
	s25 =	smul.u32 $0x9E000, s6;
	s6 =	ssub.s32 $0x2, s6  }
0xa: {  	s26 =	sshrl.u32 s6, $0x1;
	s29 =	sshrl.u32 s10, $0x2;
	s9 =	sadd.s32 s4, s5  }
0xb: {  	s4 =	sadd.s32 $0x53600, s5;
	s7 =	sadd.s32 s8, s7;
	s13 =	ssub.s32 s6, s26  }
0xc: {  	s14 =	sadd.s32 s11, s25;
	s25 =	simm.s32 $0x3;
	s26 =	simm.s32 $0x4  }
0xd: {  	s7 =	sshrl.u32 s7, $0x3;
	s8 =	sshrl.u32 s14, $0x3;
	s30 =	sor.u32 $0x100, s14  }
0xe: {  	s9 =	sadd.s32 $0x22400, s9;
	s15 =	sadd.s32 $0x300, s14;
	s14 =	sadd.s32 $0x200, s14  }
0xf: {  	s12 =	sadd.s32 s7, s5;
	s5 =	sadd.s32 s29, s1;
	s8 =	sadd.s32 s4, s8  }
0x10: {  	s10 =	sshrl.u32 s30, $0x3;
	s31 =	sshrl.u32 s15, $0x3;
	s15 =	simm.s32 $0xA200  }
0x11: {  	s6 =	sadd.s32 $0x4000, s5;
	s7 =	sadd.s32 $0x8000, s5;
	s10 =	sadd.s32 s4, s10  }
0x12: {  	v0 =	vimm.f32 $0.0e+00;
	s11 =	sadd.s32 $0x7AE00, s12;
	s12 =	smax.u32 s13, $0x1;
	s13 =	sadd.s32 s31, s4  }
.LBB2_1:
0x13: {  	s29 =	simm.s32 $0x0;
	s30 =	simm.s32 $0x200  }
.LBB2_2:
0x14: {  	p0 =	sne.s32 s30, $0xFE00;
	[tilespmem:s29+$0xA270] =	vst v0  }
0x15: {  	[tilespmem:s29+$0xA200] =	vst v0  }
0x16: {  	[tilespmem:s29+$0xA210] =	vst v0  }
.Ltmp0:
0x17: {  	[tilespmem:s29+$0xA220] =	vst v0;
	(pc) =	sbr.rel @p0 .LBB2_2-.Ltmp0, $4  }
0x18: {  	[tilespmem:s29+$0xA230] =	vst v0  }
0x19: {  	[tilespmem:s29+$0xA240] =	vst v0  }
0x1a: {  	[tilespmem:s29+$0xA250] =	vst v0  }
0x1b: {  	[tilespmem:s29+$0xA260] =	vst v0;
	s29 =	sshra.s32 s30, $0x2;
	s30 =	sadd.s32 $0x200, s30  }
0x1c: {  	[tilespmem:s29+$0xA270] =	vst v0  }
0x1d: {  	[tilespmem:s29+$0xA200] =	vst v0  }
0x1e: {  	[tilespmem:s29+$0xA210] =	vst v0  }
0x1f: {  	[tilespmem:s29+$0xA220] =	vst v0  }
0x20: {  	[tilespmem:s29+$0xA230] =	vst v0  }
0x21: {  	[tilespmem:s29+$0xA240] =	vst v0  }
0x22: {  	[tilespmem:s29+$0xA250] =	vst v0  }
0x23: {  	[tilespmem:s29+$0xA260] =	vst v0  }
0x24: {  	[spmem:s5] =	stream.linear.scatter [tilespmem:s15], [sflag:$0x5], $0x4000, $0x38;
	[tilespmem:$0x12200] =	vst v63  }
0x25: {  	_ =	swait.ge [sflag:s16], $0x4000  }
0x26: {  	[sflag:s16] =	ssyncset.done $0x0  }
0x27: {  	[sflag:s16] =	ssyncadd.s32 $0xFFFFC000  }
0x28: {  	[spmem:s6] =	stream.linear.scatter [tilespmem:s15], [sflag:$0x5], $0x4000, $0x38;
	[tilespmem:$0x12200] =	vst v63  }
0x29: {  	_ =	swait.ge [sflag:s16], $0x4000  }
0x2a: {  	[sflag:s16] =	ssyncset.done $0x0  }
0x2b: {  	[sflag:s16] =	ssyncadd.s32 $0xFFFFC000  }
0x2c: {  	[spmem:s7] =	stream.linear.scatter [tilespmem:s15], [sflag:$0x5], $0x2000, $0x38;
	[tilespmem:$0x12200] =	vst v63  }
0x2d: {  	_ =	swait.ge [sflag:s16], $0x2000  }
0x2e: {  	[sflag:s16] =	ssyncset.done $0x0  }
0x2f: {  	[sflag:s16] =	ssyncadd.s32 $0xFFFFE000  }
0x30: {  	s29 =	simm.s32 $0x0;
	[bflag:$0x0] =	sbarrier.arrive $0xFFFF  }
0x31: {  	[tilespmem:s17], [sflag:$0x5] =	stream.linear.gather [hbm4b:s8+s29], $0x100, $0x38;
	[tilespmem:$0x12200] =	vst v63  }
0x32: {  	_ =	swait.ge [sflag:s16], $0x100  }
0x33: {  	[sflag:s16] =	ssyncset.done $0x0  }
0x34: {  	[sflag:s16] =	ssyncadd.s32 $0xFFFFFF00  }
0x35: {  	[tilespmem:s15], [sflag:$0x1] =	stream.indirect.gather [hbm4b:s9+s18], $0x80, s17, s18, $0xb8;
	[tilespmem:$0x12200] =	vst v63  }
0x36: {  	_ = 	snop  }
0x37: {  	[tilespmem:s19], [sflag:$0x5] =	stream.linear.gather [hbm4b:s10+s29], $0x100, $0x38;
	[tilespmem:$0x12200] =	vst v63  }
0x38: {  	_ =	swait.ge [sflag:s16], $0x100  }
0x39: {  	[sflag:s16] =	ssyncset.done $0x0  }
0x3a: {  	[sflag:s16] =	ssyncadd.s32 $0xFFFFFF00  }
0x3b: {  	[tilespmem:s20], [sflag:$0x2] =	stream.indirect.gather [hbm4b:s9+s18], $0x80, s19, s18, $0xb8;
	[tilespmem:$0x12200] =	vst v63  }
0x3c: {  	_ =	swait.ge [sflag:s21], $0x4000  }
0x3d: {  	[sflag:s21] =	ssyncset.done $0x0  }
0x3e: {  	[sflag:s21] =	ssyncadd.s32 $0xFFFFC000  }
0x3f: {  	[spmem:s1] =	stream.indirect.scatter.add.f32 [tilespmem:s15], [sflag:$0x3], $0x80, s22, s18, $0xb8;
	[tilespmem:$0x12200] =	vst v63  }
0x40: {  	_ =	swait.ge [sflag:s23], $0x4000  }
0x41: {  	[sflag:s23] =	ssyncset.done $0x0  }
0x42: {  	[sflag:s23] =	ssyncadd.s32 $0xFFFFC000  }
0x43: {  	[spmem:s1] =	stream.indirect.scatter.add.f32 [tilespmem:s20], [sflag:$0x4], $0x80, s24, s18, $0xb8;
	[tilespmem:$0x12200] =	vst v63  }
0x44: {  	_ =	swait.ge [sflag:s25], $0x4000  }
0x45: {  	s29 =	sshrl.u32 s14, $0x3;
	[sflag:s25] =	ssyncset.done $0x0  }
0x46: {  	s29 =	sadd.s32 s4, s29;
	[sflag:s25] =	ssyncadd.s32 $0xFFFFC000  }
0x47: {  	[tilespmem:s17], [sflag:$0x5] =	stream.linear.gather [hbm4b:s29+s3], $0x100, $0x38;
	[tilespmem:$0x12200] =	vst v63  }
0x48: {  	_ =	swait.ge [sflag:s16], $0x100  }
0x49: {  	[sflag:s16] =	ssyncset.done $0x0  }
0x4a: {  	[sflag:s16] =	ssyncadd.s32 $0xFFFFFF00  }
0x4b: {  	[tilespmem:s15], [sflag:$0x1] =	stream.indirect.gather [hbm4b:s9+s18], $0x80, s17, s18, $0xb8;
	[tilespmem:$0x12200] =	vst v63  }
0x4c: {  	_ =	swait.ge [sflag:s26], $0x4000  }
0x4d: {  	[sflag:s26] =	ssyncset.done $0x0  }
0x4e: {  	s29 =	sadd.s32 $0x0, s13;
	[sflag:s26] =	ssyncadd.s32 $0xFFFFC000  }
0x4f: {  	[tilespmem:s19], [sflag:$0x5] =	stream.linear.gather [hbm4b:s29+s3], $0x100, $0x38;
	[tilespmem:$0x12200] =	vst v63  }
0x50: {  	_ =	swait.ge [sflag:s16], $0x100  }
0x51: {  	[sflag:s16] =	ssyncset.done $0x0  }
0x52: {  	s30 =	sadd.s32 $0x200, s14;
	s29 =	simm.s32 $0x40;
	[sflag:s16] =	ssyncadd.s32 $0xFFFFFF00  }
.LBB2_4:
0x53: {  	[tilespmem:s20], [sflag:$0x2] =	stream.indirect.gather [hbm4b:s9+s18], $0x80, s19, s18, $0xb8;
	[tilespmem:$0x12200] =	vst v63  }
0x54: {  	s31 =	smov.u32 s29  }
0x55: {  	p0 =	sne.s32 s29, $0x1340;
	s29 =	sadd.s32 $0x40, s29;
	_ =	swait.ge [sflag:s21], $0x4000  }
0x56: {  	[sflag:s21] =	ssyncset.done $0x0  }
0x57: {  	[sflag:s21] =	ssyncadd.s32 $0xFFFFC000  }
0x58: {  	[spmem:s1] =	stream.indirect.scatter.add.f32 [tilespmem:s15], [sflag:$0x3], $0x80, s22, s18, $0xb8;
	[tilespmem:$0x12200] =	vst v63  }
0x59: {  	_ =	swait.ge [sflag:s23], $0x4000  }
0x5a: {  	[sflag:s23] =	ssyncset.done $0x0  }
0x5b: {  	[sflag:s23] =	ssyncadd.s32 $0xFFFFC000  }
0x5c: {  	[spmem:s1] =	stream.indirect.scatter.add.f32 [tilespmem:s20], [sflag:$0x4], $0x80, s24, s18, $0xb8;
	[tilespmem:$0x12200] =	vst v63  }
0x5d: {  	_ =	swait.ge [sflag:s25], $0x4000  }
0x5e: {  	s0 =	sshrl.u32 s30, $0x3;
	[sflag:s25] =	ssyncset.done $0x0  }
0x5f: {  	s0 =	sadd.s32 s4, s0;
	[sflag:s25] =	ssyncadd.s32 $0xFFFFC000  }
0x60: {  	[tilespmem:s17], [sflag:$0x5] =	stream.linear.gather [hbm4b:s0+s3], $0x100, $0x38;
	[tilespmem:$0x12200] =	vst v63  }
0x61: {  	_ =	swait.ge [sflag:s16], $0x100  }
0x62: {  	[sflag:s16] =	ssyncset.done $0x0  }
0x63: {  	[sflag:s16] =	ssyncadd.s32 $0xFFFFFF00  }
0x64: {  	[tilespmem:s15], [sflag:$0x1] =	stream.indirect.gather [hbm4b:s9+s18], $0x80, s17, s18, $0xb8;
	[tilespmem:$0x12200] =	vst v63  }
0x65: {  	_ =	swait.ge [sflag:s26], $0x4000  }
0x66: {  	[sflag:s26] =	ssyncset.done $0x0  }
.Ltmp1:
0x67: {  	s0 =	sadd.s32 s31, s13;
	[sflag:s26] =	ssyncadd.s32 $0xFFFFC000;
	(pc) =	sbr.rel @p0 .LBB2_4-.Ltmp1, $4  }
0x68: {  	[tilespmem:s19], [sflag:$0x5] =	stream.linear.gather [hbm4b:s0+s3], $0x100, $0x38;
	[tilespmem:$0x12200] =	vst v63  }
0x69: {  	_ =	swait.ge [sflag:s16], $0x100  }
0x6a: {  	[sflag:s16] =	ssyncset.done $0x0  }
0x6b: {  	s30 =	sadd.s32 $0x200, s30;
	[sflag:s16] =	ssyncadd.s32 $0xFFFFFF00  }
0x6c: {  	[tilespmem:s20], [sflag:$0x2] =	stream.indirect.gather [hbm4b:s9+s18], $0x80, s19, s18, $0xb8;
	[tilespmem:$0x12200] =	vst v63  }
0x6d: {  	_ =	swait.ge [sflag:s21], $0x4000  }
0x6e: {  	[sflag:s21] =	ssyncset.done $0x0  }
0x6f: {  	[sflag:s21] =	ssyncadd.s32 $0xFFFFC000  }
0x70: {  	[spmem:s1] =	stream.indirect.scatter.add.f32 [tilespmem:s15], [sflag:$0x3], $0x80, s22, s18, $0xb8;
	[tilespmem:$0x12200] =	vst v63  }
0x71: {  	_ =	swait.ge [sflag:s23], $0x4000  }
0x72: {  	[sflag:s23] =	ssyncset.done $0x0  }
0x73: {  	[sflag:s23] =	ssyncadd.s32 $0xFFFFC000  }
0x74: {  	[spmem:s1] =	stream.indirect.scatter.add.f32 [tilespmem:s20], [sflag:$0x4], $0x80, s24, s18, $0xb8;
	[tilespmem:$0x12200] =	vst v63  }
0x75: {  	_ =	swait.ge [sflag:s25], $0x4000  }
0x76: {  	[sflag:s25] =	ssyncset.done $0x0  }
0x77: {  	[sflag:s25] =	ssyncadd.s32 $0xFFFFC000  }
0x78: {  	_ =	swait.ge [sflag:s26], $0x4000  }
0x79: {  	s0 =	sshll.u32 s2, $0x6;
	s28 =	sadd.s32 $0x1, s28;
	[sflag:s26] =	ssyncset.done $0x0  }
0x7a: {  	s29 =	sshrl.u32 s5, $0x3;
	p0 =	sne.s32 s28, s12;
	[sflag:s26] =	ssyncadd.s32 $0xFFFFC000  }
.Ltmp2:
0x7b: {  	s0 =	sor.u32 $0x1C05, s0;
	[bflag:$0x0] =	sbarrier.arrive $0xFFFF;
	(pc) =	sbr.rel @p0 .LBB2_1-.Ltmp2, $4  }
0x7c: {  	[hbm:s11], [sflag:s0] =	dma.local [spmem:s29], $0x1400  }
0x7d: {  	_ =	swait.ge [sflag:s16], $0x1400  }
0x7e: {  	[sflag:s16] =	ssyncset.done $0x0  }
0x7f: {  	[sflag:s16] =	ssyncadd.s32 $0xFFFFEC00  }
0x80: {  	_ =	sfence.sel $0x180000  }
0x81: {  	[bflag:$0x0] =	sbarrier.arrive $0xFFFF  }
0x82: {  	_ =	strace $0x9000004D  }
0x83: {  	[bflag:$0x2] =	sbarrier.arrive $0xFFFF  }
0x84: {  	p0 =	sne.s32 s2, $0x0;
	s0 =	rddreg [dreg:$0x2]  }
0x85: {  	s0 =	sadd.s32 @!p0 $0x100000, s0  }
0x86: {  	[sflag:s0] =	ssyncadd.tile.s32 @!p0 $0x1;
	_ =	shalt  }
.Lfunc_end2:
_tile_overlayer_lowered:
.L_overlay_start_2:
0x87: {  	(tag) =	ssettag $0x2  }
0x88: {  	s0 =	rddreg [dreg:$0x0];
	s2 =	stileid.u32  }
0x89: {  	s1 =	rddreg [dreg:$0x1];
	p0 =	sne.s32 s2, $0x0  }
0x8a: {  	s3 =	rddreg [dreg:$0x2];
	[bflag:$0x3] =	sbarrier.arrive $0xFFFF;
	s2 =	simm.s32 @!p0 $0x1C05  }
0x8b: {  	[timem:s3], [sflag:s2] =	dma.local @!p0 [hbm:s0], s1  }
0x8c: {  	s0 =	simm.s32 @!p0 $0x5  }
0x8d: {  	_ =	swait.ge @!p0 [sflag:s0], s1  }
0x8e: {  	s1 =	ssub.s32 @!p0 $0x0, s1;
	[sflag:s0] =	ssyncset.done @!p0 $0x0  }
0x8f: {  	[sflag:s0] =	ssyncadd.s32 @!p0 s1  }
0x90: {  	[bflag:$0x3] =	sbarrier.arrive $0xFFFF  }
0x91: {  	_ =	shalt  }

// kernel: kernel.17.cloned.1.call-start
scs
__scs_entry_jumppad:
0x0: {  	(pc) =	sbr.rel $0x88, $3  }
0x1: {  	(tag) =	ssettag $0x0;
	lr =	simm.s32 $0x1  }
0x2: {  	[smem:$0x3F94] =	sst lr;
	_ =	strace $0xD0000000  }
0x3: {  	_ = 	snop  }
0x4: {  	_ = 	snop  }
0x5: {  	_ = 	snop  }
0x6: {  	_ = 	snop  }
0x7: {  	_ = 	snop  }
__scs_overlays_trampoline_lowered:
0x8: {  	[smem:$0x3FA3] =	sst s0  }
0x9: {  	[smem:$0x3FA4] =	sst s1  }
0xa: {  	[smem:$0x3FA5] =	sst s2  }
0xb: {  	[smem:$0x3FA6] =	sst s3  }
0xc: {  	[smem:$0x3FA7] =	sst s4  }
0xd: {  	[smem:$0x3FA8] =	sst s5  }
0xe: {  	[smem:$0x3FA9] =	sst s6  }
0xf: {  	[smem:$0x3FAA] =	sst s7  }
0x10: {  	[smem:$0x3FAB] =	sst s8  }
0x11: {  	[smem:$0x3FAC] =	sst s9;
	s0 =	simm.s32 @!p0 $0x0  }
0x12: {  	s1 =	sld [smem:$0x3F92];
	s0 =	simm.s32 @p0 $0x1  }
0x13: {  	[smem:$0x3FAD] =	sst s0;
	s0 =	simm.s32 @!p1 $0x0  }
0x14: {  	s2 =	sld [smem:$0x3F91];
	s0 =	simm.s32 @p1 $0x1  }
0x15: {  	[smem:$0x3FAE] =	sst s0;
	s0 =	simm.s32 @!p2 $0x0  }
0x16: {  	s3 =	sld [smem:$0x3FDB];
	s0 =	simm.s32 @p2 $0x1  }
0x17: {  	s4 =	simm.s32 $0x1BF5;
	[smem:$0x3FB0] =	sst s0  }
0x18: {  	s0 =	sld [smem:$0x3F93];
	_ =	swait.ge [sflag:s4], $0x0  }
0x19: {  	s7 =	sld [smem:$0x3F94]  }
0x1a: {  	s8 =	sadd.s32 $0xFFFFE003, lr  }
0x1b: {  	s9 =	sadd.s32 $0xFFFFFEF7, lr;
	s5 =	simm.s32 $0xFFFFFFFF;
	p2 =	slt.u32 s8, $0xFFFFF086  }
0x1c: {  	p1 =	slt.u32 s9, $0xF7A;
	s5 =	simm.s32 @!p2 $0x0  }
0x1d: {  	s5 =	simm.s32 @p1 $0x1;
	p0 =	seq.s32 s7, s2  }
0x1e: {  	s7 =	smul.u32 @!p0 $0xF7A, s2;
	p2 =	seq.s32 @!p0 s5, $0x0  }
0x1f: {  	s9 =	smul.u32 $0xF7A, s1;
	s8 =	simm.s32 @!p0 $0x1BF5;
	p2 =	por !p2, p0  }
0x20: {  	[sflag:s8] =	ssyncset.s32 @!p0 $0xFFFFF086;
	s6 =	sadd.s32 @!p0 s3, s7;
	s7 =	simm.s32 @!p0 $0x108  }
0x21: {  	s3 =	sadd.s32 s3, s9;
	s6 =	sadd.s32 @!p0 $0x88, s6;
	s7 =	simm.s32 @p2 $0x1082  }
0x22: {  	[simem:s7], [sflag:s8] =	dma.local @!p0 [hbm:s6], $0xF7A  }
0x23: {  	s9 =	sor.u32 $0xD0000000, s2;
	s6 =	simm.s32 $0x108;
	_ =	swait.ge @!p0 [sflag:s8], $0x0  }
0x24: {  	s3 =	sadd.s32 $0x88, s3;
	s6 =	simm.s32 @!p1 $0x1082;
	[sflag:s4] =	ssyncset.s32 $0xFFFFF086  }
0x25: {  	[simem:s6], [sflag:s4] =	dma.local [hbm:s3], $0xF7A  }
0x26: {  	[smem:$0x3F94] =	sst s1;
	(tag) =	ssettag s2;
	_ =	strace s9  }
0x27: {  	s1 =	sld [smem:$0x3FA4]  }
0x28: {  	s2 =	sld [smem:$0x3FA5]  }
0x29: {  	s4 =	sld [smem:$0x3FA7]  }
0x2a: {  	p0 =	seq.s32 s5, $0x0;
	s5 =	sld [smem:$0x3FA8]  }
0x2b: {  	s6 =	sld [smem:$0x3FA9]  }
0x2c: {  	s7 =	sld [smem:$0x3FAA]  }
0x2d: {  	s3 =	simm.s32 $0x108;
	s8 =	sld [smem:$0x3FAB]  }
0x2e: {  	s3 =	simm.s32 @!p0 $0x1082;
	s9 =	sld [smem:$0x3FAC]  }
0x2f: {  	lr =	sadd.s32 s0, s3;
	s0 =	sld [smem:$0x3FA3]  }
0x30: {  	s3 =	sld [smem:$0x3FA6]  }
0x31: {  	[smem:$0x3FAF] =	sst s10  }
0x32: {  	s10 =	sld [smem:$0x3FAD];
	_ =	sdelay $0x3  }
0x33: {  	p0 =	seq.s32 s10, $0x1;
	s10 =	sld [smem:$0x3FAF];
	_ =	sdelay $0x3  }
0x34: {  	[smem:$0x3FAF] =	sst s10  }
0x35: {  	s10 =	sld [smem:$0x3FAE];
	_ =	sdelay $0x3  }
0x36: {  	p1 =	seq.s32 s10, $0x1;
	s10 =	sld [smem:$0x3FAF];
	_ =	sdelay $0x3  }
0x37: {  	[smem:$0x3FAF] =	sst s10  }
0x38: {  	s10 =	sld [smem:$0x3FB0]  }
0x39: {  	_ = 	snop;
	(pc) =	sbr.ind lr, $3  }
0x3a: {  	_ = 	snop  }
0x3b: {  	_ = 	snop  }
0x3c: {  	p2 =	seq.s32 s10, $0x1;
	s10 =	sld [smem:$0x3FAF]  }
0x3d: {  	_ =	shalt  }
0x3e: {  	_ =	shalt  }
0x3f: {  	_ =	shalt  }
0x40: {  	_ =	shalt  }
0x41: {  	_ =	shalt  }
0x42: {  	_ =	shalt  }
0x43: {  	_ =	shalt  }
0x44: {  	_ =	shalt  }
0x45: {  	_ =	shalt  }
0x46: {  	_ =	shalt  }
0x47: {  	_ =	shalt  }
0x48: {  	_ =	shalt  }
0x49: {  	_ =	shalt  }
0x4a: {  	_ =	shalt  }
0x4b: {  	_ =	shalt  }
0x4c: {  	_ =	shalt  }
0x4d: {  	_ =	shalt  }
0x4e: {  	_ =	shalt  }
0x4f: {  	_ =	shalt  }
0x50: {  	_ =	shalt  }
0x51: {  	_ =	shalt  }
0x52: {  	_ =	shalt  }
0x53: {  	_ =	shalt  }
0x54: {  	_ =	shalt  }
0x55: {  	_ =	shalt  }
0x56: {  	_ =	shalt  }
0x57: {  	_ =	shalt  }
0x58: {  	_ =	shalt  }
0x59: {  	_ =	shalt  }
0x5a: {  	_ =	shalt  }
0x5b: {  	_ =	shalt  }
0x5c: {  	_ =	shalt  }
0x5d: {  	_ =	shalt  }
0x5e: {  	_ =	shalt  }
0x5f: {  	_ =	shalt  }
0x60: {  	_ =	shalt  }
0x61: {  	_ =	shalt  }
0x62: {  	_ =	shalt  }
0x63: {  	_ =	shalt  }
0x64: {  	_ =	shalt  }
0x65: {  	_ =	shalt  }
0x66: {  	_ =	shalt  }
0x67: {  	_ =	shalt  }
0x68: {  	_ =	shalt  }
0x69: {  	_ =	shalt  }
0x6a: {  	_ =	shalt  }
0x6b: {  	_ =	shalt  }
0x6c: {  	_ =	shalt  }
0x6d: {  	_ =	shalt  }
0x6e: {  	_ =	shalt  }
0x6f: {  	_ =	shalt  }
0x70: {  	_ =	shalt  }
0x71: {  	_ =	shalt  }
0x72: {  	_ =	shalt  }
0x73: {  	_ =	shalt  }
0x74: {  	_ =	shalt  }
0x75: {  	_ =	shalt  }
0x76: {  	_ =	shalt  }
0x77: {  	_ =	shalt  }
0x78: {  	_ =	shalt  }
0x79: {  	_ =	shalt  }
0x7a: {  	_ =	shalt  }
0x7b: {  	_ =	shalt  }
0x7c: {  	_ =	shalt  }
0x7d: {  	_ =	shalt  }
0x7e: {  	_ =	shalt  }
0x7f: {  	_ =	shalt  }
0x80: {  	_ =	shalt  }
0x81: {  	_ =	shalt  }
0x82: {  	_ =	shalt  }
0x83: {  	_ =	shalt  }
0x84: {  	_ =	shalt  }
0x85: {  	_ =	shalt  }
0x86: {  	_ =	shalt  }
0x87: {  	_ =	shalt  }
.Lfunc_end0:
.L_simem_size_0:
called_computation.3_lowered:
.L_overlay_start_0:
0x88: {  	s2 =	sld [smem:$0x3FD9]  }
0x89: {  	s3 =	sld [smem:$0x3FFE];
	_ =	sdelay $0x1  }
0x8a: {  	s1 =	srdreg.scid  }
0x8b: {  	s0 =	sand.u32 $0x1, s1  }
0x8c: {  	s17 =	sshll.u32 s0, $0xA;
	s2 =	sadd.s32 s3, s2  }
0x8d: {  	s2 =	sadd.s32 s2, s17  }
0x8e: {  	[smem:$0x3FBB] =	sst s2  }
0x8f: {  	_ = 	snop  }
0x90: {  	s2 =	sld [smem:$0x3FD0];
	(tm) =	ssettm $0x1  }
0x91: {  	s18 =	sld [smem:$0x3FFB];
	_ =	sdelay $0x3  }
0x92: {  	_ =	strace s18  }
0x93: {  	s3 =	sld [smem:$0x3FFC];
	_ =	sdelay $0x3  }
0x94: {  	_ =	strace s3  }
0x95: {  	s3 =	sld [smem:$0x3FFD];
	_ =	sdelay $0x3  }
0x96: {  	_ =	strace s3  }
0x97: {  	_ =	strace $0x8FFFFFFF  }
0x98: {  	s19 =	sld [smem:$0x3FDB];
	_ =	sdelay $0x1  }
0x99: {  	s4 =	simm.s32 $_scs_section_size  }
0x9a: {  	s5 =	simm.s32 $_size__tile_overlayer_lowered;
	s6 =	simm.s32 $_tile_overlayer_lowered  }
0x9b: {  	s22 =	simm.s32 $0x1BFF;
	s21 =	sshll.u32 s6, $0x1;
	s3 =	sadd.s32 s4, s19  }
0x9c: {  	s7 =	simm.s32 $0x0;
	s20 =	sshll.u32 s5, $0x1;
	s5 =	sadd.s32 s21, s3  }
0x9d: {  	[timem:s7], [sflag:s22] =	dma.local [hbm:s5], s20  }
0x9e: {  	_ =	swait.ge [sflag:s22], s20  }
0x9f: {  	s4 =	ssub.s32 $0x0, s20;
	[sflag:s22] =	ssyncset.done $0x0  }
0xa0: {  	[sflag:s22] =	ssyncadd.s32 s4;
	_ =	sdelay $0x1  }
0xa1: {  	s23 =	simm.s32 $0x1B8B  }
0xa2: {  	_ =	swait.ge [sflag:s23], $0x1  }
0xa3: {  	[sflag:s23] =	ssyncset.done $0x0  }
0xa4: {  	s25 =	simm.s32 $0x1B8E;
	s24 =	sld [smem:$0x3FFE];
	[sflag:s23] =	ssyncadd.s32 $0xFFFFFFFF  }
0xa5: {  	s26 =	simm.s32 $execute0_lowered;
	[smem:$0x3FD2] =	sst s25  }
0xa6: {  	s5 =	sshll.u32 s26, $0x1;
	_ =	strace $0x8000004F;
	[dreg:$0x1] =	wrdreg $0xFFFFFFFF  }
0xa7: {  	s28 =	simm.s32 $_size_execute0_lowered;
	s3 =	sadd.s32 s3, s5;
	[dreg:$0x0] =	wrdreg $0x0  }
0xa8: {  	s5 =	sshll.u32 s28, $0x1;
	[dreg:$0x2] =	wrdreg s3  }
0xa9: {  	[dreg:$0x3] =	wrdreg s5  }
0xaa: {  	[dreg:$0x4] =	wrdreg $0xC0  }
0xab: {  	_ =	task [dreg:s7], $0x5FFFF  }
0xac: {  	[dreg:$0x1] =	wrdreg $0xFFFFFFFF  }
0xad: {  	[dreg:$0x0] =	wrdreg $0x60  }
0xae: {  	[dreg:$0x2] =	wrdreg s2  }
0xaf: {  	[dreg:$0x3] =	wrdreg s24  }
0xb0: {  	[dreg:$0x4] =	wrdreg $0x9  }
0xb1: {  	_ =	task.clear_ibuf [dreg:s7], $0x5FFFF;
	_ =	strace $0x9000004F  }
0xb2: {  	s29 =	simm.s32 $0x9;
	_ =	strace $0x80000051  }
0xb3: {  	_ =	swait.ge [sflag:s29], $0x1  }
0xb4: {  	[sflag:s29] =	ssyncadd.s32 $0xFFFFFFFF  }
0xb5: {  	_ =	strace $0x90000051  }
0xb6: {  	_ =	sfence  }
0xb7: {  	s30 =	sld [smem:$0x0];
	_ =	sdelay $0x2  }
0xb8: {  	s31 =	sshll.u32 s1, $0xD;
	s1 =	sshrl.u32 s1, $0x2  }
0xb9: {  	s3 =	sand.u32 $0x4000, s31;
	s1 =	sadd.s32 s1, s30  }
0xba: {  	s0 =	sor.u32 s3, s0;
	s1 =	sshll.u32 s1, $0x11  }
0xbb: {  	s0 =	sor.u32 s1, s0  }
0xbc: {  	s0 =	sadd.s32 $0x8F2B, s0  }
0xbd: {  	[sflag:s0] =	ssyncadd.remote.s32 $0x1  }
0xbe: {  	_ =	sfence.sel $0xFFFF  }
0xbf: {  	[dreg:$0x0] =	wrdreg $0xFFFFFFFF;
	(pc) =	sbr.abs _section_cstart, $3  }
0xc0: {  	[dreg:$0x1] =	wrdreg $0xFFFFFFFF  }
0xc1: {  	_ =	task.clear_ibuf [dreg:s7], $0x2FFFF;
	_ =	strace $0x9FFFFFFF  }
0xc2: {  	(tm) =	ssettm $0x7FFFFFFF  }
0xc3: {  	_ =	shalt  }
tec
execute0_lowered:
.L_overlay_start_1:
0x0: {  	(tag) =	ssettag $0x1  }
0x1: {  	s2 =	rddreg [dreg:$0x0];
	s0 =	srdreg.scid  }
0x2: {  	s6 =	rddreg [dreg:$0x1];
	s1 =	stileid.u32  }
0x3: {  	s3 =	simm.s32 $0x0;
	s11 =	simm.s32 $0x80;
	s12 =	simm.s32 $0x100  }
0x4: {  	s13 =	simm.s32 $0x1;
	s14 =	simm.s32 $0x1400;
	s15 =	simm.s32 $0x2800  }
0x5: {  	s16 =	simm.s32 $0x3C00;
	s17 =	simm.s32 $0x9F00;
	s18 =	simm.s32 $0x0  }
0x6: {  	s5 =	sand.u32 $0x1, s0;
	s0 =	rddreg [dreg:$0x2];
	s8 =	smul.u32 $0x2780, s1  }
0x7: {  	[smem:$0x7FF] =	sst s3;
	s7 =	smul.u32 $0x27800, s5;
	s5 =	ssub.s32 $0x2, s5  }
0x8: {  	s4 =	sadd.s32 $0x4A00, s6;
	_ =	strace $0x80000050;
	s31 =	sshrl.u32 s5, $0x1  }
0x9: {  	v0 =	vlaneseq.u32;
	s7 =	sadd.s32 s8, s7;
	s10 =	ssub.s32 s5, s31;
	s5 =	sadd.s32 $0x10, s2  }
0xa: {  	v0 =	vmul.u32 $0x2, v0;
	s8 =	sshrl.u32 s7, $0x3;
	s7 =	sshrl.u32 s7, $0x2;
	s10 =	smax.u32 s10, $0x1  }
0xb: {  	s8 =	sadd.s32 s8, s6;
	s9 =	sadd.s32 s7, s6;
	s6 =	sadd.s32 $0x4A10, s6  }
0xc: {  	v1 =	vor.u32 $0x1, v0;
	s7 =	sadd.s32 $0xE800, s8;
	s8 =	sadd.s32 $0x18600, s8;
	s9 =	sadd.s32 $0x22400, s9  }
.LBB2_1:
0xd: {  	[tilespmem:s3], [sflag:$0x1] =	stream.strided.gather [hbm4b:s2+s11], $0x1400, s12, s11, $0x38;
	[tilespmem:$0xEE00] =	vst v63  }
0xe: {  	_ =	swait.ge [sflag:s13], $0x1400  }
0xf: {  	[sflag:s13] =	ssyncset.done $0x0  }
0x10: {  	[sflag:s13] =	ssyncadd.s32 $0xFFFFEC00  }
0x11: {  	[tilespmem:s14], [sflag:$0x1] =	stream.strided.gather [hbm4b:s5+s11], $0x1400, s12, s11, $0x38;
	[tilespmem:$0xEE00] =	vst v63  }
0x12: {  	_ =	swait.ge [sflag:s13], $0x1400  }
0x13: {  	[sflag:s13] =	ssyncset.done $0x0  }
0x14: {  	[sflag:s13] =	ssyncadd.s32 $0xFFFFEC00  }
0x15: {  	[tilespmem:s15], [sflag:$0x1] =	stream.strided.gather [hbm4b:s4+s11], $0x1400, s12, s11, $0x38;
	[tilespmem:$0xEE00] =	vst v63  }
0x16: {  	_ =	swait.ge [sflag:s13], $0x1400  }
0x17: {  	[sflag:s13] =	ssyncset.done $0x0  }
0x18: {  	[sflag:s13] =	ssyncadd.s32 $0xFFFFEC00  }
0x19: {  	[tilespmem:s16], [sflag:$0x1] =	stream.strided.gather [hbm4b:s6+s11], $0x1400, s12, s11, $0x38;
	[tilespmem:$0xEE00] =	vst v63  }
0x1a: {  	_ =	swait.ge [sflag:s13], $0x1400  }
0x1b: {  	[sflag:s13] =	ssyncset.done $0x0  }
0x1c: {  	s19 =	simm.s32 $0x5000;
	[sflag:s13] =	ssyncadd.s32 $0xFFFFEC00  }
0x1d: {  	[tilespmem:s19], [sflag:$0x1] =	stream.linear.gather [hbm4b:s7+s3], $0x2780, $0x38;
	[tilespmem:$0xEE00] =	vst v63  }
0x1e: {  	_ =	swait.ge [sflag:s13], $0x2780  }
0x1f: {  	[sflag:s13] =	ssyncset.done $0x0  }
0x20: {  	s20 =	simm.s32 $0x7780;
	[sflag:s13] =	ssyncadd.s32 $0xFFFFD880  }
0x21: {  	[tilespmem:s20], [sflag:$0x1] =	stream.linear.gather [hbm4b:s8+s3], $0x2780, $0x38;
	[tilespmem:$0xEE00] =	vst v63  }
0x22: {  	_ =	swait.ge [sflag:s13], $0x2780  }
0x23: {  	[sflag:s13] =	ssyncset.done $0x0  }
0x24: {  	[sflag:s13] =	ssyncadd.s32 $0xFFFFD880  }
0x25: {  	v2 =	vld [tilespmem:s19+$0x0]  }
0x26: {  	v3 =	vld [tilespmem:s20+$0x0];
	_ =	sdelay $0x6  }
0x27: {  	v4 =	vld.idx.msk [tilespmem:v2+s3+$0x0], $0xffff  }
0x28: {  	v5 =	vld.idx.msk [tilespmem:v3+s15+$0x0], $0xffff  }
0x29: {  	v6 =	vld.idx.msk [tilespmem:v2+s14+$0x0], $0xffff  }
0x2a: {  	v3 =	vld.idx.msk [tilespmem:v3+s16+$0x0], $0xffff  }
0x2b: {  	v7 =	vor.u32 s3, v0  }
0x2c: {  	v2 =	vor.u32 s3, v1;
	_ =	sdelay $0x1  }
0x2d: {  	v4 =	vadd.f32 v5, v4  }
0x2e: {  	v3 =	vadd.f32 v3, v6  }
0x2f: {  	s21 =	simm.s32 $0x20;
	[tilespmem:v7+s17+$0x0] =	vst.idx.msk $0xffff, v4  }
.LBB2_2:
0x30: {  	p0 =	sne.s32 s21, $0x4EE0;
	[tilespmem:v2+s17+$0x0] =	vst.idx.msk $0xffff, v3;
	s19 =	sadd.s32 $0x10, s19;
	s20 =	sadd.s32 $0x10, s20  }
0x31: {  	s22 =	smov.u32 s21;
	s21 =	sadd.s32 $0x20, s21;
	v2 =	vld [tilespmem:s19+$0x0];
	_ =	sdelay $0x1  }
0x32: {  	v3 =	vld [tilespmem:s20+$0x0];
	_ =	sdelay $0x5  }
0x33: {  	v4 =	vld.idx.msk [tilespmem:v2+s14+$0x0], $0xffff  }
0x34: {  	v5 =	vld.idx.msk [tilespmem:v2+s3+$0x0], $0xffff  }
0x35: {  	v6 =	vld.idx.msk [tilespmem:v3+s15+$0x0], $0xffff  }
0x36: {  	v3 =	vld.idx.msk [tilespmem:v3+s16+$0x0], $0xffff;
	_ =	sdelay $0x1  }
0x37: {  	v7 =	vor.u32 s22, v0  }
.Ltmp0:
0x38: {  	v2 =	vor.u32 s22, v1;
	(pc) =	sbr.rel @p0 .LBB2_2-.Ltmp0, $4  }
0x39: {  	_ = 	snop  }
0x3a: {  	v5 =	vadd.f32 v6, v5  }
0x3b: {  	v3 =	vadd.f32 v3, v4  }
0x3c: {  	[tilespmem:v7+s17+$0x0] =	vst.idx.msk $0xffff, v5  }
0x3d: {  	_ =	sdelay $0x1  }
0x3e: {  	s18 =	sadd.s32 $0x1, s18  }
0x3f: {  	p0 =	sne.s32 s18, s10  }
.Ltmp1:
0x40: {  	[tilespmem:v2+s17+$0x0] =	vst.idx.msk $0xffff, v3;
	(pc) =	sbr.rel @p0 .LBB2_1-.Ltmp1, $4  }
0x41: {  	[hbm4b:s9+s3] =	stream.linear.scatter [tilespmem:s17], [sflag:$0x1], $0x4F00, $0x38;
	[tilespmem:$0xEE00] =	vst v63  }
0x42: {  	_ =	swait.ge [sflag:s13], $0x4F00  }
0x43: {  	[sflag:s13] =	ssyncset.done $0x0  }
0x44: {  	[sflag:s13] =	ssyncadd.s32 $0xFFFFB100  }
0x45: {  	_ =	sfence.sel $0x180000  }
0x46: {  	[bflag:$0x0] =	sbarrier.arrive $0xFFFF  }
0x47: {  	p0 =	sne.s32 s1, $0x0;
	_ =	strace $0x90000050  }
0x48: {  	s0 =	sadd.s32 @!p0 $0x100000, s0;
	[bflag:$0x2] =	sbarrier.arrive $0xFFFF  }
0x49: {  	[sflag:s0] =	ssyncadd.tile.s32 @!p0 $0x1;
	_ =	shalt  }
.Lfunc_end2:
_tile_overlayer_lowered:
.L_overlay_start_2:
0x4a: {  	(tag) =	ssettag $0x2  }
0x4b: {  	s0 =	rddreg [dreg:$0x0];
	s2 =	stileid.u32  }
0x4c: {  	s1 =	rddreg [dreg:$0x1];
	p0 =	sne.s32 s2, $0x0  }
0x4d: {  	s3 =	rddreg [dreg:$0x2];
	[bflag:$0x3] =	sbarrier.arrive $0xFFFF;
	s2 =	simm.s32 @!p0 $0x1C01  }
0x4e: {  	[timem:s3], [sflag:s2] =	dma.local @!p0 [hbm:s0], s1  }
0x4f: {  	s0 =	simm.s32 @!p0 $0x1  }
0x50: {  	_ =	swait.ge @!p0 [sflag:s0], s1  }
0x51: {  	s1 =	ssub.s32 @!p0 $0x0, s1;
	[sflag:s0] =	ssyncset.done @!p0 $0x0  }
0x52: {  	[sflag:s0] =	ssyncadd.s32 @!p0 s1  }
0x53: {  	[bflag:$0x3] =	sbarrier.arrive $0xFFFF  }
0x54: {  	_ =	shalt  }

// kernel: kernel.8.cloned.1.call-start
scs
__scs_entry_jumppad:
0x0: {  	(pc) =	sbr.rel $0x88, $3  }
0x1: {  	(tag) =	ssettag $0x0;
	lr =	simm.s32 $0x1  }
0x2: {  	[smem:$0x3F94] =	sst lr;
	_ =	strace $0xD0000000  }
0x3: {  	_ = 	snop  }
0x4: {  	_ = 	snop  }
0x5: {  	_ = 	snop  }
0x6: {  	_ = 	snop  }
0x7: {  	_ = 	snop  }
__scs_overlays_trampoline_lowered:
0x8: {  	[smem:$0x3FA3] =	sst s0  }
0x9: {  	[smem:$0x3FA4] =	sst s1  }
0xa: {  	[smem:$0x3FA5] =	sst s2  }
0xb: {  	[smem:$0x3FA6] =	sst s3  }
0xc: {  	[smem:$0x3FA7] =	sst s4  }
0xd: {  	[smem:$0x3FA8] =	sst s5  }
0xe: {  	[smem:$0x3FA9] =	sst s6  }
0xf: {  	[smem:$0x3FAA] =	sst s7  }
0x10: {  	[smem:$0x3FAB] =	sst s8  }
0x11: {  	[smem:$0x3FAC] =	sst s9;
	s0 =	simm.s32 @!p0 $0x0  }
0x12: {  	s1 =	sld [smem:$0x3F92];
	s0 =	simm.s32 @p0 $0x1  }
0x13: {  	[smem:$0x3FAD] =	sst s0;
	s0 =	simm.s32 @!p1 $0x0  }
0x14: {  	s2 =	sld [smem:$0x3F91];
	s0 =	simm.s32 @p1 $0x1  }
0x15: {  	[smem:$0x3FAE] =	sst s0;
	s0 =	simm.s32 @!p2 $0x0  }
0x16: {  	s3 =	sld [smem:$0x3FDB];
	s0 =	simm.s32 @p2 $0x1  }
0x17: {  	s4 =	simm.s32 $0x1BF5;
	[smem:$0x3FB0] =	sst s0  }
0x18: {  	s0 =	sld [smem:$0x3F93];
	_ =	swait.ge [sflag:s4], $0x0  }
0x19: {  	s7 =	sld [smem:$0x3F94]  }
0x1a: {  	s8 =	sadd.s32 $0xFFFFE003, lr  }
0x1b: {  	s9 =	sadd.s32 $0xFFFFFEF7, lr;
	s5 =	simm.s32 $0xFFFFFFFF;
	p2 =	slt.u32 s8, $0xFFFFF086  }
0x1c: {  	p1 =	slt.u32 s9, $0xF7A;
	s5 =	simm.s32 @!p2 $0x0  }
0x1d: {  	s5 =	simm.s32 @p1 $0x1;
	p0 =	seq.s32 s7, s2  }
0x1e: {  	s7 =	smul.u32 @!p0 $0xF7A, s2;
	p2 =	seq.s32 @!p0 s5, $0x0  }
0x1f: {  	s9 =	smul.u32 $0xF7A, s1;
	s8 =	simm.s32 @!p0 $0x1BF5;
	p2 =	por !p2, p0  }
0x20: {  	[sflag:s8] =	ssyncset.s32 @!p0 $0xFFFFF086;
	s6 =	sadd.s32 @!p0 s3, s7;
	s7 =	simm.s32 @!p0 $0x108  }
0x21: {  	s3 =	sadd.s32 s3, s9;
	s6 =	sadd.s32 @!p0 $0x88, s6;
	s7 =	simm.s32 @p2 $0x1082  }
0x22: {  	[simem:s7], [sflag:s8] =	dma.local @!p0 [hbm:s6], $0xF7A  }
0x23: {  	s9 =	sor.u32 $0xD0000000, s2;
	s6 =	simm.s32 $0x108;
	_ =	swait.ge @!p0 [sflag:s8], $0x0  }
0x24: {  	s3 =	sadd.s32 $0x88, s3;
	s6 =	simm.s32 @!p1 $0x1082;
	[sflag:s4] =	ssyncset.s32 $0xFFFFF086  }
0x25: {  	[simem:s6], [sflag:s4] =	dma.local [hbm:s3], $0xF7A  }
0x26: {  	[smem:$0x3F94] =	sst s1;
	(tag) =	ssettag s2;
	_ =	strace s9  }
0x27: {  	s1 =	sld [smem:$0x3FA4]  }
0x28: {  	s2 =	sld [smem:$0x3FA5]  }
0x29: {  	s4 =	sld [smem:$0x3FA7]  }
0x2a: {  	p0 =	seq.s32 s5, $0x0;
	s5 =	sld [smem:$0x3FA8]  }
0x2b: {  	s6 =	sld [smem:$0x3FA9]  }
0x2c: {  	s7 =	sld [smem:$0x3FAA]  }
0x2d: {  	s3 =	simm.s32 $0x108;
	s8 =	sld [smem:$0x3FAB]  }
0x2e: {  	s3 =	simm.s32 @!p0 $0x1082;
	s9 =	sld [smem:$0x3FAC]  }
0x2f: {  	lr =	sadd.s32 s0, s3;
	s0 =	sld [smem:$0x3FA3]  }
0x30: {  	s3 =	sld [smem:$0x3FA6]  }
0x31: {  	[smem:$0x3FAF] =	sst s10  }
0x32: {  	s10 =	sld [smem:$0x3FAD];
	_ =	sdelay $0x3  }
0x33: {  	p0 =	seq.s32 s10, $0x1;
	s10 =	sld [smem:$0x3FAF];
	_ =	sdelay $0x3  }
0x34: {  	[smem:$0x3FAF] =	sst s10  }
0x35: {  	s10 =	sld [smem:$0x3FAE];
	_ =	sdelay $0x3  }
0x36: {  	p1 =	seq.s32 s10, $0x1;
	s10 =	sld [smem:$0x3FAF];
	_ =	sdelay $0x3  }
0x37: {  	[smem:$0x3FAF] =	sst s10  }
0x38: {  	s10 =	sld [smem:$0x3FB0]  }
0x39: {  	_ = 	snop;
	(pc) =	sbr.ind lr, $3  }
0x3a: {  	_ = 	snop  }
0x3b: {  	_ = 	snop  }
0x3c: {  	p2 =	seq.s32 s10, $0x1;
	s10 =	sld [smem:$0x3FAF]  }
0x3d: {  	_ =	shalt  }
0x3e: {  	_ =	shalt  }
0x3f: {  	_ =	shalt  }
0x40: {  	_ =	shalt  }
0x41: {  	_ =	shalt  }
0x42: {  	_ =	shalt  }
0x43: {  	_ =	shalt  }
0x44: {  	_ =	shalt  }
0x45: {  	_ =	shalt  }
0x46: {  	_ =	shalt  }
0x47: {  	_ =	shalt  }
0x48: {  	_ =	shalt  }
0x49: {  	_ =	shalt  }
0x4a: {  	_ =	shalt  }
0x4b: {  	_ =	shalt  }
0x4c: {  	_ =	shalt  }
0x4d: {  	_ =	shalt  }
0x4e: {  	_ =	shalt  }
0x4f: {  	_ =	shalt  }
0x50: {  	_ =	shalt  }
0x51: {  	_ =	shalt  }
0x52: {  	_ =	shalt  }
0x53: {  	_ =	shalt  }
0x54: {  	_ =	shalt  }
0x55: {  	_ =	shalt  }
0x56: {  	_ =	shalt  }
0x57: {  	_ =	shalt  }
0x58: {  	_ =	shalt  }
0x59: {  	_ =	shalt  }
0x5a: {  	_ =	shalt  }
0x5b: {  	_ =	shalt  }
0x5c: {  	_ =	shalt  }
0x5d: {  	_ =	shalt  }
0x5e: {  	_ =	shalt  }
0x5f: {  	_ =	shalt  }
0x60: {  	_ =	shalt  }
0x61: {  	_ =	shalt  }
0x62: {  	_ =	shalt  }
0x63: {  	_ =	shalt  }
0x64: {  	_ =	shalt  }
0x65: {  	_ =	shalt  }
0x66: {  	_ =	shalt  }
0x67: {  	_ =	shalt  }
0x68: {  	_ =	shalt  }
0x69: {  	_ =	shalt  }
0x6a: {  	_ =	shalt  }
0x6b: {  	_ =	shalt  }
0x6c: {  	_ =	shalt  }
0x6d: {  	_ =	shalt  }
0x6e: {  	_ =	shalt  }
0x6f: {  	_ =	shalt  }
0x70: {  	_ =	shalt  }
0x71: {  	_ =	shalt  }
0x72: {  	_ =	shalt  }
0x73: {  	_ =	shalt  }
0x74: {  	_ =	shalt  }
0x75: {  	_ =	shalt  }
0x76: {  	_ =	shalt  }
0x77: {  	_ =	shalt  }
0x78: {  	_ =	shalt  }
0x79: {  	_ =	shalt  }
0x7a: {  	_ =	shalt  }
0x7b: {  	_ =	shalt  }
0x7c: {  	_ =	shalt  }
0x7d: {  	_ =	shalt  }
0x7e: {  	_ =	shalt  }
0x7f: {  	_ =	shalt  }
0x80: {  	_ =	shalt  }
0x81: {  	_ =	shalt  }
0x82: {  	_ =	shalt  }
0x83: {  	_ =	shalt  }
0x84: {  	_ =	shalt  }
0x85: {  	_ =	shalt  }
0x86: {  	_ =	shalt  }
0x87: {  	_ =	shalt  }
.Lfunc_end0:
.L_simem_size_0:
called_computation_lowered:
.L_overlay_start_0:
0x88: {  	s2 =	sld [smem:$0x3FD9]  }
0x89: {  	s3 =	sld [smem:$0x3FFE];
	_ =	sdelay $0x1  }
0x8a: {  	s1 =	srdreg.scid  }
0x8b: {  	s0 =	sand.u32 $0x1, s1  }
0x8c: {  	s17 =	sshll.u32 s0, $0xA;
	s2 =	sadd.s32 s3, s2  }
0x8d: {  	s2 =	sadd.s32 s2, s17  }
0x8e: {  	[smem:$0x3FBB] =	sst s2  }
0x8f: {  	_ = 	snop  }
0x90: {  	s2 =	sld [smem:$0x3FD0];
	(tm) =	ssettm $0x1  }
0x91: {  	s18 =	sld [smem:$0x3FFB];
	_ =	sdelay $0x3  }
0x92: {  	_ =	strace s18  }
0x93: {  	s3 =	sld [smem:$0x3FFC];
	_ =	sdelay $0x3  }
0x94: {  	_ =	strace s3  }
0x95: {  	s3 =	sld [smem:$0x3FFD];
	_ =	sdelay $0x3  }
0x96: {  	_ =	strace s3  }
0x97: {  	_ =	strace $0x8FFFFFFF  }
0x98: {  	s19 =	sld [smem:$0x3FDB];
	_ =	sdelay $0x1  }
0x99: {  	s4 =	simm.s32 $_scs_section_size  }
0x9a: {  	s5 =	simm.s32 $_size__tile_overlayer_lowered;
	s6 =	simm.s32 $_tile_overlayer_lowered  }
0x9b: {  	s22 =	simm.s32 $0x1BFF;
	s21 =	sshll.u32 s6, $0x1;
	s3 =	sadd.s32 s4, s19  }
0x9c: {  	s7 =	simm.s32 $0x0;
	s20 =	sshll.u32 s5, $0x1;
	s5 =	sadd.s32 s21, s3  }
0x9d: {  	[timem:s7], [sflag:s22] =	dma.local [hbm:s5], s20  }
0x9e: {  	_ =	swait.ge [sflag:s22], s20  }
0x9f: {  	s4 =	ssub.s32 $0x0, s20;
	[sflag:s22] =	ssyncset.done $0x0  }
0xa0: {  	[sflag:s22] =	ssyncadd.s32 s4;
	_ =	sdelay $0x1  }
0xa1: {  	s23 =	simm.s32 $0x1B8B  }
0xa2: {  	_ =	swait.ge [sflag:s23], $0x1  }
0xa3: {  	[sflag:s23] =	ssyncset.done $0x0  }
0xa4: {  	s25 =	simm.s32 $0x1B8E;
	s24 =	sld [smem:$0x3FFE];
	[sflag:s23] =	ssyncadd.s32 $0xFFFFFFFF  }
0xa5: {  	s26 =	simm.s32 $execute0_lowered;
	[smem:$0x3FD2] =	sst s25  }
0xa6: {  	s5 =	sshll.u32 s26, $0x1;
	_ =	strace $0x80000046;
	[dreg:$0x1] =	wrdreg $0xFFFFFFFF  }
0xa7: {  	s28 =	simm.s32 $_size_execute0_lowered;
	s3 =	sadd.s32 s3, s5;
	[dreg:$0x0] =	wrdreg $0x0  }
0xa8: {  	s5 =	sshll.u32 s28, $0x1;
	[dreg:$0x2] =	wrdreg s3  }
0xa9: {  	[dreg:$0x3] =	wrdreg s5  }
0xaa: {  	[dreg:$0x4] =	wrdreg $0xC0  }
0xab: {  	_ =	task [dreg:s7], $0x5FFFF  }
0xac: {  	[dreg:$0x1] =	wrdreg $0xFFFFFFFF  }
0xad: {  	[dreg:$0x0] =	wrdreg $0x60  }
0xae: {  	[dreg:$0x2] =	wrdreg s2  }
0xaf: {  	[dreg:$0x3] =	wrdreg s24  }
0xb0: {  	[dreg:$0x4] =	wrdreg $0x9  }
0xb1: {  	_ =	task.clear_ibuf [dreg:s7], $0x5FFFF;
	_ =	strace $0x90000046  }
0xb2: {  	s29 =	simm.s32 $0x9;
	_ =	strace $0x80000048  }
0xb3: {  	_ =	swait.ge [sflag:s29], $0x1  }
0xb4: {  	[sflag:s29] =	ssyncadd.s32 $0xFFFFFFFF  }
0xb5: {  	_ =	strace $0x90000048  }
0xb6: {  	_ =	sfence  }
0xb7: {  	s30 =	sld [smem:$0x0];
	_ =	sdelay $0x2  }
0xb8: {  	s31 =	sshll.u32 s1, $0xD;
	s1 =	sshrl.u32 s1, $0x2  }
0xb9: {  	s3 =	sand.u32 $0x4000, s31;
	s1 =	sadd.s32 s1, s30  }
0xba: {  	s0 =	sor.u32 s3, s0;
	s1 =	sshll.u32 s1, $0x11  }
0xbb: {  	s0 =	sor.u32 s1, s0  }
0xbc: {  	s0 =	sadd.s32 $0x8F2B, s0  }
0xbd: {  	[sflag:s0] =	ssyncadd.remote.s32 $0x1  }
0xbe: {  	_ =	sfence.sel $0xFFFF  }
0xbf: {  	[dreg:$0x0] =	wrdreg $0xFFFFFFFF;
	(pc) =	sbr.abs _section_cstart, $3  }
0xc0: {  	[dreg:$0x1] =	wrdreg $0xFFFFFFFF  }
0xc1: {  	_ =	task.clear_ibuf [dreg:s7], $0x2FFFF;
	_ =	strace $0x9FFFFFFF  }
0xc2: {  	(tm) =	ssettm $0x7FFFFFFF  }
0xc3: {  	_ =	shalt  }
tec
execute0_lowered:
.L_overlay_start_1:
0x0: {  	(tag) =	ssettag $0x1  }
0x1: {  	s3 =	rddreg [dreg:$0x0]  }
0x2: {  	s6 =	rddreg [dreg:$0x1]  }
0x3: {  	s0 =	srdreg.scid;
	s1 =	rddreg [dreg:$0x2];
	s2 =	simm.s32 $0x0  }
0x4: {  	s11 =	simm.s32 $0x1400;
	s12 =	simm.s32 $0x80;
	s4 =	sand.u32 $0x1, s0  }
0x5: {  	s13 =	simm.s32 $0x400;
	s0 =	stileid.u32;
	s5 =	smul.u32 $0x27800, s4  }
0x6: {  	s14 =	simm.s32 $0x0;
	[smem:$0x7FF] =	sst s2;
	s7 =	smul.u32 $0x14000, s4  }
0x7: {  	s8 =	sshrl.u32 s0, $0x3;
	s9 =	smul.u32 $0x2780, s0;
	s10 =	sshll.u32 s0, $0x7  }
0x8: {  	_ =	strace $0x80000047;
	s4 =	ssub.s32 $0x2, s4;
	s8 =	smul.u32 $0xA000, s8  }
0x9: {  	s28 =	sand.u32 $0x380, s10;
	s29 =	sshrl.u32 s4, $0x1;
	s10 =	simm.s32 $0x4F80  }
0xa: {  	s5 =	sadd.s32 s9, s5;
	s31 =	ssub.s32 s4, s29;
	s7 =	sadd.s32 s7, s8  }
0xb: {  	s9 =	simm.s32 $0x1;
	s5 =	sshrl.u32 s5, $0x3;
	s7 =	sor.u32 s28, s7  }
0xc: {  	s8 =	simm.s32 $0x2800;
	s30 =	sadd.s32 s5, s6;
	s7 =	sshrl.u32 s7, $0x3  }
0xd: {  	s3 =	sadd.s32 s3, s5;
	s4 =	sadd.s32 $0x4A00, s30;
	s6 =	sadd.s32 s7, s6  }
0xe: {  	v0 =	vimm.f32 $0.0e+00;
	v1 =	vimm.f32 $1.000000000e+00;
	s7 =	smax.u32 s31, $0x1;
	s5 =	sadd.s32 $0x22400, s6;
	s6 =	sadd.s32 $0x27400, s6  }
.LBB2_1:
0xf: {  	[tilespmem:s8], [sflag:$0x1] =	stream.linear.gather [hbm4b:s3+s2], $0x2780, $0x38;
	[tilespmem:$0x7700] =	vst v63  }
0x10: {  	_ =	swait.ge [sflag:s9], $0x2780  }
0x11: {  	[sflag:s9] =	ssyncset.done $0x0  }
0x12: {  	[sflag:s9] =	ssyncadd.s32 $0xFFFFD880  }
0x13: {  	[tilespmem:s10], [sflag:$0x1] =	stream.linear.gather [hbm4b:s4+s2], $0x2780, $0x38;
	[tilespmem:$0x7700] =	vst v63  }
0x14: {  	_ =	swait.ge [sflag:s9], $0x2780  }
0x15: {  	[sflag:s9] =	ssyncset.done $0x0  }
0x16: {  	s15 =	simm.s32 $0x0;
	[sflag:s9] =	ssyncadd.s32 $0xFFFFD880  }
.LBB2_2:
0x17: {  	p0 =	sne.s32 s15, $0x4FC0  }
.Ltmp0:
0x18: {  	_ = 	snop;
	(pc) =	sbr.rel @p0 .LBB2_2-.Ltmp0, $4  }
0x19: {  	_ = 	snop  }
0x1a: {  	s16 =	sshra.s32 s15, $0x2  }
0x1b: {  	[tilespmem:s16+$0x0] =	vst v0  }
0x1c: {  	s15 =	sadd.s32 $0x40, s15;
	[tilespmem:s16+$0x1400] =	vst v0  }
0x1d: {  	s16 =	simm.s32 $0x0;
	s15 =	simm.s32 $0x40  }
.LBB2_4:
0x1e: {  	p0 =	sne.s32 s15, $0x9DC0;
	v2 =	vld [tilespmem:s16+$0x4F80];
	_ =	sdelay $0x7  }
0x1f: {  	[tilespmem:v2+s2+$0x0] =	vst.idx.add.f32.msk $0xffff, v1  }
0x20: {  	v2 =	vld [tilespmem:s16+$0x2800];
	_ =	sdelay $0x3  }
.Ltmp1:
0x21: {  	(pc) =	sbr.rel @p0 .LBB2_4-.Ltmp1, $2  }
0x22: {  	_ =	sdelay $0x2  }
0x23: {  	s16 =	sshra.s32 s15, $0x2;
	s15 =	sadd.s32 $0x40, s15;
	[tilespmem:v2+s11+$0x0] =	vst.idx.add.f32.msk $0xffff, v1  }
0x24: {  	v2 =	vld [tilespmem:s16+$0x4F80];
	_ =	sdelay $0x7  }
0x25: {  	[tilespmem:v2+s2+$0x0] =	vst.idx.add.f32.msk $0xffff, v1  }
0x26: {  	v2 =	vld [tilespmem:s16+$0x2800];
	_ =	sdelay $0x7  }
0x27: {  	[tilespmem:v2+s11+$0x0] =	vst.idx.add.f32.msk $0xffff, v1  }
0x28: {  	[hbm4b:s5+s12] =	stream.strided.scatter [tilespmem:s2], [sflag:$0x1], $0x1400, s13, s12, $0x38;
	[tilespmem:$0x7700] =	vst v63  }
0x29: {  	s14 =	sadd.s32 $0x1, s14;
	_ =	swait.ge [sflag:s9], $0x1400  }
0x2a: {  	p0 =	sne.s32 s14, s7;
	[sflag:s9] =	ssyncset.done $0x0  }
.Ltmp2:
0x2b: {  	[sflag:s9] =	ssyncadd.s32 $0xFFFFEC00;
	(pc) =	sbr.rel @p0 .LBB2_1-.Ltmp2, $4  }
0x2c: {  	[hbm4b:s6+s12] =	stream.strided.scatter [tilespmem:s11], [sflag:$0x1], $0x1400, s13, s12, $0x38;
	[tilespmem:$0x7700] =	vst v63  }
0x2d: {  	_ =	swait.ge [sflag:s9], $0x1400  }
0x2e: {  	[sflag:s9] =	ssyncset.done $0x0  }
0x2f: {  	[sflag:s9] =	ssyncadd.s32 $0xFFFFEC00  }
0x30: {  	_ =	sfence.sel $0x180000  }
0x31: {  	[bflag:$0x0] =	sbarrier.arrive $0xFFFF  }
0x32: {  	p0 =	sne.s32 s0, $0x0;
	_ =	strace $0x90000047  }
0x33: {  	s0 =	sadd.s32 @!p0 $0x100000, s1;
	[bflag:$0x2] =	sbarrier.arrive $0xFFFF  }
0x34: {  	[sflag:s0] =	ssyncadd.tile.s32 @!p0 $0x1;
	_ =	shalt  }
.Lfunc_end2:
_tile_overlayer_lowered:
.L_overlay_start_2:
0x35: {  	(tag) =	ssettag $0x2  }
0x36: {  	s0 =	rddreg [dreg:$0x0];
	s2 =	stileid.u32  }
0x37: {  	s1 =	rddreg [dreg:$0x1];
	p0 =	sne.s32 s2, $0x0  }
0x38: {  	s3 =	rddreg [dreg:$0x2];
	[bflag:$0x3] =	sbarrier.arrive $0xFFFF;
	s2 =	simm.s32 @!p0 $0x1C01  }
0x39: {  	[timem:s3], [sflag:s2] =	dma.local @!p0 [hbm:s0], s1  }
0x3a: {  	s0 =	simm.s32 @!p0 $0x1  }
0x3b: {  	_ =	swait.ge @!p0 [sflag:s0], s1  }
0x3c: {  	s1 =	ssub.s32 @!p0 $0x0, s1;
	[sflag:s0] =	ssyncset.done @!p0 $0x0  }
0x3d: {  	[sflag:s0] =	ssyncadd.s32 @!p0 s1  }
0x3e: {  	[bflag:$0x3] =	sbarrier.arrive $0xFFFF  }
0x3f: {  	_ =	shalt  }

</sc_bundles>
